<compile_context>
chip_gen: v7x
topology: tpu7x:2x2x1
jax: 0.10.2.dev20260603
libtpu: 0.0.44.dev20260713+nightly
codegen_flags: <defaults>
</compile_context>

<pallas_src>
import jax
import jax.numpy as jnp
from jax import lax
from jax.experimental import pallas as pl
from jax.experimental.pallas import tpu as pltpu
from jax.experimental.pallas import tpu_sc as plsc

N_CLS = 1000
FEAT_DIM = 512
BATCH = 1024
PROTO_M = 0.95
TEMPERATURE = 0.1
BASE_TEMPERATURE = 0.1

_RPW = 32
_NW = 32
_TAIL = N_CLS - (_NW - 1) * _RPW
_L = 16
_FCH = FEAT_DIM // _L
_BP = BATCH + _NW * (_L - 1) + _L


def _prep_body(lab_row_ref, lab_col_ref, feat_ref, fperm_ref, labbc_ref,
               ocnt_ref):
    lr = lab_row_ref[...].astype(jnp.float32)
    lc = lab_col_ref[...].astype(jnp.float32)
    wr = jnp.floor(lr * (1.0 / _RPW))
    wc = jnp.floor(lc * (1.0 / _RPW))

    ii = lax.broadcasted_iota(jnp.int32, (BATCH, BATCH), 0)
    jj = lax.broadcasted_iota(jnp.int32, (BATCH, BATCH), 1)
    same_w = (wc == wr).astype(jnp.float32)
    before = (jj < ii).astype(jnp.float32)
    slot = jnp.sum(same_w * before, axis=1, keepdims=True)

    wi = lax.broadcasted_iota(jnp.int32, (_NW, BATCH), 0).astype(jnp.float32)
    wonehot = (wi == wr).astype(jnp.float32)
    cnt = jnp.sum(wonehot, axis=1, keepdims=True)
    cnt_al = jnp.ceil(cnt * (1.0 / _L)) * _L
    tri = (lax.broadcasted_iota(jnp.int32, (_NW, _NW), 1)
           < lax.broadcasted_iota(jnp.int32, (_NW, _NW), 0)).astype(
               jnp.float32)
    off = lax.dot_general(tri, cnt_al, (((1,), (0,)), ((), ())),
                          preferred_element_type=jnp.float32)

    wrow = lax.broadcasted_iota(jnp.int32, (1, _NW), 1).astype(jnp.float32)
    myoff = lax.dot_general(
        (wc == wrow).astype(jnp.float32), off,
        (((1,), (0,)), ((), ())), preferred_element_type=jnp.float32)
    pos = myoff + slot
    sel = (lax.broadcasted_iota(jnp.int32, (BATCH, _BP), 1).astype(
        jnp.float32) == pos).astype(jnp.float32)

    fperm_ref[...] = lax.dot_general(
        sel, feat_ref[...] * jnp.float32(1.0 - PROTO_M),
        (((0,), (0,)), ((), ())),
        preferred_element_type=jnp.float32)
    lab_bc = jnp.broadcast_to(lc, (BATCH, _L))
    labbc_ref[...] = lax.dot_general(
        sel, lab_bc, (((0,), (0,)), ((), ())),
        preferred_element_type=jnp.float32).astype(jnp.int32)
    li = lax.broadcasted_iota(jnp.int32, (_NW, _L), 1)
    ocnt = (jnp.broadcast_to(off, (_NW, _L)) * (li == 0)
            + jnp.broadcast_to(cnt, (_NW, _L)) * (li == 1))
    ocnt_ref[...] = ocnt.astype(jnp.int32)


def _prep(labels, features):
    return pl.pallas_call(
        _prep_body,
        out_shape=[
            jax.ShapeDtypeStruct((_BP, FEAT_DIM), jnp.float32),
            jax.ShapeDtypeStruct((_BP, _L), jnp.int32),
            jax.ShapeDtypeStruct((_NW, _L), jnp.int32),
        ],
        in_specs=[
            pl.BlockSpec(memory_space=pltpu.VMEM),
            pl.BlockSpec(memory_space=pltpu.VMEM),
            pl.BlockSpec(memory_space=pltpu.VMEM),
        ],
        out_specs=[
            pl.BlockSpec(memory_space=pltpu.VMEM),
            pl.BlockSpec(memory_space=pltpu.VMEM),
            pl.BlockSpec(memory_space=pltpu.VMEM),
        ],
    )(labels.reshape(1, BATCH), labels.reshape(BATCH, 1), features)


def _sc_body(labbc_hbm, ocnt_hbm, feat_hbm, proto_hbm, out_hbm, scl_hbm,
             ocnt_v, blk_v, fbuf_v, labseg_v, scl_v,
             sem1, semf0, semf1):
    wid = lax.axis_index("c") * 16 + lax.axis_index("s")
    lo = pl.multiple_of(wid * _RPW, _RPW)
    rpw = jnp.minimum(jnp.int32(_RPW), jnp.int32(N_CLS) - wid * _RPW)

    cdesc = pltpu.async_copy(ocnt_hbm.at[pl.ds(wid * _L, _L)], ocnt_v, sem1)

    @pl.when(wid < _NW - 1)
    def _full_blk():
        pltpu.sync_copy(proto_hbm.at[pl.ds(lo, _RPW)], blk_v)

    @pl.when(wid == _NW - 1)
    def _tail_blk():
        pltpu.sync_copy(proto_hbm.at[pl.ds(lo, _TAIL)],
                        blk_v.at[pl.ds(0, _TAIL)])

    cdesc.wait()
    v = ocnt_v[pl.ds(0, _L)]
    o = v[0]
    n = v[1]
    nch = (n + (_L - 1)) >> 4

    row0 = pl.multiple_of(o, _L)
    pltpu.async_copy(feat_hbm.at[pl.ds(row0, _L)],
                     fbuf_v.at[pl.ds(0, _L)], semf0)
    pltpu.async_copy(labbc_hbm.at[pl.ds(row0, _L)],
                     labseg_v.at[pl.ds(0, _L)], semf0)

    ones = jnp.full((_L,), 1.0, jnp.float32)

    def init_scl(r, carry):
        scl_v[r, pl.ds(0, _L)] = ones
        return carry

    lax.fori_loop(0, _RPW, init_scl, 0, unroll=4)

    lane = lax.iota(jnp.int32, _L)

    def do_update(l_scalar, j):
        r = l_scalar - lo
        g = scl_v[r, pl.ds(0, _L)]
        mg = g * PROTO_M

        def ema(ci, accs):
            a0, a1, a2, a3 = accs
            out = []
            for u, a in ((0, a0), (1, a1), (2, a2), (3, a3)):
                cc = ci * 4 + u
                p = (blk_v[r, pl.ds(cc * _L, _L)] * mg
                     + fbuf_v[j, pl.ds(cc * _L, _L)])
                blk_v[r, pl.ds(cc * _L, _L)] = p
                out.append(a + p * p)
            return tuple(out)

        z = jnp.zeros((_L,), jnp.float32)
        a0, a1, a2, a3 = lax.fori_loop(0, _FCH // 4, ema, (z, z, z, z),
                                       unroll=2)
        s = (a0 + a1) + (a2 + a3)
        for sh in (8, 4, 2, 1):
            s = s + s[lane ^ sh]
        si = lax.bitcast_convert_type(s, jnp.int32)
        yi = jnp.int32(0x5F3759DF) - (si >> 1)
        y = lax.bitcast_convert_type(yi, jnp.float32)
        for _ in range(3):
            y = y * (1.5 - 0.5 * s * y * y)
        scl_v[r, pl.ds(0, _L)] = jnp.minimum(y, jnp.float32(1e12))

    def chunk_step(k, carry):
        even = (k & 1) == 0
        nrow = pl.multiple_of(o + (k + 1) * _L, _L)
        crow = pl.multiple_of(o + k * _L, _L)

        @pl.when(even)
        def _issue_odd():
            pltpu.async_copy(feat_hbm.at[pl.ds(nrow, _L)],
                             fbuf_v.at[pl.ds(_L, _L)], semf1)
            pltpu.async_copy(labbc_hbm.at[pl.ds(nrow, _L)],
                             labseg_v.at[pl.ds(_L, _L)], semf1)

        @pl.when(jnp.logical_not(even))
        def _issue_even():
            pltpu.async_copy(feat_hbm.at[pl.ds(nrow, _L)],
                             fbuf_v.at[pl.ds(0, _L)], semf0)
            pltpu.async_copy(labbc_hbm.at[pl.ds(nrow, _L)],
                             labseg_v.at[pl.ds(0, _L)], semf0)

        @pl.when(even)
        def _wait_even():
            pltpu.make_async_copy(feat_hbm.at[pl.ds(crow, _L)],
                                  fbuf_v.at[pl.ds(0, _L)], semf0).wait()
            pltpu.make_async_copy(labbc_hbm.at[pl.ds(crow, _L)],
                                  labseg_v.at[pl.ds(0, _L)], semf0).wait()

        @pl.when(jnp.logical_not(even))
        def _wait_odd():
            pltpu.make_async_copy(feat_hbm.at[pl.ds(crow, _L)],
                                  fbuf_v.at[pl.ds(_L, _L)], semf1).wait()
            pltpu.make_async_copy(labbc_hbm.at[pl.ds(crow, _L)],
                                  labseg_v.at[pl.ds(_L, _L)], semf1).wait()

        base = (k & 1) * _L
        m = jnp.minimum(n - k * _L, _L)

        def samp(j, c2_):
            l = labseg_v[base + j, pl.ds(0, _L)][0]
            do_update(l, base + j)
            return c2_

        lax.fori_loop(0, m, samp, 0)
        return carry

    lax.fori_loop(0, nch, chunk_step, 0)

    drow = pl.multiple_of(o + nch * _L, _L)

    @pl.when((nch & 1) == 0)
    def _drain_even():
        pltpu.make_async_copy(feat_hbm.at[pl.ds(drow, _L)],
                              fbuf_v.at[pl.ds(0, _L)], semf0).wait()
        pltpu.make_async_copy(labbc_hbm.at[pl.ds(drow, _L)],
                              labseg_v.at[pl.ds(0, _L)], semf0).wait()

    @pl.when((nch & 1) == 1)
    def _drain_odd():
        pltpu.make_async_copy(feat_hbm.at[pl.ds(drow, _L)],
                              fbuf_v.at[pl.ds(_L, _L)], semf1).wait()
        pltpu.make_async_copy(labbc_hbm.at[pl.ds(drow, _L)],
                              labseg_v.at[pl.ds(_L, _L)], semf1).wait()

    @pl.when(wid < _NW - 1)
    def _full_out():
        pltpu.sync_copy(blk_v, out_hbm.at[pl.ds(lo, _RPW)])
        pltpu.sync_copy(scl_v, scl_hbm.at[pl.ds(lo, _RPW)])

    @pl.when(wid == _NW - 1)
    def _tail_out():
        pltpu.sync_copy(blk_v.at[pl.ds(0, _TAIL)],
                        out_hbm.at[pl.ds(lo, _TAIL)])
        pltpu.sync_copy(scl_v.at[pl.ds(0, _TAIL)],
                        scl_hbm.at[pl.ds(lo, _TAIL)])


def _sc_update(labbc, ocnt, fperm, prototypes):
    mesh = plsc.VectorSubcoreMesh(core_axis_name="c", subcore_axis_name="s")
    return pl.kernel(
        _sc_body,
        out_type=[
            jax.ShapeDtypeStruct((N_CLS, FEAT_DIM), jnp.float32),
            jax.ShapeDtypeStruct((N_CLS, _L), jnp.float32),
        ],
        mesh=mesh,
        scratch_types=[
            pltpu.VMEM((_L,), jnp.int32),
            pltpu.VMEM((_RPW, FEAT_DIM), jnp.float32),
            pltpu.VMEM((2 * _L, FEAT_DIM), jnp.float32),
            pltpu.VMEM((2 * _L, _L), jnp.int32),
            pltpu.VMEM((_RPW, _L), jnp.float32),
            pltpu.SemaphoreType.DMA,
            pltpu.SemaphoreType.DMA,
            pltpu.SemaphoreType.DMA,
        ],
    )(labbc, ocnt.reshape(-1), fperm, prototypes)


def _loss_body(proto_ref, scl_ref, out_ref):
    g = scl_ref[...][:, 0:1]
    protos = proto_ref[...] * g
    logits = lax.dot_general(
        protos, protos, (((1,), (1,)), ((), ())),
        preferred_element_type=jnp.float32) * (1.0 / TEMPERATURE)
    e = jnp.exp(logits)
    ri = lax.broadcasted_iota(jnp.int32, (N_CLS, N_CLS), 0)
    ci = lax.broadcasted_iota(jnp.int32, (N_CLS, N_CLS), 1)
    e = jnp.where(ri == ci, 0.0, e)
    s = jnp.sum(e, axis=1)
    mpn = jnp.log(s * (1.0 / (N_CLS - 1)))
    nan = jnp.isnan(mpn)
    total = jnp.sum(jnp.where(nan, 0.0, mpn))
    cnt = jnp.sum(jnp.where(nan, 0.0, 1.0))
    out_ref[0, 0] = (TEMPERATURE / BASE_TEMPERATURE) * total / cnt


def kernel(features, labels, prototypes):
    labels = labels.astype(jnp.int32)
    fperm, labbc, ocnt = _prep(labels, features)
    upd, scl = _sc_update(labbc, ocnt, fperm, prototypes)
    out = pl.pallas_call(
        _loss_body,
        out_shape=jax.ShapeDtypeStruct((1, 1), jnp.float32),
        in_specs=[pl.BlockSpec(memory_space=pltpu.VMEM),
                  pl.BlockSpec(memory_space=pltpu.VMEM)],
        out_specs=pl.BlockSpec(memory_space=pltpu.SMEM),
    )(upd, scl)
    return out[0, 0]

# --- scband reference (transcript-rebuilt; emitter-appended) ---
"""Pipeline reference for scband-disp-loss-65438121721952 (READ-ONLY COPY).

The authoritative reference and input builder live on the scoring server;
editing this copy changes nothing except your own understanding.
"""

import jax, jax.numpy as jnp
import numpy as np

N_CLS = 1000
FEAT_DIM = 512
BATCH = 1024
PROTO_M = 0.95
TEMPERATURE = 0.1
BASE_TEMPERATURE = 0.1


def _l2_normalize(v, eps=1e-12):
    # matches torch F.normalize(dim=0) on a 1-D vector
    n = jnp.linalg.norm(v)
    return v / jnp.maximum(n, eps)


def setup_inputs(seed=0) -> dict:
    key = jax.random.key(seed)
    k1, k2, k3 = jax.random.split(key, 3)
    features = jax.random.normal(k1, (BATCH, FEAT_DIM), dtype=jnp.float32)
    # features from a contrastive head are typically L2-normalized
    features = features / jnp.maximum(
        jnp.linalg.norm(features, axis=1, keepdims=True), 1e-12)
    labels = jax.random.randint(k2, (BATCH,), 0, N_CLS, dtype=jnp.int64)
    prototypes = jax.random.normal(k3, (N_CLS, FEAT_DIM), dtype=jnp.float32)
    prototypes = prototypes / jnp.maximum(
        jnp.linalg.norm(prototypes, axis=1, keepdims=True), 1e-12)
    return {"features": features, "labels": labels, "prototypes": prototypes}


def reference(features, labels, prototypes):
    # Sequential per-sample EMA prototype update (faithful to the python loop:
    # repeated labels must update the already-updated prototype).
    def step(protos, xs):
        f, l = xs
        p = protos[l] * PROTO_M + f * (1.0 - PROTO_M)
        p = _l2_normalize(p)
        protos = protos.at[l].set(p)
        return protos, None

    protos, _ = jax.lax.scan(step, prototypes, (features, labels))

    cls_labels = jnp.arange(N_CLS).reshape(-1, 1)
    mask = 1.0 - (cls_labels == cls_labels.T).astype(jnp.float32)
    logits = jnp.matmul(protos, protos.T) / TEMPERATURE
    logits_mask = jnp.ones((N_CLS, N_CLS), dtype=jnp.float32)
    logits_mask = logits_mask.at[jnp.arange(N_CLS), jnp.arange(N_CLS)].set(0.0)
    mask = mask * logits_mask
    mean_prob_neg = jnp.log((mask * jnp.exp(logits)).sum(1) / mask.sum(1))
    # torch code drops NaN entries before mean; nanmean reproduces that
    loss = (TEMPERATURE / BASE_TEMPERATURE) * jnp.nanmean(mean_prob_neg)
    return loss


if False:  # reference __main__ guard neutralized (emitter)
    out = reference(**setup_inputs())
    print(out)

if __name__ == "__main__":
    import jax
    _d = setup_inputs()
    print(jax.jit(kernel)(*tuple(_d.values())))

</pallas_src>

<mosaic_0001>
#map = affine_map<(d0, d1) -> (0, 0)>
#map1 = affine_map<(d0, d1) -> (0)>
module attributes {stable_mosaic.version = 14 : i64} {
  func.func @_sc_body(%arg0: i32, %arg1: i32, %arg2: memref<1520x16xi32, #tpu.memory_space<hbm>>, %arg3: memref<512xi32, #tpu.memory_space<hbm>>, %arg4: memref<1520x512xf32, #tpu.memory_space<hbm>>, %arg5: memref<1000x512xf32, #tpu.memory_space<hbm>>, %arg6: memref<1000x512xf32, #tpu.memory_space<hbm>>, %arg7: memref<1000x16xf32, #tpu.memory_space<hbm>>, %arg8: memref<16xi32, #tpu.memory_space<vmem>>, %arg9: memref<32x512xf32, #tpu.memory_space<vmem>>, %arg10: memref<32x512xf32, #tpu.memory_space<vmem>>, %arg11: memref<32x16xi32, #tpu.memory_space<vmem>>, %arg12: memref<32x16xf32, #tpu.memory_space<vmem>>, %arg13: memref<!tpu.dma_semaphore, #tpu.memory_space<semaphore_mem>>, %arg14: memref<!tpu.dma_semaphore, #tpu.memory_space<semaphore_mem>>, %arg15: memref<!tpu.dma_semaphore, #tpu.memory_space<semaphore_mem>>) attributes {dimension_semantics = [#tpu.dimension_semantics<core_parallel>, #tpu.dimension_semantics<subcore_parallel>], iteration_bounds = array<i64: 2, 16>, scalar_prefetch = 0 : i64, scratch_operands = 8 : i64, tpu.core_type = #tpu.core_type<sc_vector_subcore>, window_params = [{transform_indices = #map}, {transform_indices = #map1}, {transform_indices = #map}, {transform_indices = #map}, {transform_indices = #map}, {transform_indices = #map}]} {
    %mul3A = arith.constant 16 : i32
    %mul3A_0 = arith.muli %arg0, %mul3A : i32
    %add3A = arith.addi %mul3A_0, %arg1 : i32
    %mul3A_1 = arith.constant 32 : i32
    %mul3A_2 = arith.muli %add3A, %mul3A_1 : i32
    %multiple_of3A = tpu.assume_multiple %mul3A_2, 32 : i32
    %mul3A_3 = arith.constant 32 : i32
    %mul3A_4 = arith.muli %add3A, %mul3A_3 : i32
    %sub3A = arith.constant 1000 : i32
    %sub3A_5 = arith.subi %sub3A, %mul3A_4 : i32
    %min3A = arith.constant 32 : i32
    %min3A_6 = arith.minsi %min3A, %sub3A_5 : i32
    %mul3A_7 = arith.constant 16 : i32
    %mul3A_8 = arith.muli %add3A, %mul3A_7 : i32
    %dma_start3A = tpu.memref_slice %arg3[%mul3A_8] : memref<512xi32, #tpu.memory_space<hbm>> -> memref<16xi32, #tpu.memory_space<hbm>>
    %dma_start3A_9 = tpu.memref_slice %arg3[%mul3A_8] : memref<512xi32, #tpu.memory_space<hbm>> -> memref<16xi32, #tpu.memory_space<hbm>>
    tpu.enqueue_dma source(%dma_start3A_9 : memref<16xi32, #tpu.memory_space<hbm>>) target(%arg8 : memref<16xi32, #tpu.memory_space<vmem>>) target_semaphore(%arg13 : memref<!tpu.dma_semaphore, #tpu.memory_space<semaphore_mem>>)
    %lt3A = arith.constant 31 : i32
    %lt3A_10 = arith.cmpi slt, %add3A, %lt3A : i32
    %convert_element_type3A = arith.extui %lt3A_10 : i1 to i32
    %cond3A = arith.constant 0 : i32
    %cond3A_11 = arith.cmpi ne, %convert_element_type3A, %cond3A : i32
    scf.if %cond3A_11 {
      "tpu.region"() ({
        %run_scoped3A = tpu.sem_alloc : memref<!tpu.dma_semaphore, #tpu.memory_space<semaphore_mem>>
        %dma_start3A_87 = arith.constant 0 : i32
        %dma_start3A_88 = tpu.memref_slice %arg5[%multiple_of3A, %dma_start3A_87] : memref<1000x512xf32, #tpu.memory_space<hbm>> -> memref<32x512xf32, #tpu.memory_space<hbm>>
        %dma_start3A_89 = arith.constant 0 : i32
        %dma_start3A_90 = tpu.memref_slice %arg5[%multiple_of3A, %dma_start3A_89] : memref<1000x512xf32, #tpu.memory_space<hbm>> -> memref<32x512xf32, #tpu.memory_space<hbm>>
        tpu.enqueue_dma source(%dma_start3A_90 : memref<32x512xf32, #tpu.memory_space<hbm>>) target(%arg9 : memref<32x512xf32, #tpu.memory_space<vmem>>) target_semaphore(%run_scoped3A : memref<!tpu.dma_semaphore, #tpu.memory_space<semaphore_mem>>)
        %dma_wait3A_91 = arith.constant 0 : i32
        %dma_wait3A_92 = tpu.memref_slice %arg5[%multiple_of3A, %dma_wait3A_91] : memref<1000x512xf32, #tpu.memory_space<hbm>> -> memref<32x512xf32, #tpu.memory_space<hbm>>
        %dma_wait3A_93 = arith.constant 0 : i32
        %dma_wait3A_94 = tpu.memref_slice %arg5[%multiple_of3A, %dma_wait3A_93] : memref<1000x512xf32, #tpu.memory_space<hbm>> -> memref<32x512xf32, #tpu.memory_space<hbm>>
        tpu.wait_dma2 semaphore(%run_scoped3A : memref<!tpu.dma_semaphore, #tpu.memory_space<semaphore_mem>>) src(%dma_wait3A_94 : memref<32x512xf32, #tpu.memory_space<hbm>>) dst(%arg9 : memref<32x512xf32, #tpu.memory_space<vmem>>)
        tpu.yield
      }) : () -> ()
    } else {
    }
    %eq3A = arith.constant 31 : i32
    %eq3A_12 = arith.cmpi eq, %add3A, %eq3A : i32
    %convert_element_type3A_13 = arith.extui %eq3A_12 : i1 to i32
    %cond3A_14 = arith.constant 0 : i32
    %cond3A_15 = arith.cmpi ne, %convert_element_type3A_13, %cond3A_14 : i32
    scf.if %cond3A_15 {
      "tpu.region"() ({
        %run_scoped3A = tpu.sem_alloc : memref<!tpu.dma_semaphore, #tpu.memory_space<semaphore_mem>>
        %dma_start3A_87 = arith.constant 0 : i32
        %dma_start3A_88 = arith.constant 0 : i32
        %dma_start3A_89 = tpu.memref_slice %arg9[%dma_start3A_87, %dma_start3A_88] : memref<32x512xf32, #tpu.memory_space<vmem>> -> memref<8x512xf32, #tpu.memory_space<vmem>>
        %dma_start3A_90 = arith.constant 0 : i32
        %dma_start3A_91 = tpu.memref_slice %arg5[%multiple_of3A, %dma_start3A_90] : memref<1000x512xf32, #tpu.memory_space<hbm>> -> memref<8x512xf32, #tpu.memory_space<hbm>>
        %dma_start3A_92 = arith.constant 0 : i32
        %dma_start3A_93 = arith.constant 0 : i32
        %dma_start3A_94 = tpu.memref_slice %arg9[%dma_start3A_92, %dma_start3A_93] : memref<32x512xf32, #tpu.memory_space<vmem>> -> memref<8x512xf32, #tpu.memory_space<vmem>>
        %dma_start3A_95 = arith.constant 0 : i32
        %dma_start3A_96 = tpu.memref_slice %arg5[%multiple_of3A, %dma_start3A_95] : memref<1000x512xf32, #tpu.memory_space<hbm>> -> memref<8x512xf32, #tpu.memory_space<hbm>>
        tpu.enqueue_dma source(%dma_start3A_96 : memref<8x512xf32, #tpu.memory_space<hbm>>) target(%dma_start3A_94 : memref<8x512xf32, #tpu.memory_space<vmem>>) target_semaphore(%run_scoped3A : memref<!tpu.dma_semaphore, #tpu.memory_space<semaphore_mem>>)
        %dma_wait3A_97 = arith.constant 0 : i32
        %dma_wait3A_98 = arith.constant 0 : i32
        %dma_wait3A_99 = tpu.memref_slice %arg9[%dma_wait3A_97, %dma_wait3A_98] : memref<32x512xf32, #tpu.memory_space<vmem>> -> memref<8x512xf32, #tpu.memory_space<vmem>>
        %dma_wait3A_100 = arith.constant 0 : i32
        %dma_wait3A_101 = tpu.memref_slice %arg5[%multiple_of3A, %dma_wait3A_100] : memref<1000x512xf32, #tpu.memory_space<hbm>> -> memref<8x512xf32, #tpu.memory_space<hbm>>
        %dma_wait3A_102 = arith.constant 0 : i32
        %dma_wait3A_103 = arith.constant 0 : i32
        %dma_wait3A_104 = tpu.memref_slice %arg9[%dma_wait3A_102, %dma_wait3A_103] : memref<32x512xf32, #tpu.memory_space<vmem>> -> memref<8x512xf32, #tpu.memory_space<vmem>>
        %dma_wait3A_105 = arith.constant 0 : i32
        %dma_wait3A_106 = tpu.memref_slice %arg5[%multiple_of3A, %dma_wait3A_105] : memref<1000x512xf32, #tpu.memory_space<hbm>> -> memref<8x512xf32, #tpu.memory_space<hbm>>
        tpu.wait_dma2 semaphore(%run_scoped3A : memref<!tpu.dma_semaphore, #tpu.memory_space<semaphore_mem>>) src(%dma_wait3A_106 : memref<8x512xf32, #tpu.memory_space<hbm>>) dst(%dma_wait3A_104 : memref<8x512xf32, #tpu.memory_space<vmem>>)
        tpu.yield
      }) : () -> ()
    } else {
    }
    %dma_wait3A = tpu.memref_slice %arg3[%mul3A_8] : memref<512xi32, #tpu.memory_space<hbm>> -> memref<16xi32, #tpu.memory_space<hbm>>
    %dma_wait3A_16 = tpu.memref_slice %arg3[%mul3A_8] : memref<512xi32, #tpu.memory_space<hbm>> -> memref<16xi32, #tpu.memory_space<hbm>>
    tpu.wait_dma2 semaphore(%arg13 : memref<!tpu.dma_semaphore, #tpu.memory_space<semaphore_mem>>) src(%dma_wait3A_16 : memref<16xi32, #tpu.memory_space<hbm>>) dst(%arg8 : memref<16xi32, #tpu.memory_space<vmem>>)
    %get3A = arith.constant 0 : index
    %get3A_17 = tpu.vector_load %arg8[%get3A] {strides = array<i32>} : memref<16xi32, #tpu.memory_space<vmem>>, vector<16xi32>,
    %get3A_18 = vector.shape_cast %get3A_17 : vector<16xi32> to vector<16xi32>
    %slice3A = vector.extract_strided_slice %get3A_18 {offsets = [0], sizes = [1], strides = [1]} : vector<16xi32> to vector<1xi32>
    %squeeze3A = vector.extract %slice3A[0] : i32 from vector<1xi32>
    %slice3A_19 = vector.extract_strided_slice %get3A_18 {offsets = [1], sizes = [1], strides = [1]} : vector<16xi32> to vector<1xi32>
    %squeeze3A_20 = vector.extract %slice3A_19[0] : i32 from vector<1xi32>
    %add3A_21 = arith.constant 15 : i32
    %add3A_22 = arith.addi %squeeze3A_20, %add3A_21 : i32
    %shift_right_arithmetic3A = arith.constant 4 : i32
    %shift_right_arithmetic3A_23 = arith.shrsi %add3A_22, %shift_right_arithmetic3A : i32
    %multiple_of3A_24 = tpu.assume_multiple %squeeze3A, 16 : i32
    %dma_start3A_25 = arith.constant 0 : i32
    %dma_start3A_26 = arith.constant 0 : i32
    %dma_start3A_27 = tpu.memref_slice %arg10[%dma_start3A_25, %dma_start3A_26] : memref<32x512xf32, #tpu.memory_space<vmem>> -> memref<16x512xf32, #tpu.memory_space<vmem>>
    %dma_start3A_28 = arith.constant 0 : i32
    %dma_start3A_29 = tpu.memref_slice %arg4[%multiple_of3A_24, %dma_start3A_28] : memref<1520x512xf32, #tpu.memory_space<hbm>> -> memref<16x512xf32, #tpu.memory_space<hbm>>
    %dma_start3A_30 = arith.constant 0 : i32
    %dma_start3A_31 = arith.constant 0 : i32
    %dma_start3A_32 = tpu.memref_slice %arg10[%dma_start3A_30, %dma_start3A_31] : memref<32x512xf32, #tpu.memory_space<vmem>> -> memref<16x512xf32, #tpu.memory_space<vmem>>
    %dma_start3A_33 = arith.constant 0 : i32
    %dma_start3A_34 = tpu.memref_slice %arg4[%multiple_of3A_24, %dma_start3A_33] : memref<1520x512xf32, #tpu.memory_space<hbm>> -> memref<16x512xf32, #tpu.memory_space<hbm>>
    tpu.enqueue_dma source(%dma_start3A_34 : memref<16x512xf32, #tpu.memory_space<hbm>>) target(%dma_start3A_32 : memref<16x512xf32, #tpu.memory_space<vmem>>) target_semaphore(%arg14 : memref<!tpu.dma_semaphore, #tpu.memory_space<semaphore_mem>>)
    %dma_start3A_35 = arith.constant 0 : i32
    %dma_start3A_36 = arith.constant 0 : i32
    %dma_start3A_37 = tpu.memref_slice %arg11[%dma_start3A_35, %dma_start3A_36] : memref<32x16xi32, #tpu.memory_space<vmem>> -> memref<16x16xi32, #tpu.memory_space<vmem>>
    %dma_start3A_38 = arith.constant 0 : i32
    %dma_start3A_39 = tpu.memref_slice %arg2[%multiple_of3A_24, %dma_start3A_38] : memref<1520x16xi32, #tpu.memory_space<hbm>> -> memref<16x16xi32, #tpu.memory_space<hbm>>
    %dma_start3A_40 = arith.constant 0 : i32
    %dma_start3A_41 = arith.constant 0 : i32
    %dma_start3A_42 = tpu.memref_slice %arg11[%dma_start3A_40, %dma_start3A_41] : memref<32x16xi32, #tpu.memory_space<vmem>> -> memref<16x16xi32, #tpu.memory_space<vmem>>
    %dma_start3A_43 = arith.constant 0 : i32
    %dma_start3A_44 = tpu.memref_slice %arg2[%multiple_of3A_24, %dma_start3A_43] : memref<1520x16xi32, #tpu.memory_space<hbm>> -> memref<16x16xi32, #tpu.memory_space<hbm>>
    tpu.enqueue_dma source(%dma_start3A_44 : memref<16x16xi32, #tpu.memory_space<hbm>>) target(%dma_start3A_42 : memref<16x16xi32, #tpu.memory_space<vmem>>) target_semaphore(%arg14 : memref<!tpu.dma_semaphore, #tpu.memory_space<semaphore_mem>>)
    %broadcast_in_dim3A = arith.constant 1.000000e+00 : f32
    %broadcast_in_dim3A_45 = vector.broadcast %broadcast_in_dim3A : f32 to vector<16xf32>
    %scan3A = arith.constant 0 : i32
    %scan3A_46 = arith.constant 0 : i32
    %scan3A_47 = arith.constant 32 : i32
    %scan3A_48 = arith.addi %scan3A_46, %scan3A_47 : i32
    %scan3A_49 = arith.constant 4 : i32
    scf.for %scan3A_87 = %scan3A_46 to %scan3A_48 step %scan3A_49  : i32 {
      %swap3A = arith.index_cast %scan3A_87 : i32 to index
      %swap3A_88 = arith.constant 0 : index
      %swap3A_89 = tpu.vector_load %arg12[%swap3A, %swap3A_88] {strides = array<i32>} : memref<32x16xf32, #tpu.memory_space<vmem>>, vector<1x16xf32>,
      %swap3A_90 = vector.shape_cast %swap3A_89 : vector<1x16xf32> to vector<16xf32>
      %swap3A_91 = vector.shape_cast %broadcast_in_dim3A_45 : vector<16xf32> to vector<1x16xf32>
      tpu.vector_store %arg12[%swap3A, %swap3A_88], %swap3A_91 {strides = array<i32>} : memref<32x16xf32, #tpu.memory_space<vmem>>, vector<1x16xf32>,
      %scan3A_92 = arith.constant 1 : i32
      %scan3A_93 = arith.addi %scan3A_87, %scan3A_92 : i32
      %swap3A_94 = arith.index_cast %scan3A_93 : i32 to index
      %swap3A_95 = arith.constant 0 : index
      %swap3A_96 = tpu.vector_load %arg12[%swap3A_94, %swap3A_95] {strides = array<i32>} : memref<32x16xf32, #tpu.memory_space<vmem>>, vector<1x16xf32>,
      %swap3A_97 = vector.shape_cast %swap3A_96 : vector<1x16xf32> to vector<16xf32>
      %swap3A_98 = vector.shape_cast %broadcast_in_dim3A_45 : vector<16xf32> to vector<1x16xf32>
      tpu.vector_store %arg12[%swap3A_94, %swap3A_95], %swap3A_98 {strides = array<i32>} : memref<32x16xf32, #tpu.memory_space<vmem>>, vector<1x16xf32>,
      %scan3A_99 = arith.constant 2 : i32
      %scan3A_100 = arith.addi %scan3A_87, %scan3A_99 : i32
      %swap3A_101 = arith.index_cast %scan3A_100 : i32 to index
      %swap3A_102 = arith.constant 0 : index
      %swap3A_103 = tpu.vector_load %arg12[%swap3A_101, %swap3A_102] {strides = array<i32>} : memref<32x16xf32, #tpu.memory_space<vmem>>, vector<1x16xf32>,
      %swap3A_104 = vector.shape_cast %swap3A_103 : vector<1x16xf32> to vector<16xf32>
      %swap3A_105 = vector.shape_cast %broadcast_in_dim3A_45 : vector<16xf32> to vector<1x16xf32>
      tpu.vector_store %arg12[%swap3A_101, %swap3A_102], %swap3A_105 {strides = array<i32>} : memref<32x16xf32, #tpu.memory_space<vmem>>, vector<1x16xf32>,
      %scan3A_106 = arith.constant 3 : i32
      %scan3A_107 = arith.addi %scan3A_87, %scan3A_106 : i32
      %swap3A_108 = arith.index_cast %scan3A_107 : i32 to index
      %swap3A_109 = arith.constant 0 : index
      %swap3A_110 = tpu.vector_load %arg12[%swap3A_108, %swap3A_109] {strides = array<i32>} : memref<32x16xf32, #tpu.memory_space<vmem>>, vector<1x16xf32>,
      %swap3A_111 = vector.shape_cast %swap3A_110 : vector<1x16xf32> to vector<16xf32>
      %swap3A_112 = vector.shape_cast %broadcast_in_dim3A_45 : vector<16xf32> to vector<1x16xf32>
      tpu.vector_store %arg12[%swap3A_108, %swap3A_109], %swap3A_112 {strides = array<i32>} : memref<32x16xf32, #tpu.memory_space<vmem>>, vector<1x16xf32>,
    }
    %scan3A_50 = arith.constant 32 : i32
    %iota3A = tpu.iota {dimensions = array<i32: 0>} : vector<16xi32>
    %while3A = arith.constant 0 : i32
    %while3A_51 = arith.constant 0 : i32
    %while3A_52 = arith.subi %shift_right_arithmetic3A_23, %while3A_51 : i32
    %while3A_53 = arith.addi %while3A_51, %while3A_52 : i32
    %while3A_54 = arith.constant 1 : i32
    %while3A_55 = arith.divsi %while3A_52, %while3A_54 : i32
    %while3A_56 = arith.muli %while3A_55, %while3A_54 : i32
    %while3A_57 = arith.addi %while3A_51, %while3A_56 : i32
    %while3A_58 = arith.constant 1 : i32
    scf.for %while3A_87 = %while3A_51 to %while3A_57 step %while3A_58  : i32 {
      %and3A_88 = arith.constant 1 : i32
      %and3A_89 = arith.andi %while3A_87, %and3A_88 : i32
      %eq3A_90 = arith.constant 0 : i32
      %eq3A_91 = arith.cmpi eq, %and3A_89, %eq3A_90 : i32
      %add3A_92 = arith.constant 1 : i32
      %add3A_93 = arith.addi %while3A_87, %add3A_92 : i32
      %mul3A_94 = arith.constant 16 : i32
      %mul3A_95 = arith.muli %add3A_93, %mul3A_94 : i32
      %add3A_96 = arith.addi %squeeze3A, %mul3A_95 : i32
      %multiple_of3A_97 = tpu.assume_multiple %add3A_96, 16 : i32
      %mul3A_98 = arith.constant 16 : i32
      %mul3A_99 = arith.muli %while3A_87, %mul3A_98 : i32
      %add3A_100 = arith.addi %squeeze3A, %mul3A_99 : i32
      %multiple_of3A_101 = tpu.assume_multiple %add3A_100, 16 : i32
      %convert_element_type3A_102 = arith.extui %eq3A_91 : i1 to i32
      %cond3A_103 = arith.constant 0 : i32
      %cond3A_104 = arith.cmpi ne, %convert_element_type3A_102, %cond3A_103 : i32
      scf.if %cond3A_104 {
        %dma_start3A_136 = arith.constant 16 : i32
        %dma_start3A_137 = arith.constant 0 : i32
        %dma_start3A_138 = tpu.memref_slice %arg10[%dma_start3A_136, %dma_start3A_137] : memref<32x512xf32, #tpu.memory_space<vmem>> -> memref<16x512xf32, #tpu.memory_space<vmem>>
        %dma_start3A_139 = arith.constant 0 : i32
        %dma_start3A_140 = tpu.memref_slice %arg4[%multiple_of3A_97, %dma_start3A_139] : memref<1520x512xf32, #tpu.memory_space<hbm>> -> memref<16x512xf32, #tpu.memory_space<hbm>>
        %dma_start3A_141 = arith.constant 16 : i32
        %dma_start3A_142 = arith.constant 0 : i32
        %dma_start3A_143 = tpu.memref_slice %arg10[%dma_start3A_141, %dma_start3A_142] : memref<32x512xf32, #tpu.memory_space<vmem>> -> memref<16x512xf32, #tpu.memory_space<vmem>>
        %dma_start3A_144 = arith.constant 0 : i32
        %dma_start3A_145 = tpu.memref_slice %arg4[%multiple_of3A_97, %dma_start3A_144] : memref<1520x512xf32, #tpu.memory_space<hbm>> -> memref<16x512xf32, #tpu.memory_space<hbm>>
        tpu.enqueue_dma source(%dma_start3A_145 : memref<16x512xf32, #tpu.memory_space<hbm>>) target(%dma_start3A_143 : memref<16x512xf32, #tpu.memory_space<vmem>>) target_semaphore(%arg15 : memref<!tpu.dma_semaphore, #tpu.memory_space<semaphore_mem>>)
        %dma_start3A_146 = arith.constant 16 : i32
        %dma_start3A_147 = arith.constant 0 : i32
        %dma_start3A_148 = tpu.memref_slice %arg11[%dma_start3A_146, %dma_start3A_147] : memref<32x16xi32, #tpu.memory_space<vmem>> -> memref<16x16xi32, #tpu.memory_space<vmem>>
        %dma_start3A_149 = arith.constant 0 : i32
        %dma_start3A_150 = tpu.memref_slice %arg2[%multiple_of3A_97, %dma_start3A_149] : memref<1520x16xi32, #tpu.memory_space<hbm>> -> memref<16x16xi32, #tpu.memory_space<hbm>>
        %dma_start3A_151 = arith.constant 16 : i32
        %dma_start3A_152 = arith.constant 0 : i32
        %dma_start3A_153 = tpu.memref_slice %arg11[%dma_start3A_151, %dma_start3A_152] : memref<32x16xi32, #tpu.memory_space<vmem>> -> memref<16x16xi32, #tpu.memory_space<vmem>>
        %dma_start3A_154 = arith.constant 0 : i32
        %dma_start3A_155 = tpu.memref_slice %arg2[%multiple_of3A_97, %dma_start3A_154] : memref<1520x16xi32, #tpu.memory_space<hbm>> -> memref<16x16xi32, #tpu.memory_space<hbm>>
        tpu.enqueue_dma source(%dma_start3A_155 : memref<16x16xi32, #tpu.memory_space<hbm>>) target(%dma_start3A_153 : memref<16x16xi32, #tpu.memory_space<vmem>>) target_semaphore(%arg15 : memref<!tpu.dma_semaphore, #tpu.memory_space<semaphore_mem>>)
      } else {
      }
      %not3A = arith.constant true
      %not3A_105 = arith.xori %eq3A_91, %not3A : i1
      %convert_element_type3A_106 = arith.extui %not3A_105 : i1 to i32
      %cond3A_107 = arith.constant 0 : i32
      %cond3A_108 = arith.cmpi ne, %convert_element_type3A_106, %cond3A_107 : i32
      scf.if %cond3A_108 {
        %dma_start3A_136 = arith.constant 0 : i32
        %dma_start3A_137 = arith.constant 0 : i32
        %dma_start3A_138 = tpu.memref_slice %arg10[%dma_start3A_136, %dma_start3A_137] : memref<32x512xf32, #tpu.memory_space<vmem>> -> memref<16x512xf32, #tpu.memory_space<vmem>>
        %dma_start3A_139 = arith.constant 0 : i32
        %dma_start3A_140 = tpu.memref_slice %arg4[%multiple_of3A_97, %dma_start3A_139] : memref<1520x512xf32, #tpu.memory_space<hbm>> -> memref<16x512xf32, #tpu.memory_space<hbm>>
        %dma_start3A_141 = arith.constant 0 : i32
        %dma_start3A_142 = arith.constant 0 : i32
        %dma_start3A_143 = tpu.memref_slice %arg10[%dma_start3A_141, %dma_start3A_142] : memref<32x512xf32, #tpu.memory_space<vmem>> -> memref<16x512xf32, #tpu.memory_space<vmem>>
        %dma_start3A_144 = arith.constant 0 : i32
        %dma_start3A_145 = tpu.memref_slice %arg4[%multiple_of3A_97, %dma_start3A_144] : memref<1520x512xf32, #tpu.memory_space<hbm>> -> memref<16x512xf32, #tpu.memory_space<hbm>>
        tpu.enqueue_dma source(%dma_start3A_145 : memref<16x512xf32, #tpu.memory_space<hbm>>) target(%dma_start3A_143 : memref<16x512xf32, #tpu.memory_space<vmem>>) target_semaphore(%arg14 : memref<!tpu.dma_semaphore, #tpu.memory_space<semaphore_mem>>)
        %dma_start3A_146 = arith.constant 0 : i32
        %dma_start3A_147 = arith.constant 0 : i32
        %dma_start3A_148 = tpu.memref_slice %arg11[%dma_start3A_146, %dma_start3A_147] : memref<32x16xi32, #tpu.memory_space<vmem>> -> memref<16x16xi32, #tpu.memory_space<vmem>>
        %dma_start3A_149 = arith.constant 0 : i32
        %dma_start3A_150 = tpu.memref_slice %arg2[%multiple_of3A_97, %dma_start3A_149] : memref<1520x16xi32, #tpu.memory_space<hbm>> -> memref<16x16xi32, #tpu.memory_space<hbm>>
        %dma_start3A_151 = arith.constant 0 : i32
        %dma_start3A_152 = arith.constant 0 : i32
        %dma_start3A_153 = tpu.memref_slice %arg11[%dma_start3A_151, %dma_start3A_152] : memref<32x16xi32, #tpu.memory_space<vmem>> -> memref<16x16xi32, #tpu.memory_space<vmem>>
        %dma_start3A_154 = arith.constant 0 : i32
        %dma_start3A_155 = tpu.memref_slice %arg2[%multiple_of3A_97, %dma_start3A_154] : memref<1520x16xi32, #tpu.memory_space<hbm>> -> memref<16x16xi32, #tpu.memory_space<hbm>>
        tpu.enqueue_dma source(%dma_start3A_155 : memref<16x16xi32, #tpu.memory_space<hbm>>) target(%dma_start3A_153 : memref<16x16xi32, #tpu.memory_space<vmem>>) target_semaphore(%arg14 : memref<!tpu.dma_semaphore, #tpu.memory_space<semaphore_mem>>)
      } else {
      }
      %convert_element_type3A_109 = arith.extui %eq3A_91 : i1 to i32
      %cond3A_110 = arith.constant 0 : i32
      %cond3A_111 = arith.cmpi ne, %convert_element_type3A_109, %cond3A_110 : i32
      scf.if %cond3A_111 {
        %dma_wait3A_136 = arith.constant 0 : i32
        %dma_wait3A_137 = arith.constant 0 : i32
        %dma_wait3A_138 = tpu.memref_slice %arg10[%dma_wait3A_136, %dma_wait3A_137] : memref<32x512xf32, #tpu.memory_space<vmem>> -> memref<16x512xf32, #tpu.memory_space<vmem>>
        %dma_wait3A_139 = arith.constant 0 : i32
        %dma_wait3A_140 = tpu.memref_slice %arg4[%multiple_of3A_101, %dma_wait3A_139] : memref<1520x512xf32, #tpu.memory_space<hbm>> -> memref<16x512xf32, #tpu.memory_space<hbm>>
        %dma_wait3A_141 = arith.constant 0 : i32
        %dma_wait3A_142 = arith.constant 0 : i32
        %dma_wait3A_143 = tpu.memref_slice %arg10[%dma_wait3A_141, %dma_wait3A_142] : memref<32x512xf32, #tpu.memory_space<vmem>> -> memref<16x512xf32, #tpu.memory_space<vmem>>
        %dma_wait3A_144 = arith.constant 0 : i32
        %dma_wait3A_145 = tpu.memref_slice %arg4[%multiple_of3A_101, %dma_wait3A_144] : memref<1520x512xf32, #tpu.memory_space<hbm>> -> memref<16x512xf32, #tpu.memory_space<hbm>>
        tpu.wait_dma2 semaphore(%arg14 : memref<!tpu.dma_semaphore, #tpu.memory_space<semaphore_mem>>) src(%dma_wait3A_145 : memref<16x512xf32, #tpu.memory_space<hbm>>) dst(%dma_wait3A_143 : memref<16x512xf32, #tpu.memory_space<vmem>>)
        %dma_wait3A_146 = arith.constant 0 : i32
        %dma_wait3A_147 = arith.constant 0 : i32
        %dma_wait3A_148 = tpu.memref_slice %arg11[%dma_wait3A_146, %dma_wait3A_147] : memref<32x16xi32, #tpu.memory_space<vmem>> -> memref<16x16xi32, #tpu.memory_space<vmem>>
        %dma_wait3A_149 = arith.constant 0 : i32
        %dma_wait3A_150 = tpu.memref_slice %arg2[%multiple_of3A_101, %dma_wait3A_149] : memref<1520x16xi32, #tpu.memory_space<hbm>> -> memref<16x16xi32, #tpu.memory_space<hbm>>
        %dma_wait3A_151 = arith.constant 0 : i32
        %dma_wait3A_152 = arith.constant 0 : i32
        %dma_wait3A_153 = tpu.memref_slice %arg11[%dma_wait3A_151, %dma_wait3A_152] : memref<32x16xi32, #tpu.memory_space<vmem>> -> memref<16x16xi32, #tpu.memory_space<vmem>>
        %dma_wait3A_154 = arith.constant 0 : i32
        %dma_wait3A_155 = tpu.memref_slice %arg2[%multiple_of3A_101, %dma_wait3A_154] : memref<1520x16xi32, #tpu.memory_space<hbm>> -> memref<16x16xi32, #tpu.memory_space<hbm>>
        tpu.wait_dma2 semaphore(%arg14 : memref<!tpu.dma_semaphore, #tpu.memory_space<semaphore_mem>>) src(%dma_wait3A_155 : memref<16x16xi32, #tpu.memory_space<hbm>>) dst(%dma_wait3A_153 : memref<16x16xi32, #tpu.memory_space<vmem>>)
      } else {
      }
      %not3A_112 = arith.constant true
      %not3A_113 = arith.xori %eq3A_91, %not3A_112 : i1
      %convert_element_type3A_114 = arith.extui %not3A_113 : i1 to i32
      %cond3A_115 = arith.constant 0 : i32
      %cond3A_116 = arith.cmpi ne, %convert_element_type3A_114, %cond3A_115 : i32
      scf.if %cond3A_116 {
        %dma_wait3A_136 = arith.constant 16 : i32
        %dma_wait3A_137 = arith.constant 0 : i32
        %dma_wait3A_138 = tpu.memref_slice %arg10[%dma_wait3A_136, %dma_wait3A_137] : memref<32x512xf32, #tpu.memory_space<vmem>> -> memref<16x512xf32, #tpu.memory_space<vmem>>
        %dma_wait3A_139 = arith.constant 0 : i32
        %dma_wait3A_140 = tpu.memref_slice %arg4[%multiple_of3A_101, %dma_wait3A_139] : memref<1520x512xf32, #tpu.memory_space<hbm>> -> memref<16x512xf32, #tpu.memory_space<hbm>>
        %dma_wait3A_141 = arith.constant 16 : i32
        %dma_wait3A_142 = arith.constant 0 : i32
        %dma_wait3A_143 = tpu.memref_slice %arg10[%dma_wait3A_141, %dma_wait3A_142] : memref<32x512xf32, #tpu.memory_space<vmem>> -> memref<16x512xf32, #tpu.memory_space<vmem>>
        %dma_wait3A_144 = arith.constant 0 : i32
        %dma_wait3A_145 = tpu.memref_slice %arg4[%multiple_of3A_101, %dma_wait3A_144] : memref<1520x512xf32, #tpu.memory_space<hbm>> -> memref<16x512xf32, #tpu.memory_space<hbm>>
        tpu.wait_dma2 semaphore(%arg15 : memref<!tpu.dma_semaphore, #tpu.memory_space<semaphore_mem>>) src(%dma_wait3A_145 : memref<16x512xf32, #tpu.memory_space<hbm>>) dst(%dma_wait3A_143 : memref<16x512xf32, #tpu.memory_space<vmem>>)
        %dma_wait3A_146 = arith.constant 16 : i32
        %dma_wait3A_147 = arith.constant 0 : i32
        %dma_wait3A_148 = tpu.memref_slice %arg11[%dma_wait3A_146, %dma_wait3A_147] : memref<32x16xi32, #tpu.memory_space<vmem>> -> memref<16x16xi32, #tpu.memory_space<vmem>>
        %dma_wait3A_149 = arith.constant 0 : i32
        %dma_wait3A_150 = tpu.memref_slice %arg2[%multiple_of3A_101, %dma_wait3A_149] : memref<1520x16xi32, #tpu.memory_space<hbm>> -> memref<16x16xi32, #tpu.memory_space<hbm>>
        %dma_wait3A_151 = arith.constant 16 : i32
        %dma_wait3A_152 = arith.constant 0 : i32
        %dma_wait3A_153 = tpu.memref_slice %arg11[%dma_wait3A_151, %dma_wait3A_152] : memref<32x16xi32, #tpu.memory_space<vmem>> -> memref<16x16xi32, #tpu.memory_space<vmem>>
        %dma_wait3A_154 = arith.constant 0 : i32
        %dma_wait3A_155 = tpu.memref_slice %arg2[%multiple_of3A_101, %dma_wait3A_154] : memref<1520x16xi32, #tpu.memory_space<hbm>> -> memref<16x16xi32, #tpu.memory_space<hbm>>
        tpu.wait_dma2 semaphore(%arg15 : memref<!tpu.dma_semaphore, #tpu.memory_space<semaphore_mem>>) src(%dma_wait3A_155 : memref<16x16xi32, #tpu.memory_space<hbm>>) dst(%dma_wait3A_153 : memref<16x16xi32, #tpu.memory_space<vmem>>)
      } else {
      }
      %and3A_117 = arith.constant 1 : i32
      %and3A_118 = arith.andi %while3A_87, %and3A_117 : i32
      %mul3A_119 = arith.constant 16 : i32
      %mul3A_120 = arith.muli %and3A_118, %mul3A_119 : i32
      %mul3A_121 = arith.constant 16 : i32
      %mul3A_122 = arith.muli %while3A_87, %mul3A_121 : i32
      %sub3A_123 = arith.subi %squeeze3A_20, %mul3A_122 : i32
      %min3A_124 = arith.constant 16 : i32
      %min3A_125 = arith.minsi %sub3A_123, %min3A_124 : i32
      %while3A_126 = arith.constant 0 : i32
      %while3A_127 = arith.constant 0 : i32
      %while3A_128 = arith.subi %min3A_125, %while3A_127 : i32
      %while3A_129 = arith.addi %while3A_127, %while3A_128 : i32
      %while3A_130 = arith.constant 1 : i32
      %while3A_131 = arith.divsi %while3A_128, %while3A_130 : i32
      %while3A_132 = arith.muli %while3A_131, %while3A_130 : i32
      %while3A_133 = arith.addi %while3A_127, %while3A_132 : i32
      %while3A_134 = arith.constant 1 : i32
      scf.for %while3A_136 = %while3A_127 to %while3A_133 step %while3A_134  : i32 {
        %add3A_137 = arith.addi %mul3A_120, %while3A_136 : i32
        %get3A_138 = arith.index_cast %add3A_137 : i32 to index
        %get3A_139 = arith.constant 0 : index
        %get3A_140 = tpu.vector_load %arg11[%get3A_138, %get3A_139] {strides = array<i32>} : memref<32x16xi32, #tpu.memory_space<vmem>>, vector<1x16xi32>,
        %get3A_141 = vector.shape_cast %get3A_140 : vector<1x16xi32> to vector<16xi32>
        %slice3A_142 = vector.extract_strided_slice %get3A_141 {offsets = [0], sizes = [1], strides = [1]} : vector<16xi32> to vector<1xi32>
        %squeeze3A_143 = vector.extract %slice3A_142[0] : i32 from vector<1xi32>
        %add3A_144 = arith.addi %mul3A_120, %while3A_136 : i32
        %sub3A_145 = arith.subi %squeeze3A_143, %multiple_of3A : i32
        %get3A_146 = arith.index_cast %sub3A_145 : i32 to index
        %get3A_147 = arith.constant 0 : index
        %get3A_148 = tpu.vector_load %arg12[%get3A_146, %get3A_147] {strides = array<i32>} : memref<32x16xf32, #tpu.memory_space<vmem>>, vector<1x16xf32>,
        %get3A_149 = vector.shape_cast %get3A_148 : vector<1x16xf32> to vector<16xf32>
        %mul3A_150 = arith.constant 0.949999988 : f32
        %mul3A_151 = vector.broadcast %mul3A_150 : f32 to vector<16xf32>
        %mul3A_152 = arith.mulf %get3A_149, %mul3A_151 : vector<16xf32>
        %broadcast_in_dim3A_153 = arith.constant 0.000000e+00 : f32
        %broadcast_in_dim3A_154 = vector.broadcast %broadcast_in_dim3A_153 : f32 to vector<16xf32>
        %scan3A_155 = arith.constant 0 : i32
        %scan3A_156 = arith.constant 8 : i32
        %scan3A_157 = arith.addi %scan3A_155, %scan3A_156 : i32
        %scan3A_158 = arith.constant 2 : i32
        %scan3A_159:4 = scf.for %scan3A_258 = %scan3A_155 to %scan3A_157 step %scan3A_158 iter_args(%scan3A_259 = %broadcast_in_dim3A_154, %scan3A_260 = %broadcast_in_dim3A_154, %scan3A_261 = %broadcast_in_dim3A_154, %scan3A_262 = %broadcast_in_dim3A_154) -> (vector<16xf32>, vector<16xf32>, vector<16xf32>, vector<16xf32>)  : i32 {
          %mul3A_263 = arith.constant 4 : i32
          %mul3A_264 = arith.muli %scan3A_258, %mul3A_263 : i32
          %add3A_265 = arith.constant 0 : i32
          %add3A_266 = arith.addi %mul3A_264, %add3A_265 : i32
          %mul3A_267 = arith.constant 16 : i32
          %mul3A_268 = arith.muli %add3A_266, %mul3A_267 : i32
          %get3A_269 = arith.index_cast %sub3A_145 : i32 to index
          %get3A_270 = arith.index_cast %mul3A_268 : i32 to index
          %get3A_271 = tpu.vector_load %arg9[%get3A_269, %get3A_270] {strides = array<i32>} : memref<32x512xf32, #tpu.memory_space<vmem>>, vector<1x16xf32>,
          %get3A_272 = vector.shape_cast %get3A_271 : vector<1x16xf32> to vector<16xf32>
          %mul3A_273 = arith.mulf %get3A_272, %mul3A_152 : vector<16xf32>
          %mul3A_274 = arith.constant 16 : i32
          %mul3A_275 = arith.muli %add3A_266, %mul3A_274 : i32
          %get3A_276 = arith.index_cast %add3A_144 : i32 to index
          %get3A_277 = arith.index_cast %mul3A_275 : i32 to index
          %get3A_278 = tpu.vector_load %arg10[%get3A_276, %get3A_277] {strides = array<i32>} : memref<32x512xf32, #tpu.memory_space<vmem>>, vector<1x16xf32>,
          %get3A_279 = vector.shape_cast %get3A_278 : vector<1x16xf32> to vector<16xf32>
          %add3A_280 = arith.addf %mul3A_273, %get3A_279 : vector<16xf32>
          %mul3A_281 = arith.constant 16 : i32
          %mul3A_282 = arith.muli %add3A_266, %mul3A_281 : i32
          %swap3A_283 = arith.index_cast %sub3A_145 : i32 to index
          %swap3A_284 = arith.index_cast %mul3A_282 : i32 to index
          %swap3A_285 = tpu.vector_load %arg9[%swap3A_283, %swap3A_284] {strides = array<i32>} : memref<32x512xf32, #tpu.memory_space<vmem>>, vector<1x16xf32>,
          %swap3A_286 = vector.shape_cast %swap3A_285 : vector<1x16xf32> to vector<16xf32>
          %swap3A_287 = vector.shape_cast %add3A_280 : vector<16xf32> to vector<1x16xf32>
          tpu.vector_store %arg9[%swap3A_283, %swap3A_284], %swap3A_287 {strides = array<i32>} : memref<32x512xf32, #tpu.memory_space<vmem>>, vector<1x16xf32>,
          %mul3A_288 = arith.mulf %add3A_280, %add3A_280 : vector<16xf32>
          %add3A_289 = arith.addf %scan3A_259, %mul3A_288 : vector<16xf32>
          %mul3A_290 = arith.constant 4 : i32
          %mul3A_291 = arith.muli %scan3A_258, %mul3A_290 : i32
          %add3A_292 = arith.constant 1 : i32
          %add3A_293 = arith.addi %mul3A_291, %add3A_292 : i32
          %mul3A_294 = arith.constant 16 : i32
          %mul3A_295 = arith.muli %add3A_293, %mul3A_294 : i32
          %get3A_296 = arith.index_cast %sub3A_145 : i32 to index
          %get3A_297 = arith.index_cast %mul3A_295 : i32 to index
          %get3A_298 = tpu.vector_load %arg9[%get3A_296, %get3A_297] {strides = array<i32>} : memref<32x512xf32, #tpu.memory_space<vmem>>, vector<1x16xf32>,
          %get3A_299 = vector.shape_cast %get3A_298 : vector<1x16xf32> to vector<16xf32>
          %mul3A_300 = arith.mulf %get3A_299, %mul3A_152 : vector<16xf32>
          %mul3A_301 = arith.constant 16 : i32
          %mul3A_302 = arith.muli %add3A_293, %mul3A_301 : i32
          %get3A_303 = arith.index_cast %add3A_144 : i32 to index
          %get3A_304 = arith.index_cast %mul3A_302 : i32 to index
          %get3A_305 = tpu.vector_load %arg10[%get3A_303, %get3A_304] {strides = array<i32>} : memref<32x512xf32, #tpu.memory_space<vmem>>, vector<1x16xf32>,
          %get3A_306 = vector.shape_cast %get3A_305 : vector<1x16xf32> to vector<16xf32>
          %add3A_307 = arith.addf %mul3A_300, %get3A_306 : vector<16xf32>
          %mul3A_308 = arith.constant 16 : i32
          %mul3A_309 = arith.muli %add3A_293, %mul3A_308 : i32
          %swap3A_310 = arith.index_cast %sub3A_145 : i32 to index
          %swap3A_311 = arith.index_cast %mul3A_309 : i32 to index
          %swap3A_312 = tpu.vector_load %arg9[%swap3A_310, %swap3A_311] {strides = array<i32>} : memref<32x512xf32, #tpu.memory_space<vmem>>, vector<1x16xf32>,
          %swap3A_313 = vector.shape_cast %swap3A_312 : vector<1x16xf32> to vector<16xf32>
          %swap3A_314 = vector.shape_cast %add3A_307 : vector<16xf32> to vector<1x16xf32>
          tpu.vector_store %arg9[%swap3A_310, %swap3A_311], %swap3A_314 {strides = array<i32>} : memref<32x512xf32, #tpu.memory_space<vmem>>, vector<1x16xf32>,
          %mul3A_315 = arith.mulf %add3A_307, %add3A_307 : vector<16xf32>
          %add3A_316 = arith.addf %scan3A_260, %mul3A_315 : vector<16xf32>
          %mul3A_317 = arith.constant 4 : i32
          %mul3A_318 = arith.muli %scan3A_258, %mul3A_317 : i32
          %add3A_319 = arith.constant 2 : i32
          %add3A_320 = arith.addi %mul3A_318, %add3A_319 : i32
          %mul3A_321 = arith.constant 16 : i32
          %mul3A_322 = arith.muli %add3A_320, %mul3A_321 : i32
          %get3A_323 = arith.index_cast %sub3A_145 : i32 to index
          %get3A_324 = arith.index_cast %mul3A_322 : i32 to index
          %get3A_325 = tpu.vector_load %arg9[%get3A_323, %get3A_324] {strides = array<i32>} : memref<32x512xf32, #tpu.memory_space<vmem>>, vector<1x16xf32>,
          %get3A_326 = vector.shape_cast %get3A_325 : vector<1x16xf32> to vector<16xf32>
          %mul3A_327 = arith.mulf %get3A_326, %mul3A_152 : vector<16xf32>
          %mul3A_328 = arith.constant 16 : i32
          %mul3A_329 = arith.muli %add3A_320, %mul3A_328 : i32
          %get3A_330 = arith.index_cast %add3A_144 : i32 to index
          %get3A_331 = arith.index_cast %mul3A_329 : i32 to index
          %get3A_332 = tpu.vector_load %arg10[%get3A_330, %get3A_331] {strides = array<i32>} : memref<32x512xf32, #tpu.memory_space<vmem>>, vector<1x16xf32>,
          %get3A_333 = vector.shape_cast %get3A_332 : vector<1x16xf32> to vector<16xf32>
          %add3A_334 = arith.addf %mul3A_327, %get3A_333 : vector<16xf32>
          %mul3A_335 = arith.constant 16 : i32
          %mul3A_336 = arith.muli %add3A_320, %mul3A_335 : i32
          %swap3A_337 = arith.index_cast %sub3A_145 : i32 to index
          %swap3A_338 = arith.index_cast %mul3A_336 : i32 to index
          %swap3A_339 = tpu.vector_load %arg9[%swap3A_337, %swap3A_338] {strides = array<i32>} : memref<32x512xf32, #tpu.memory_space<vmem>>, vector<1x16xf32>,
          %swap3A_340 = vector.shape_cast %swap3A_339 : vector<1x16xf32> to vector<16xf32>
          %swap3A_341 = vector.shape_cast %add3A_334 : vector<16xf32> to vector<1x16xf32>
          tpu.vector_store %arg9[%swap3A_337, %swap3A_338], %swap3A_341 {strides = array<i32>} : memref<32x512xf32, #tpu.memory_space<vmem>>, vector<1x16xf32>,
          %mul3A_342 = arith.mulf %add3A_334, %add3A_334 : vector<16xf32>
          %add3A_343 = arith.addf %scan3A_261, %mul3A_342 : vector<16xf32>
          %mul3A_344 = arith.constant 4 : i32
          %mul3A_345 = arith.muli %scan3A_258, %mul3A_344 : i32
          %add3A_346 = arith.constant 3 : i32
          %add3A_347 = arith.addi %mul3A_345, %add3A_346 : i32
          %mul3A_348 = arith.constant 16 : i32
          %mul3A_349 = arith.muli %add3A_347, %mul3A_348 : i32
          %get3A_350 = arith.index_cast %sub3A_145 : i32 to index
          %get3A_351 = arith.index_cast %mul3A_349 : i32 to index
          %get3A_352 = tpu.vector_load %arg9[%get3A_350, %get3A_351] {strides = array<i32>} : memref<32x512xf32, #tpu.memory_space<vmem>>, vector<1x16xf32>,
          %get3A_353 = vector.shape_cast %get3A_352 : vector<1x16xf32> to vector<16xf32>
          %mul3A_354 = arith.mulf %get3A_353, %mul3A_152 : vector<16xf32>
          %mul3A_355 = arith.constant 16 : i32
          %mul3A_356 = arith.muli %add3A_347, %mul3A_355 : i32
          %get3A_357 = arith.index_cast %add3A_144 : i32 to index
          %get3A_358 = arith.index_cast %mul3A_356 : i32 to index
          %get3A_359 = tpu.vector_load %arg10[%get3A_357, %get3A_358] {strides = array<i32>} : memref<32x512xf32, #tpu.memory_space<vmem>>, vector<1x16xf32>,
          %get3A_360 = vector.shape_cast %get3A_359 : vector<1x16xf32> to vector<16xf32>
          %add3A_361 = arith.addf %mul3A_354, %get3A_360 : vector<16xf32>
          %mul3A_362 = arith.constant 16 : i32
          %mul3A_363 = arith.muli %add3A_347, %mul3A_362 : i32
          %swap3A_364 = arith.index_cast %sub3A_145 : i32 to index
          %swap3A_365 = arith.index_cast %mul3A_363 : i32 to index
          %swap3A_366 = tpu.vector_load %arg9[%swap3A_364, %swap3A_365] {strides = array<i32>} : memref<32x512xf32, #tpu.memory_space<vmem>>, vector<1x16xf32>,
          %swap3A_367 = vector.shape_cast %swap3A_366 : vector<1x16xf32> to vector<16xf32>
          %swap3A_368 = vector.shape_cast %add3A_361 : vector<16xf32> to vector<1x16xf32>
          tpu.vector_store %arg9[%swap3A_364, %swap3A_365], %swap3A_368 {strides = array<i32>} : memref<32x512xf32, #tpu.memory_space<vmem>>, vector<1x16xf32>,
          %mul3A_369 = arith.mulf %add3A_361, %add3A_361 : vector<16xf32>
          %add3A_370 = arith.addf %scan3A_262, %mul3A_369 : vector<16xf32>
          %scan3A_371 = arith.constant 1 : i32
          %scan3A_372 = arith.addi %scan3A_258, %scan3A_371 : i32
          %mul3A_373 = arith.constant 4 : i32
          %mul3A_374 = arith.muli %scan3A_372, %mul3A_373 : i32
          %add3A_375 = arith.constant 0 : i32
          %add3A_376 = arith.addi %mul3A_374, %add3A_375 : i32
          %mul3A_377 = arith.constant 16 : i32
          %mul3A_378 = arith.muli %add3A_376, %mul3A_377 : i32
          %get3A_379 = arith.index_cast %sub3A_145 : i32 to index
          %get3A_380 = arith.index_cast %mul3A_378 : i32 to index
          %get3A_381 = tpu.vector_load %arg9[%get3A_379, %get3A_380] {strides = array<i32>} : memref<32x512xf32, #tpu.memory_space<vmem>>, vector<1x16xf32>,
          %get3A_382 = vector.shape_cast %get3A_381 : vector<1x16xf32> to vector<16xf32>
          %mul3A_383 = arith.mulf %get3A_382, %mul3A_152 : vector<16xf32>
          %mul3A_384 = arith.constant 16 : i32
          %mul3A_385 = arith.muli %add3A_376, %mul3A_384 : i32
          %get3A_386 = arith.index_cast %add3A_144 : i32 to index
          %get3A_387 = arith.index_cast %mul3A_385 : i32 to index
          %get3A_388 = tpu.vector_load %arg10[%get3A_386, %get3A_387] {strides = array<i32>} : memref<32x512xf32, #tpu.memory_space<vmem>>, vector<1x16xf32>,
          %get3A_389 = vector.shape_cast %get3A_388 : vector<1x16xf32> to vector<16xf32>
          %add3A_390 = arith.addf %mul3A_383, %get3A_389 : vector<16xf32>
          %mul3A_391 = arith.constant 16 : i32
          %mul3A_392 = arith.muli %add3A_376, %mul3A_391 : i32
          %swap3A_393 = arith.index_cast %sub3A_145 : i32 to index
          %swap3A_394 = arith.index_cast %mul3A_392 : i32 to index
          %swap3A_395 = tpu.vector_load %arg9[%swap3A_393, %swap3A_394] {strides = array<i32>} : memref<32x512xf32, #tpu.memory_space<vmem>>, vector<1x16xf32>,
          %swap3A_396 = vector.shape_cast %swap3A_395 : vector<1x16xf32> to vector<16xf32>
          %swap3A_397 = vector.shape_cast %add3A_390 : vector<16xf32> to vector<1x16xf32>
          tpu.vector_store %arg9[%swap3A_393, %swap3A_394], %swap3A_397 {strides = array<i32>} : memref<32x512xf32, #tpu.memory_space<vmem>>, vector<1x16xf32>,
          %mul3A_398 = arith.mulf %add3A_390, %add3A_390 : vector<16xf32>
          %add3A_399 = arith.addf %add3A_289, %mul3A_398 : vector<16xf32>
          %mul3A_400 = arith.constant 4 : i32
          %mul3A_401 = arith.muli %scan3A_372, %mul3A_400 : i32
          %add3A_402 = arith.constant 1 : i32
          %add3A_403 = arith.addi %mul3A_401, %add3A_402 : i32
          %mul3A_404 = arith.constant 16 : i32
          %mul3A_405 = arith.muli %add3A_403, %mul3A_404 : i32
          %get3A_406 = arith.index_cast %sub3A_145 : i32 to index
          %get3A_407 = arith.index_cast %mul3A_405 : i32 to index
          %get3A_408 = tpu.vector_load %arg9[%get3A_406, %get3A_407] {strides = array<i32>} : memref<32x512xf32, #tpu.memory_space<vmem>>, vector<1x16xf32>,
          %get3A_409 = vector.shape_cast %get3A_408 : vector<1x16xf32> to vector<16xf32>
          %mul3A_410 = arith.mulf %get3A_409, %mul3A_152 : vector<16xf32>
          %mul3A_411 = arith.constant 16 : i32
          %mul3A_412 = arith.muli %add3A_403, %mul3A_411 : i32
          %get3A_413 = arith.index_cast %add3A_144 : i32 to index
          %get3A_414 = arith.index_cast %mul3A_412 : i32 to index
          %get3A_415 = tpu.vector_load %arg10[%get3A_413, %get3A_414] {strides = array<i32>} : memref<32x512xf32, #tpu.memory_space<vmem>>, vector<1x16xf32>,
          %get3A_416 = vector.shape_cast %get3A_415 : vector<1x16xf32> to vector<16xf32>
          %add3A_417 = arith.addf %mul3A_410, %get3A_416 : vector<16xf32>
          %mul3A_418 = arith.constant 16 : i32
          %mul3A_419 = arith.muli %add3A_403, %mul3A_418 : i32
          %swap3A_420 = arith.index_cast %sub3A_145 : i32 to index
          %swap3A_421 = arith.index_cast %mul3A_419 : i32 to index
          %swap3A_422 = tpu.vector_load %arg9[%swap3A_420, %swap3A_421] {strides = array<i32>} : memref<32x512xf32, #tpu.memory_space<vmem>>, vector<1x16xf32>,
          %swap3A_423 = vector.shape_cast %swap3A_422 : vector<1x16xf32> to vector<16xf32>
          %swap3A_424 = vector.shape_cast %add3A_417 : vector<16xf32> to vector<1x16xf32>
          tpu.vector_store %arg9[%swap3A_420, %swap3A_421], %swap3A_424 {strides = array<i32>} : memref<32x512xf32, #tpu.memory_space<vmem>>, vector<1x16xf32>,
          %mul3A_425 = arith.mulf %add3A_417, %add3A_417 : vector<16xf32>
          %add3A_426 = arith.addf %add3A_316, %mul3A_425 : vector<16xf32>
          %mul3A_427 = arith.constant 4 : i32
          %mul3A_428 = arith.muli %scan3A_372, %mul3A_427 : i32
          %add3A_429 = arith.constant 2 : i32
          %add3A_430 = arith.addi %mul3A_428, %add3A_429 : i32
          %mul3A_431 = arith.constant 16 : i32
          %mul3A_432 = arith.muli %add3A_430, %mul3A_431 : i32
          %get3A_433 = arith.index_cast %sub3A_145 : i32 to index
          %get3A_434 = arith.index_cast %mul3A_432 : i32 to index
          %get3A_435 = tpu.vector_load %arg9[%get3A_433, %get3A_434] {strides = array<i32>} : memref<32x512xf32, #tpu.memory_space<vmem>>, vector<1x16xf32>,
          %get3A_436 = vector.shape_cast %get3A_435 : vector<1x16xf32> to vector<16xf32>
          %mul3A_437 = arith.mulf %get3A_436, %mul3A_152 : vector<16xf32>
          %mul3A_438 = arith.constant 16 : i32
          %mul3A_439 = arith.muli %add3A_430, %mul3A_438 : i32
          %get3A_440 = arith.index_cast %add3A_144 : i32 to index
          %get3A_441 = arith.index_cast %mul3A_439 : i32 to index
          %get3A_442 = tpu.vector_load %arg10[%get3A_440, %get3A_441] {strides = array<i32>} : memref<32x512xf32, #tpu.memory_space<vmem>>, vector<1x16xf32>,
          %get3A_443 = vector.shape_cast %get3A_442 : vector<1x16xf32> to vector<16xf32>
          %add3A_444 = arith.addf %mul3A_437, %get3A_443 : vector<16xf32>
          %mul3A_445 = arith.constant 16 : i32
          %mul3A_446 = arith.muli %add3A_430, %mul3A_445 : i32
          %swap3A_447 = arith.index_cast %sub3A_145 : i32 to index
          %swap3A_448 = arith.index_cast %mul3A_446 : i32 to index
          %swap3A_449 = tpu.vector_load %arg9[%swap3A_447, %swap3A_448] {strides = array<i32>} : memref<32x512xf32, #tpu.memory_space<vmem>>, vector<1x16xf32>,
          %swap3A_450 = vector.shape_cast %swap3A_449 : vector<1x16xf32> to vector<16xf32>
          %swap3A_451 = vector.shape_cast %add3A_444 : vector<16xf32> to vector<1x16xf32>
          tpu.vector_store %arg9[%swap3A_447, %swap3A_448], %swap3A_451 {strides = array<i32>} : memref<32x512xf32, #tpu.memory_space<vmem>>, vector<1x16xf32>,
          %mul3A_452 = arith.mulf %add3A_444, %add3A_444 : vector<16xf32>
          %add3A_453 = arith.addf %add3A_343, %mul3A_452 : vector<16xf32>
          %mul3A_454 = arith.constant 4 : i32
          %mul3A_455 = arith.muli %scan3A_372, %mul3A_454 : i32
          %add3A_456 = arith.constant 3 : i32
          %add3A_457 = arith.addi %mul3A_455, %add3A_456 : i32
          %mul3A_458 = arith.constant 16 : i32
          %mul3A_459 = arith.muli %add3A_457, %mul3A_458 : i32
          %get3A_460 = arith.index_cast %sub3A_145 : i32 to index
          %get3A_461 = arith.index_cast %mul3A_459 : i32 to index
          %get3A_462 = tpu.vector_load %arg9[%get3A_460, %get3A_461] {strides = array<i32>} : memref<32x512xf32, #tpu.memory_space<vmem>>, vector<1x16xf32>,
          %get3A_463 = vector.shape_cast %get3A_462 : vector<1x16xf32> to vector<16xf32>
          %mul3A_464 = arith.mulf %get3A_463, %mul3A_152 : vector<16xf32>
          %mul3A_465 = arith.constant 16 : i32
          %mul3A_466 = arith.muli %add3A_457, %mul3A_465 : i32
          %get3A_467 = arith.index_cast %add3A_144 : i32 to index
          %get3A_468 = arith.index_cast %mul3A_466 : i32 to index
          %get3A_469 = tpu.vector_load %arg10[%get3A_467, %get3A_468] {strides = array<i32>} : memref<32x512xf32, #tpu.memory_space<vmem>>, vector<1x16xf32>,
          %get3A_470 = vector.shape_cast %get3A_469 : vector<1x16xf32> to vector<16xf32>
          %add3A_471 = arith.addf %mul3A_464, %get3A_470 : vector<16xf32>
          %mul3A_472 = arith.constant 16 : i32
          %mul3A_473 = arith.muli %add3A_457, %mul3A_472 : i32
          %swap3A_474 = arith.index_cast %sub3A_145 : i32 to index
          %swap3A_475 = arith.index_cast %mul3A_473 : i32 to index
          %swap3A_476 = tpu.vector_load %arg9[%swap3A_474, %swap3A_475] {strides = array<i32>} : memref<32x512xf32, #tpu.memory_space<vmem>>, vector<1x16xf32>,
          %swap3A_477 = vector.shape_cast %swap3A_476 : vector<1x16xf32> to vector<16xf32>
          %swap3A_478 = vector.shape_cast %add3A_471 : vector<16xf32> to vector<1x16xf32>
          tpu.vector_store %arg9[%swap3A_474, %swap3A_475], %swap3A_478 {strides = array<i32>} : memref<32x512xf32, #tpu.memory_space<vmem>>, vector<1x16xf32>,
          %mul3A_479 = arith.mulf %add3A_471, %add3A_471 : vector<16xf32>
          %add3A_480 = arith.addf %add3A_370, %mul3A_479 : vector<16xf32>
          scf.yield %add3A_399, %add3A_426, %add3A_453, %add3A_480 : vector<16xf32>, vector<16xf32>, vector<16xf32>, vector<16xf32>
        }
        %scan3A_160 = arith.constant 8 : i32
        %add3A_161 = arith.addf %scan3A_159#0, %scan3A_159#1 : vector<16xf32>
        %add3A_162 = arith.addf %scan3A_159#2, %scan3A_159#3 : vector<16xf32>
        %add3A_163 = arith.addf %add3A_161, %add3A_162 : vector<16xf32>
        %xor3A = arith.constant 8 : i32
        %xor3A_164 = vector.broadcast %xor3A : i32 to vector<16xi32>
        %xor3A_165 = arith.xori %iota3A, %xor3A_164 : vector<16xi32>
        %lt3A_166 = arith.constant 0 : i32
        %lt3A_167 = vector.broadcast %lt3A_166 : i32 to vector<16xi32>
        %lt3A_168 = arith.cmpi slt, %xor3A_165, %lt3A_167 : vector<16xi32>
        %add3A_169 = arith.constant 16 : i32
        %add3A_170 = vector.broadcast %add3A_169 : i32 to vector<16xi32>
        %add3A_171 = arith.addi %xor3A_165, %add3A_170 : vector<16xi32>
        %select_n3A = arith.select %lt3A_168, %add3A_171, %xor3A_165 : vector<16xi1>, vector<16xi32>
        %broadcast_in_dim3A_172 = vector.shape_cast %select_n3A : vector<16xi32> to vector<16x1xi32>
        %gather3A = vector.shape_cast %broadcast_in_dim3A_172 : vector<16x1xi32> to vector<16xi32>
        %gather3A_173 = tpu.dynamic_gather %add3A_163[%gather3A] in [0] : vector<16xf32>, vector<16xi32> -> vector<16xf32>
        %add3A_174 = arith.addf %add3A_163, %gather3A_173 : vector<16xf32>
        %xor3A_175 = arith.constant 4 : i32
        %xor3A_176 = vector.broadcast %xor3A_175 : i32 to vector<16xi32>
        %xor3A_177 = arith.xori %iota3A, %xor3A_176 : vector<16xi32>
        %lt3A_178 = arith.constant 0 : i32
        %lt3A_179 = vector.broadcast %lt3A_178 : i32 to vector<16xi32>
        %lt3A_180 = arith.cmpi slt, %xor3A_177, %lt3A_179 : vector<16xi32>
        %add3A_181 = arith.constant 16 : i32
        %add3A_182 = vector.broadcast %add3A_181 : i32 to vector<16xi32>
        %add3A_183 = arith.addi %xor3A_177, %add3A_182 : vector<16xi32>
        %select_n3A_184 = arith.select %lt3A_180, %add3A_183, %xor3A_177 : vector<16xi1>, vector<16xi32>
        %broadcast_in_dim3A_185 = vector.shape_cast %select_n3A_184 : vector<16xi32> to vector<16x1xi32>
        %gather3A_186 = vector.shape_cast %broadcast_in_dim3A_185 : vector<16x1xi32> to vector<16xi32>
        %gather3A_187 = tpu.dynamic_gather %add3A_174[%gather3A_186] in [0] : vector<16xf32>, vector<16xi32> -> vector<16xf32>
        %add3A_188 = arith.addf %add3A_174, %gather3A_187 : vector<16xf32>
        %xor3A_189 = arith.constant 2 : i32
        %xor3A_190 = vector.broadcast %xor3A_189 : i32 to vector<16xi32>
        %xor3A_191 = arith.xori %iota3A, %xor3A_190 : vector<16xi32>
        %lt3A_192 = arith.constant 0 : i32
        %lt3A_193 = vector.broadcast %lt3A_192 : i32 to vector<16xi32>
        %lt3A_194 = arith.cmpi slt, %xor3A_191, %lt3A_193 : vector<16xi32>
        %add3A_195 = arith.constant 16 : i32
        %add3A_196 = vector.broadcast %add3A_195 : i32 to vector<16xi32>
        %add3A_197 = arith.addi %xor3A_191, %add3A_196 : vector<16xi32>
        %select_n3A_198 = arith.select %lt3A_194, %add3A_197, %xor3A_191 : vector<16xi1>, vector<16xi32>
        %broadcast_in_dim3A_199 = vector.shape_cast %select_n3A_198 : vector<16xi32> to vector<16x1xi32>
        %gather3A_200 = vector.shape_cast %broadcast_in_dim3A_199 : vector<16x1xi32> to vector<16xi32>
        %gather3A_201 = tpu.dynamic_gather %add3A_188[%gather3A_200] in [0] : vector<16xf32>, vector<16xi32> -> vector<16xf32>
        %add3A_202 = arith.addf %add3A_188, %gather3A_201 : vector<16xf32>
        %xor3A_203 = arith.constant 1 : i32
        %xor3A_204 = vector.broadcast %xor3A_203 : i32 to vector<16xi32>
        %xor3A_205 = arith.xori %iota3A, %xor3A_204 : vector<16xi32>
        %lt3A_206 = arith.constant 0 : i32
        %lt3A_207 = vector.broadcast %lt3A_206 : i32 to vector<16xi32>
        %lt3A_208 = arith.cmpi slt, %xor3A_205, %lt3A_207 : vector<16xi32>
        %add3A_209 = arith.constant 16 : i32
        %add3A_210 = vector.broadcast %add3A_209 : i32 to vector<16xi32>
        %add3A_211 = arith.addi %xor3A_205, %add3A_210 : vector<16xi32>
        %select_n3A_212 = arith.select %lt3A_208, %add3A_211, %xor3A_205 : vector<16xi1>, vector<16xi32>
        %broadcast_in_dim3A_213 = vector.shape_cast %select_n3A_212 : vector<16xi32> to vector<16x1xi32>
        %gather3A_214 = vector.shape_cast %broadcast_in_dim3A_213 : vector<16x1xi32> to vector<16xi32>
        %gather3A_215 = tpu.dynamic_gather %add3A_202[%gather3A_214] in [0] : vector<16xf32>, vector<16xi32> -> vector<16xf32>
        %add3A_216 = arith.addf %add3A_202, %gather3A_215 : vector<16xf32>
        %bitcast_convert_type3A = tpu.bitcast %add3A_216 : vector<16xf32> -> vector<16xi32>
        %shift_right_arithmetic3A_217 = arith.constant 1 : i32
        %shift_right_arithmetic3A_218 = vector.broadcast %shift_right_arithmetic3A_217 : i32 to vector<16xi32>
        %shift_right_arithmetic3A_219 = arith.shrsi %bitcast_convert_type3A, %shift_right_arithmetic3A_218 : vector<16xi32>
        %sub3A_220 = arith.constant 1597463007 : i32
        %sub3A_221 = vector.broadcast %sub3A_220 : i32 to vector<16xi32>
        %sub3A_222 = arith.subi %sub3A_221, %shift_right_arithmetic3A_219 : vector<16xi32>
        %bitcast_convert_type3A_223 = tpu.bitcast %sub3A_222 : vector<16xi32> -> vector<16xf32>
        %mul3A_224 = arith.constant 5.000000e-01 : f32
        %mul3A_225 = vector.broadcast %mul3A_224 : f32 to vector<16xf32>
        %mul3A_226 = arith.mulf %mul3A_225, %add3A_216 : vector<16xf32>
        %mul3A_227 = arith.mulf %mul3A_226, %bitcast_convert_type3A_223 : vector<16xf32>
        %mul3A_228 = arith.mulf %mul3A_227, %bitcast_convert_type3A_223 : vector<16xf32>
        %sub3A_229 = arith.constant 1.500000e+00 : f32
        %sub3A_230 = vector.broadcast %sub3A_229 : f32 to vector<16xf32>
        %sub3A_231 = arith.subf %sub3A_230, %mul3A_228 : vector<16xf32>
        %mul3A_232 = arith.mulf %bitcast_convert_type3A_223, %sub3A_231 : vector<16xf32>
        %mul3A_233 = arith.constant 5.000000e-01 : f32
        %mul3A_234 = vector.broadcast %mul3A_233 : f32 to vector<16xf32>
        %mul3A_235 = arith.mulf %mul3A_234, %add3A_216 : vector<16xf32>
        %mul3A_236 = arith.mulf %mul3A_235, %mul3A_232 : vector<16xf32>
        %mul3A_237 = arith.mulf %mul3A_236, %mul3A_232 : vector<16xf32>
        %sub3A_238 = arith.constant 1.500000e+00 : f32
        %sub3A_239 = vector.broadcast %sub3A_238 : f32 to vector<16xf32>
        %sub3A_240 = arith.subf %sub3A_239, %mul3A_237 : vector<16xf32>
        %mul3A_241 = arith.mulf %mul3A_232, %sub3A_240 : vector<16xf32>
        %mul3A_242 = arith.constant 5.000000e-01 : f32
        %mul3A_243 = vector.broadcast %mul3A_242 : f32 to vector<16xf32>
        %mul3A_244 = arith.mulf %mul3A_243, %add3A_216 : vector<16xf32>
        %mul3A_245 = arith.mulf %mul3A_244, %mul3A_241 : vector<16xf32>
        %mul3A_246 = arith.mulf %mul3A_245, %mul3A_241 : vector<16xf32>
        %sub3A_247 = arith.constant 1.500000e+00 : f32
        %sub3A_248 = vector.broadcast %sub3A_247 : f32 to vector<16xf32>
        %sub3A_249 = arith.subf %sub3A_248, %mul3A_246 : vector<16xf32>
        %mul3A_250 = arith.mulf %mul3A_241, %sub3A_249 : vector<16xf32>
        %min3A_251 = arith.constant 9.99999995E+11 : f32
        %min3A_252 = vector.broadcast %min3A_251 : f32 to vector<16xf32>
        %min3A_253 = arith.minimumf %mul3A_250, %min3A_252 : vector<16xf32>
        %swap3A = arith.index_cast %sub3A_145 : i32 to index
        %swap3A_254 = arith.constant 0 : index
        %swap3A_255 = tpu.vector_load %arg12[%swap3A, %swap3A_254] {strides = array<i32>} : memref<32x16xf32, #tpu.memory_space<vmem>>, vector<1x16xf32>,
        %swap3A_256 = vector.shape_cast %swap3A_255 : vector<1x16xf32> to vector<16xf32>
        %swap3A_257 = vector.shape_cast %min3A_253 : vector<16xf32> to vector<1x16xf32>
        tpu.vector_store %arg12[%swap3A, %swap3A_254], %swap3A_257 {strides = array<i32>} : memref<32x16xf32, #tpu.memory_space<vmem>>, vector<1x16xf32>,
      }
      %while3A_135 = arith.constant 1 : i32
      scf.for %while3A_136 = %while3A_133 to %while3A_129 step %while3A_135  : i32 {
        %add3A_137 = arith.addi %mul3A_120, %while3A_136 : i32
        %get3A_138 = arith.index_cast %add3A_137 : i32 to index
        %get3A_139 = arith.constant 0 : index
        %get3A_140 = tpu.vector_load %arg11[%get3A_138, %get3A_139] {strides = array<i32>} : memref<32x16xi32, #tpu.memory_space<vmem>>, vector<1x16xi32>,
        %get3A_141 = vector.shape_cast %get3A_140 : vector<1x16xi32> to vector<16xi32>
        %slice3A_142 = vector.extract_strided_slice %get3A_141 {offsets = [0], sizes = [1], strides = [1]} : vector<16xi32> to vector<1xi32>
        %squeeze3A_143 = vector.extract %slice3A_142[0] : i32 from vector<1xi32>
        %add3A_144 = arith.addi %mul3A_120, %while3A_136 : i32
        %sub3A_145 = arith.subi %squeeze3A_143, %multiple_of3A : i32
        %get3A_146 = arith.index_cast %sub3A_145 : i32 to index
        %get3A_147 = arith.constant 0 : index
        %get3A_148 = tpu.vector_load %arg12[%get3A_146, %get3A_147] {strides = array<i32>} : memref<32x16xf32, #tpu.memory_space<vmem>>, vector<1x16xf32>,
        %get3A_149 = vector.shape_cast %get3A_148 : vector<1x16xf32> to vector<16xf32>
        %mul3A_150 = arith.constant 0.949999988 : f32
        %mul3A_151 = vector.broadcast %mul3A_150 : f32 to vector<16xf32>
        %mul3A_152 = arith.mulf %get3A_149, %mul3A_151 : vector<16xf32>
        %broadcast_in_dim3A_153 = arith.constant 0.000000e+00 : f32
        %broadcast_in_dim3A_154 = vector.broadcast %broadcast_in_dim3A_153 : f32 to vector<16xf32>
        %scan3A_155 = arith.constant 0 : i32
        %scan3A_156 = arith.constant 8 : i32
        %scan3A_157 = arith.addi %scan3A_155, %scan3A_156 : i32
        %scan3A_158 = arith.constant 2 : i32
        %scan3A_159:4 = scf.for %scan3A_258 = %scan3A_155 to %scan3A_157 step %scan3A_158 iter_args(%scan3A_259 = %broadcast_in_dim3A_154, %scan3A_260 = %broadcast_in_dim3A_154, %scan3A_261 = %broadcast_in_dim3A_154, %scan3A_262 = %broadcast_in_dim3A_154) -> (vector<16xf32>, vector<16xf32>, vector<16xf32>, vector<16xf32>)  : i32 {
          %mul3A_263 = arith.constant 4 : i32
          %mul3A_264 = arith.muli %scan3A_258, %mul3A_263 : i32
          %add3A_265 = arith.constant 0 : i32
          %add3A_266 = arith.addi %mul3A_264, %add3A_265 : i32
          %mul3A_267 = arith.constant 16 : i32
          %mul3A_268 = arith.muli %add3A_266, %mul3A_267 : i32
          %get3A_269 = arith.index_cast %sub3A_145 : i32 to index
          %get3A_270 = arith.index_cast %mul3A_268 : i32 to index
          %get3A_271 = tpu.vector_load %arg9[%get3A_269, %get3A_270] {strides = array<i32>} : memref<32x512xf32, #tpu.memory_space<vmem>>, vector<1x16xf32>,
          %get3A_272 = vector.shape_cast %get3A_271 : vector<1x16xf32> to vector<16xf32>
          %mul3A_273 = arith.mulf %get3A_272, %mul3A_152 : vector<16xf32>
          %mul3A_274 = arith.constant 16 : i32
          %mul3A_275 = arith.muli %add3A_266, %mul3A_274 : i32
          %get3A_276 = arith.index_cast %add3A_144 : i32 to index
          %get3A_277 = arith.index_cast %mul3A_275 : i32 to index
          %get3A_278 = tpu.vector_load %arg10[%get3A_276, %get3A_277] {strides = array<i32>} : memref<32x512xf32, #tpu.memory_space<vmem>>, vector<1x16xf32>,
          %get3A_279 = vector.shape_cast %get3A_278 : vector<1x16xf32> to vector<16xf32>
          %add3A_280 = arith.addf %mul3A_273, %get3A_279 : vector<16xf32>
          %mul3A_281 = arith.constant 16 : i32
          %mul3A_282 = arith.muli %add3A_266, %mul3A_281 : i32
          %swap3A_283 = arith.index_cast %sub3A_145 : i32 to index
          %swap3A_284 = arith.index_cast %mul3A_282 : i32 to index
          %swap3A_285 = tpu.vector_load %arg9[%swap3A_283, %swap3A_284] {strides = array<i32>} : memref<32x512xf32, #tpu.memory_space<vmem>>, vector<1x16xf32>,
          %swap3A_286 = vector.shape_cast %swap3A_285 : vector<1x16xf32> to vector<16xf32>
          %swap3A_287 = vector.shape_cast %add3A_280 : vector<16xf32> to vector<1x16xf32>
          tpu.vector_store %arg9[%swap3A_283, %swap3A_284], %swap3A_287 {strides = array<i32>} : memref<32x512xf32, #tpu.memory_space<vmem>>, vector<1x16xf32>,
          %mul3A_288 = arith.mulf %add3A_280, %add3A_280 : vector<16xf32>
          %add3A_289 = arith.addf %scan3A_259, %mul3A_288 : vector<16xf32>
          %mul3A_290 = arith.constant 4 : i32
          %mul3A_291 = arith.muli %scan3A_258, %mul3A_290 : i32
          %add3A_292 = arith.constant 1 : i32
          %add3A_293 = arith.addi %mul3A_291, %add3A_292 : i32
          %mul3A_294 = arith.constant 16 : i32
          %mul3A_295 = arith.muli %add3A_293, %mul3A_294 : i32
          %get3A_296 = arith.index_cast %sub3A_145 : i32 to index
          %get3A_297 = arith.index_cast %mul3A_295 : i32 to index
          %get3A_298 = tpu.vector_load %arg9[%get3A_296, %get3A_297] {strides = array<i32>} : memref<32x512xf32, #tpu.memory_space<vmem>>, vector<1x16xf32>,
          %get3A_299 = vector.shape_cast %get3A_298 : vector<1x16xf32> to vector<16xf32>
          %mul3A_300 = arith.mulf %get3A_299, %mul3A_152 : vector<16xf32>
          %mul3A_301 = arith.constant 16 : i32
          %mul3A_302 = arith.muli %add3A_293, %mul3A_301 : i32
          %get3A_303 = arith.index_cast %add3A_144 : i32 to index
          %get3A_304 = arith.index_cast %mul3A_302 : i32 to index
          %get3A_305 = tpu.vector_load %arg10[%get3A_303, %get3A_304] {strides = array<i32>} : memref<32x512xf32, #tpu.memory_space<vmem>>, vector<1x16xf32>,
          %get3A_306 = vector.shape_cast %get3A_305 : vector<1x16xf32> to vector<16xf32>
          %add3A_307 = arith.addf %mul3A_300, %get3A_306 : vector<16xf32>
          %mul3A_308 = arith.constant 16 : i32
          %mul3A_309 = arith.muli %add3A_293, %mul3A_308 : i32
          %swap3A_310 = arith.index_cast %sub3A_145 : i32 to index
          %swap3A_311 = arith.index_cast %mul3A_309 : i32 to index
          %swap3A_312 = tpu.vector_load %arg9[%swap3A_310, %swap3A_311] {strides = array<i32>} : memref<32x512xf32, #tpu.memory_space<vmem>>, vector<1x16xf32>,
          %swap3A_313 = vector.shape_cast %swap3A_312 : vector<1x16xf32> to vector<16xf32>
          %swap3A_314 = vector.shape_cast %add3A_307 : vector<16xf32> to vector<1x16xf32>
          tpu.vector_store %arg9[%swap3A_310, %swap3A_311], %swap3A_314 {strides = array<i32>} : memref<32x512xf32, #tpu.memory_space<vmem>>, vector<1x16xf32>,
          %mul3A_315 = arith.mulf %add3A_307, %add3A_307 : vector<16xf32>
          %add3A_316 = arith.addf %scan3A_260, %mul3A_315 : vector<16xf32>
          %mul3A_317 = arith.constant 4 : i32
          %mul3A_318 = arith.muli %scan3A_258, %mul3A_317 : i32
          %add3A_319 = arith.constant 2 : i32
          %add3A_320 = arith.addi %mul3A_318, %add3A_319 : i32
          %mul3A_321 = arith.constant 16 : i32
          %mul3A_322 = arith.muli %add3A_320, %mul3A_321 : i32
          %get3A_323 = arith.index_cast %sub3A_145 : i32 to index
          %get3A_324 = arith.index_cast %mul3A_322 : i32 to index
          %get3A_325 = tpu.vector_load %arg9[%get3A_323, %get3A_324] {strides = array<i32>} : memref<32x512xf32, #tpu.memory_space<vmem>>, vector<1x16xf32>,
          %get3A_326 = vector.shape_cast %get3A_325 : vector<1x16xf32> to vector<16xf32>
          %mul3A_327 = arith.mulf %get3A_326, %mul3A_152 : vector<16xf32>
          %mul3A_328 = arith.constant 16 : i32
          %mul3A_329 = arith.muli %add3A_320, %mul3A_328 : i32
          %get3A_330 = arith.index_cast %add3A_144 : i32 to index
          %get3A_331 = arith.index_cast %mul3A_329 : i32 to index
          %get3A_332 = tpu.vector_load %arg10[%get3A_330, %get3A_331] {strides = array<i32>} : memref<32x512xf32, #tpu.memory_space<vmem>>, vector<1x16xf32>,
          %get3A_333 = vector.shape_cast %get3A_332 : vector<1x16xf32> to vector<16xf32>
          %add3A_334 = arith.addf %mul3A_327, %get3A_333 : vector<16xf32>
          %mul3A_335 = arith.constant 16 : i32
          %mul3A_336 = arith.muli %add3A_320, %mul3A_335 : i32
          %swap3A_337 = arith.index_cast %sub3A_145 : i32 to index
          %swap3A_338 = arith.index_cast %mul3A_336 : i32 to index
          %swap3A_339 = tpu.vector_load %arg9[%swap3A_337, %swap3A_338] {strides = array<i32>} : memref<32x512xf32, #tpu.memory_space<vmem>>, vector<1x16xf32>,
          %swap3A_340 = vector.shape_cast %swap3A_339 : vector<1x16xf32> to vector<16xf32>
          %swap3A_341 = vector.shape_cast %add3A_334 : vector<16xf32> to vector<1x16xf32>
          tpu.vector_store %arg9[%swap3A_337, %swap3A_338], %swap3A_341 {strides = array<i32>} : memref<32x512xf32, #tpu.memory_space<vmem>>, vector<1x16xf32>,
          %mul3A_342 = arith.mulf %add3A_334, %add3A_334 : vector<16xf32>
          %add3A_343 = arith.addf %scan3A_261, %mul3A_342 : vector<16xf32>
          %mul3A_344 = arith.constant 4 : i32
          %mul3A_345 = arith.muli %scan3A_258, %mul3A_344 : i32
          %add3A_346 = arith.constant 3 : i32
          %add3A_347 = arith.addi %mul3A_345, %add3A_346 : i32
          %mul3A_348 = arith.constant 16 : i32
          %mul3A_349 = arith.muli %add3A_347, %mul3A_348 : i32
          %get3A_350 = arith.index_cast %sub3A_145 : i32 to index
          %get3A_351 = arith.index_cast %mul3A_349 : i32 to index
          %get3A_352 = tpu.vector_load %arg9[%get3A_350, %get3A_351] {strides = array<i32>} : memref<32x512xf32, #tpu.memory_space<vmem>>, vector<1x16xf32>,
          %get3A_353 = vector.shape_cast %get3A_352 : vector<1x16xf32> to vector<16xf32>
          %mul3A_354 = arith.mulf %get3A_353, %mul3A_152 : vector<16xf32>
          %mul3A_355 = arith.constant 16 : i32
          %mul3A_356 = arith.muli %add3A_347, %mul3A_355 : i32
          %get3A_357 = arith.index_cast %add3A_144 : i32 to index
          %get3A_358 = arith.index_cast %mul3A_356 : i32 to index
          %get3A_359 = tpu.vector_load %arg10[%get3A_357, %get3A_358] {strides = array<i32>} : memref<32x512xf32, #tpu.memory_space<vmem>>, vector<1x16xf32>,
          %get3A_360 = vector.shape_cast %get3A_359 : vector<1x16xf32> to vector<16xf32>
          %add3A_361 = arith.addf %mul3A_354, %get3A_360 : vector<16xf32>
          %mul3A_362 = arith.constant 16 : i32
          %mul3A_363 = arith.muli %add3A_347, %mul3A_362 : i32
          %swap3A_364 = arith.index_cast %sub3A_145 : i32 to index
          %swap3A_365 = arith.index_cast %mul3A_363 : i32 to index
          %swap3A_366 = tpu.vector_load %arg9[%swap3A_364, %swap3A_365] {strides = array<i32>} : memref<32x512xf32, #tpu.memory_space<vmem>>, vector<1x16xf32>,
          %swap3A_367 = vector.shape_cast %swap3A_366 : vector<1x16xf32> to vector<16xf32>
          %swap3A_368 = vector.shape_cast %add3A_361 : vector<16xf32> to vector<1x16xf32>
          tpu.vector_store %arg9[%swap3A_364, %swap3A_365], %swap3A_368 {strides = array<i32>} : memref<32x512xf32, #tpu.memory_space<vmem>>, vector<1x16xf32>,
          %mul3A_369 = arith.mulf %add3A_361, %add3A_361 : vector<16xf32>
          %add3A_370 = arith.addf %scan3A_262, %mul3A_369 : vector<16xf32>
          %scan3A_371 = arith.constant 1 : i32
          %scan3A_372 = arith.addi %scan3A_258, %scan3A_371 : i32
          %mul3A_373 = arith.constant 4 : i32
          %mul3A_374 = arith.muli %scan3A_372, %mul3A_373 : i32
          %add3A_375 = arith.constant 0 : i32
          %add3A_376 = arith.addi %mul3A_374, %add3A_375 : i32
          %mul3A_377 = arith.constant 16 : i32
          %mul3A_378 = arith.muli %add3A_376, %mul3A_377 : i32
          %get3A_379 = arith.index_cast %sub3A_145 : i32 to index
          %get3A_380 = arith.index_cast %mul3A_378 : i32 to index
          %get3A_381 = tpu.vector_load %arg9[%get3A_379, %get3A_380] {strides = array<i32>} : memref<32x512xf32, #tpu.memory_space<vmem>>, vector<1x16xf32>,
          %get3A_382 = vector.shape_cast %get3A_381 : vector<1x16xf32> to vector<16xf32>
          %mul3A_383 = arith.mulf %get3A_382, %mul3A_152 : vector<16xf32>
          %mul3A_384 = arith.constant 16 : i32
          %mul3A_385 = arith.muli %add3A_376, %mul3A_384 : i32
          %get3A_386 = arith.index_cast %add3A_144 : i32 to index
          %get3A_387 = arith.index_cast %mul3A_385 : i32 to index
          %get3A_388 = tpu.vector_load %arg10[%get3A_386, %get3A_387] {strides = array<i32>} : memref<32x512xf32, #tpu.memory_space<vmem>>, vector<1x16xf32>,
          %get3A_389 = vector.shape_cast %get3A_388 : vector<1x16xf32> to vector<16xf32>
          %add3A_390 = arith.addf %mul3A_383, %get3A_389 : vector<16xf32>
          %mul3A_391 = arith.constant 16 : i32
          %mul3A_392 = arith.muli %add3A_376, %mul3A_391 : i32
          %swap3A_393 = arith.index_cast %sub3A_145 : i32 to index
          %swap3A_394 = arith.index_cast %mul3A_392 : i32 to index
          %swap3A_395 = tpu.vector_load %arg9[%swap3A_393, %swap3A_394] {strides = array<i32>} : memref<32x512xf32, #tpu.memory_space<vmem>>, vector<1x16xf32>,
          %swap3A_396 = vector.shape_cast %swap3A_395 : vector<1x16xf32> to vector<16xf32>
          %swap3A_397 = vector.shape_cast %add3A_390 : vector<16xf32> to vector<1x16xf32>
          tpu.vector_store %arg9[%swap3A_393, %swap3A_394], %swap3A_397 {strides = array<i32>} : memref<32x512xf32, #tpu.memory_space<vmem>>, vector<1x16xf32>,
          %mul3A_398 = arith.mulf %add3A_390, %add3A_390 : vector<16xf32>
          %add3A_399 = arith.addf %add3A_289, %mul3A_398 : vector<16xf32>
          %mul3A_400 = arith.constant 4 : i32
          %mul3A_401 = arith.muli %scan3A_372, %mul3A_400 : i32
          %add3A_402 = arith.constant 1 : i32
          %add3A_403 = arith.addi %mul3A_401, %add3A_402 : i32
          %mul3A_404 = arith.constant 16 : i32
          %mul3A_405 = arith.muli %add3A_403, %mul3A_404 : i32
          %get3A_406 = arith.index_cast %sub3A_145 : i32 to index
          %get3A_407 = arith.index_cast %mul3A_405 : i32 to index
          %get3A_408 = tpu.vector_load %arg9[%get3A_406, %get3A_407] {strides = array<i32>} : memref<32x512xf32, #tpu.memory_space<vmem>>, vector<1x16xf32>,
          %get3A_409 = vector.shape_cast %get3A_408 : vector<1x16xf32> to vector<16xf32>
          %mul3A_410 = arith.mulf %get3A_409, %mul3A_152 : vector<16xf32>
          %mul3A_411 = arith.constant 16 : i32
          %mul3A_412 = arith.muli %add3A_403, %mul3A_411 : i32
          %get3A_413 = arith.index_cast %add3A_144 : i32 to index
          %get3A_414 = arith.index_cast %mul3A_412 : i32 to index
          %get3A_415 = tpu.vector_load %arg10[%get3A_413, %get3A_414] {strides = array<i32>} : memref<32x512xf32, #tpu.memory_space<vmem>>, vector<1x16xf32>,
          %get3A_416 = vector.shape_cast %get3A_415 : vector<1x16xf32> to vector<16xf32>
          %add3A_417 = arith.addf %mul3A_410, %get3A_416 : vector<16xf32>
          %mul3A_418 = arith.constant 16 : i32
          %mul3A_419 = arith.muli %add3A_403, %mul3A_418 : i32
          %swap3A_420 = arith.index_cast %sub3A_145 : i32 to index
          %swap3A_421 = arith.index_cast %mul3A_419 : i32 to index
          %swap3A_422 = tpu.vector_load %arg9[%swap3A_420, %swap3A_421] {strides = array<i32>} : memref<32x512xf32, #tpu.memory_space<vmem>>, vector<1x16xf32>,
          %swap3A_423 = vector.shape_cast %swap3A_422 : vector<1x16xf32> to vector<16xf32>
          %swap3A_424 = vector.shape_cast %add3A_417 : vector<16xf32> to vector<1x16xf32>
          tpu.vector_store %arg9[%swap3A_420, %swap3A_421], %swap3A_424 {strides = array<i32>} : memref<32x512xf32, #tpu.memory_space<vmem>>, vector<1x16xf32>,
          %mul3A_425 = arith.mulf %add3A_417, %add3A_417 : vector<16xf32>
          %add3A_426 = arith.addf %add3A_316, %mul3A_425 : vector<16xf32>
          %mul3A_427 = arith.constant 4 : i32
          %mul3A_428 = arith.muli %scan3A_372, %mul3A_427 : i32
          %add3A_429 = arith.constant 2 : i32
          %add3A_430 = arith.addi %mul3A_428, %add3A_429 : i32
          %mul3A_431 = arith.constant 16 : i32
          %mul3A_432 = arith.muli %add3A_430, %mul3A_431 : i32
          %get3A_433 = arith.index_cast %sub3A_145 : i32 to index
          %get3A_434 = arith.index_cast %mul3A_432 : i32 to index
          %get3A_435 = tpu.vector_load %arg9[%get3A_433, %get3A_434] {strides = array<i32>} : memref<32x512xf32, #tpu.memory_space<vmem>>, vector<1x16xf32>,
          %get3A_436 = vector.shape_cast %get3A_435 : vector<1x16xf32> to vector<16xf32>
          %mul3A_437 = arith.mulf %get3A_436, %mul3A_152 : vector<16xf32>
          %mul3A_438 = arith.constant 16 : i32
          %mul3A_439 = arith.muli %add3A_430, %mul3A_438 : i32
          %get3A_440 = arith.index_cast %add3A_144 : i32 to index
          %get3A_441 = arith.index_cast %mul3A_439 : i32 to index
          %get3A_442 = tpu.vector_load %arg10[%get3A_440, %get3A_441] {strides = array<i32>} : memref<32x512xf32, #tpu.memory_space<vmem>>, vector<1x16xf32>,
          %get3A_443 = vector.shape_cast %get3A_442 : vector<1x16xf32> to vector<16xf32>
          %add3A_444 = arith.addf %mul3A_437, %get3A_443 : vector<16xf32>
          %mul3A_445 = arith.constant 16 : i32
          %mul3A_446 = arith.muli %add3A_430, %mul3A_445 : i32
          %swap3A_447 = arith.index_cast %sub3A_145 : i32 to index
          %swap3A_448 = arith.index_cast %mul3A_446 : i32 to index
          %swap3A_449 = tpu.vector_load %arg9[%swap3A_447, %swap3A_448] {strides = array<i32>} : memref<32x512xf32, #tpu.memory_space<vmem>>, vector<1x16xf32>,
          %swap3A_450 = vector.shape_cast %swap3A_449 : vector<1x16xf32> to vector<16xf32>
          %swap3A_451 = vector.shape_cast %add3A_444 : vector<16xf32> to vector<1x16xf32>
          tpu.vector_store %arg9[%swap3A_447, %swap3A_448], %swap3A_451 {strides = array<i32>} : memref<32x512xf32, #tpu.memory_space<vmem>>, vector<1x16xf32>,
          %mul3A_452 = arith.mulf %add3A_444, %add3A_444 : vector<16xf32>
          %add3A_453 = arith.addf %add3A_343, %mul3A_452 : vector<16xf32>
          %mul3A_454 = arith.constant 4 : i32
          %mul3A_455 = arith.muli %scan3A_372, %mul3A_454 : i32
          %add3A_456 = arith.constant 3 : i32
          %add3A_457 = arith.addi %mul3A_455, %add3A_456 : i32
          %mul3A_458 = arith.constant 16 : i32
          %mul3A_459 = arith.muli %add3A_457, %mul3A_458 : i32
          %get3A_460 = arith.index_cast %sub3A_145 : i32 to index
          %get3A_461 = arith.index_cast %mul3A_459 : i32 to index
          %get3A_462 = tpu.vector_load %arg9[%get3A_460, %get3A_461] {strides = array<i32>} : memref<32x512xf32, #tpu.memory_space<vmem>>, vector<1x16xf32>,
          %get3A_463 = vector.shape_cast %get3A_462 : vector<1x16xf32> to vector<16xf32>
          %mul3A_464 = arith.mulf %get3A_463, %mul3A_152 : vector<16xf32>
          %mul3A_465 = arith.constant 16 : i32
          %mul3A_466 = arith.muli %add3A_457, %mul3A_465 : i32
          %get3A_467 = arith.index_cast %add3A_144 : i32 to index
          %get3A_468 = arith.index_cast %mul3A_466 : i32 to index
          %get3A_469 = tpu.vector_load %arg10[%get3A_467, %get3A_468] {strides = array<i32>} : memref<32x512xf32, #tpu.memory_space<vmem>>, vector<1x16xf32>,
          %get3A_470 = vector.shape_cast %get3A_469 : vector<1x16xf32> to vector<16xf32>
          %add3A_471 = arith.addf %mul3A_464, %get3A_470 : vector<16xf32>
          %mul3A_472 = arith.constant 16 : i32
          %mul3A_473 = arith.muli %add3A_457, %mul3A_472 : i32
          %swap3A_474 = arith.index_cast %sub3A_145 : i32 to index
          %swap3A_475 = arith.index_cast %mul3A_473 : i32 to index
          %swap3A_476 = tpu.vector_load %arg9[%swap3A_474, %swap3A_475] {strides = array<i32>} : memref<32x512xf32, #tpu.memory_space<vmem>>, vector<1x16xf32>,
          %swap3A_477 = vector.shape_cast %swap3A_476 : vector<1x16xf32> to vector<16xf32>
          %swap3A_478 = vector.shape_cast %add3A_471 : vector<16xf32> to vector<1x16xf32>
          tpu.vector_store %arg9[%swap3A_474, %swap3A_475], %swap3A_478 {strides = array<i32>} : memref<32x512xf32, #tpu.memory_space<vmem>>, vector<1x16xf32>,
          %mul3A_479 = arith.mulf %add3A_471, %add3A_471 : vector<16xf32>
          %add3A_480 = arith.addf %add3A_370, %mul3A_479 : vector<16xf32>
          scf.yield %add3A_399, %add3A_426, %add3A_453, %add3A_480 : vector<16xf32>, vector<16xf32>, vector<16xf32>, vector<16xf32>
        }
        %scan3A_160 = arith.constant 8 : i32
        %add3A_161 = arith.addf %scan3A_159#0, %scan3A_159#1 : vector<16xf32>
        %add3A_162 = arith.addf %scan3A_159#2, %scan3A_159#3 : vector<16xf32>
        %add3A_163 = arith.addf %add3A_161, %add3A_162 : vector<16xf32>
        %xor3A = arith.constant 8 : i32
        %xor3A_164 = vector.broadcast %xor3A : i32 to vector<16xi32>
        %xor3A_165 = arith.xori %iota3A, %xor3A_164 : vector<16xi32>
        %lt3A_166 = arith.constant 0 : i32
        %lt3A_167 = vector.broadcast %lt3A_166 : i32 to vector<16xi32>
        %lt3A_168 = arith.cmpi slt, %xor3A_165, %lt3A_167 : vector<16xi32>
        %add3A_169 = arith.constant 16 : i32
        %add3A_170 = vector.broadcast %add3A_169 : i32 to vector<16xi32>
        %add3A_171 = arith.addi %xor3A_165, %add3A_170 : vector<16xi32>
        %select_n3A = arith.select %lt3A_168, %add3A_171, %xor3A_165 : vector<16xi1>, vector<16xi32>
        %broadcast_in_dim3A_172 = vector.shape_cast %select_n3A : vector<16xi32> to vector<16x1xi32>
        %gather3A = vector.shape_cast %broadcast_in_dim3A_172 : vector<16x1xi32> to vector<16xi32>
        %gather3A_173 = tpu.dynamic_gather %add3A_163[%gather3A] in [0] : vector<16xf32>, vector<16xi32> -> vector<16xf32>
        %add3A_174 = arith.addf %add3A_163, %gather3A_173 : vector<16xf32>
        %xor3A_175 = arith.constant 4 : i32
        %xor3A_176 = vector.broadcast %xor3A_175 : i32 to vector<16xi32>
        %xor3A_177 = arith.xori %iota3A, %xor3A_176 : vector<16xi32>
        %lt3A_178 = arith.constant 0 : i32
        %lt3A_179 = vector.broadcast %lt3A_178 : i32 to vector<16xi32>
        %lt3A_180 = arith.cmpi slt, %xor3A_177, %lt3A_179 : vector<16xi32>
        %add3A_181 = arith.constant 16 : i32
        %add3A_182 = vector.broadcast %add3A_181 : i32 to vector<16xi32>
        %add3A_183 = arith.addi %xor3A_177, %add3A_182 : vector<16xi32>
        %select_n3A_184 = arith.select %lt3A_180, %add3A_183, %xor3A_177 : vector<16xi1>, vector<16xi32>
        %broadcast_in_dim3A_185 = vector.shape_cast %select_n3A_184 : vector<16xi32> to vector<16x1xi32>
        %gather3A_186 = vector.shape_cast %broadcast_in_dim3A_185 : vector<16x1xi32> to vector<16xi32>
        %gather3A_187 = tpu.dynamic_gather %add3A_174[%gather3A_186] in [0] : vector<16xf32>, vector<16xi32> -> vector<16xf32>
        %add3A_188 = arith.addf %add3A_174, %gather3A_187 : vector<16xf32>
        %xor3A_189 = arith.constant 2 : i32
        %xor3A_190 = vector.broadcast %xor3A_189 : i32 to vector<16xi32>
        %xor3A_191 = arith.xori %iota3A, %xor3A_190 : vector<16xi32>
        %lt3A_192 = arith.constant 0 : i32
        %lt3A_193 = vector.broadcast %lt3A_192 : i32 to vector<16xi32>
        %lt3A_194 = arith.cmpi slt, %xor3A_191, %lt3A_193 : vector<16xi32>
        %add3A_195 = arith.constant 16 : i32
        %add3A_196 = vector.broadcast %add3A_195 : i32 to vector<16xi32>
        %add3A_197 = arith.addi %xor3A_191, %add3A_196 : vector<16xi32>
        %select_n3A_198 = arith.select %lt3A_194, %add3A_197, %xor3A_191 : vector<16xi1>, vector<16xi32>
        %broadcast_in_dim3A_199 = vector.shape_cast %select_n3A_198 : vector<16xi32> to vector<16x1xi32>
        %gather3A_200 = vector.shape_cast %broadcast_in_dim3A_199 : vector<16x1xi32> to vector<16xi32>
        %gather3A_201 = tpu.dynamic_gather %add3A_188[%gather3A_200] in [0] : vector<16xf32>, vector<16xi32> -> vector<16xf32>
        %add3A_202 = arith.addf %add3A_188, %gather3A_201 : vector<16xf32>
        %xor3A_203 = arith.constant 1 : i32
        %xor3A_204 = vector.broadcast %xor3A_203 : i32 to vector<16xi32>
        %xor3A_205 = arith.xori %iota3A, %xor3A_204 : vector<16xi32>
        %lt3A_206 = arith.constant 0 : i32
        %lt3A_207 = vector.broadcast %lt3A_206 : i32 to vector<16xi32>
        %lt3A_208 = arith.cmpi slt, %xor3A_205, %lt3A_207 : vector<16xi32>
        %add3A_209 = arith.constant 16 : i32
        %add3A_210 = vector.broadcast %add3A_209 : i32 to vector<16xi32>
        %add3A_211 = arith.addi %xor3A_205, %add3A_210 : vector<16xi32>
        %select_n3A_212 = arith.select %lt3A_208, %add3A_211, %xor3A_205 : vector<16xi1>, vector<16xi32>
        %broadcast_in_dim3A_213 = vector.shape_cast %select_n3A_212 : vector<16xi32> to vector<16x1xi32>
        %gather3A_214 = vector.shape_cast %broadcast_in_dim3A_213 : vector<16x1xi32> to vector<16xi32>
        %gather3A_215 = tpu.dynamic_gather %add3A_202[%gather3A_214] in [0] : vector<16xf32>, vector<16xi32> -> vector<16xf32>
        %add3A_216 = arith.addf %add3A_202, %gather3A_215 : vector<16xf32>
        %bitcast_convert_type3A = tpu.bitcast %add3A_216 : vector<16xf32> -> vector<16xi32>
        %shift_right_arithmetic3A_217 = arith.constant 1 : i32
        %shift_right_arithmetic3A_218 = vector.broadcast %shift_right_arithmetic3A_217 : i32 to vector<16xi32>
        %shift_right_arithmetic3A_219 = arith.shrsi %bitcast_convert_type3A, %shift_right_arithmetic3A_218 : vector<16xi32>
        %sub3A_220 = arith.constant 1597463007 : i32
        %sub3A_221 = vector.broadcast %sub3A_220 : i32 to vector<16xi32>
        %sub3A_222 = arith.subi %sub3A_221, %shift_right_arithmetic3A_219 : vector<16xi32>
        %bitcast_convert_type3A_223 = tpu.bitcast %sub3A_222 : vector<16xi32> -> vector<16xf32>
        %mul3A_224 = arith.constant 5.000000e-01 : f32
        %mul3A_225 = vector.broadcast %mul3A_224 : f32 to vector<16xf32>
        %mul3A_226 = arith.mulf %mul3A_225, %add3A_216 : vector<16xf32>
        %mul3A_227 = arith.mulf %mul3A_226, %bitcast_convert_type3A_223 : vector<16xf32>
        %mul3A_228 = arith.mulf %mul3A_227, %bitcast_convert_type3A_223 : vector<16xf32>
        %sub3A_229 = arith.constant 1.500000e+00 : f32
        %sub3A_230 = vector.broadcast %sub3A_229 : f32 to vector<16xf32>
        %sub3A_231 = arith.subf %sub3A_230, %mul3A_228 : vector<16xf32>
        %mul3A_232 = arith.mulf %bitcast_convert_type3A_223, %sub3A_231 : vector<16xf32>
        %mul3A_233 = arith.constant 5.000000e-01 : f32
        %mul3A_234 = vector.broadcast %mul3A_233 : f32 to vector<16xf32>
        %mul3A_235 = arith.mulf %mul3A_234, %add3A_216 : vector<16xf32>
        %mul3A_236 = arith.mulf %mul3A_235, %mul3A_232 : vector<16xf32>
        %mul3A_237 = arith.mulf %mul3A_236, %mul3A_232 : vector<16xf32>
        %sub3A_238 = arith.constant 1.500000e+00 : f32
        %sub3A_239 = vector.broadcast %sub3A_238 : f32 to vector<16xf32>
        %sub3A_240 = arith.subf %sub3A_239, %mul3A_237 : vector<16xf32>
        %mul3A_241 = arith.mulf %mul3A_232, %sub3A_240 : vector<16xf32>
        %mul3A_242 = arith.constant 5.000000e-01 : f32
        %mul3A_243 = vector.broadcast %mul3A_242 : f32 to vector<16xf32>
        %mul3A_244 = arith.mulf %mul3A_243, %add3A_216 : vector<16xf32>
        %mul3A_245 = arith.mulf %mul3A_244, %mul3A_241 : vector<16xf32>
        %mul3A_246 = arith.mulf %mul3A_245, %mul3A_241 : vector<16xf32>
        %sub3A_247 = arith.constant 1.500000e+00 : f32
        %sub3A_248 = vector.broadcast %sub3A_247 : f32 to vector<16xf32>
        %sub3A_249 = arith.subf %sub3A_248, %mul3A_246 : vector<16xf32>
        %mul3A_250 = arith.mulf %mul3A_241, %sub3A_249 : vector<16xf32>
        %min3A_251 = arith.constant 9.99999995E+11 : f32
        %min3A_252 = vector.broadcast %min3A_251 : f32 to vector<16xf32>
        %min3A_253 = arith.minimumf %mul3A_250, %min3A_252 : vector<16xf32>
        %swap3A = arith.index_cast %sub3A_145 : i32 to index
        %swap3A_254 = arith.constant 0 : index
        %swap3A_255 = tpu.vector_load %arg12[%swap3A, %swap3A_254] {strides = array<i32>} : memref<32x16xf32, #tpu.memory_space<vmem>>, vector<1x16xf32>,
        %swap3A_256 = vector.shape_cast %swap3A_255 : vector<1x16xf32> to vector<16xf32>
        %swap3A_257 = vector.shape_cast %min3A_253 : vector<16xf32> to vector<1x16xf32>
        tpu.vector_store %arg12[%swap3A, %swap3A_254], %swap3A_257 {strides = array<i32>} : memref<32x16xf32, #tpu.memory_space<vmem>>, vector<1x16xf32>,
      }
    }
    %while3A_59 = arith.constant 1 : i32
    scf.for %while3A_87 = %while3A_57 to %while3A_53 step %while3A_59  : i32 {
      %and3A_88 = arith.constant 1 : i32
      %and3A_89 = arith.andi %while3A_87, %and3A_88 : i32
      %eq3A_90 = arith.constant 0 : i32
      %eq3A_91 = arith.cmpi eq, %and3A_89, %eq3A_90 : i32
      %add3A_92 = arith.constant 1 : i32
      %add3A_93 = arith.addi %while3A_87, %add3A_92 : i32
      %mul3A_94 = arith.constant 16 : i32
      %mul3A_95 = arith.muli %add3A_93, %mul3A_94 : i32
      %add3A_96 = arith.addi %squeeze3A, %mul3A_95 : i32
      %multiple_of3A_97 = tpu.assume_multiple %add3A_96, 16 : i32
      %mul3A_98 = arith.constant 16 : i32
      %mul3A_99 = arith.muli %while3A_87, %mul3A_98 : i32
      %add3A_100 = arith.addi %squeeze3A, %mul3A_99 : i32
      %multiple_of3A_101 = tpu.assume_multiple %add3A_100, 16 : i32
      %convert_element_type3A_102 = arith.extui %eq3A_91 : i1 to i32
      %cond3A_103 = arith.constant 0 : i32
      %cond3A_104 = arith.cmpi ne, %convert_element_type3A_102, %cond3A_103 : i32
      scf.if %cond3A_104 {
        %dma_start3A_136 = arith.constant 16 : i32
        %dma_start3A_137 = arith.constant 0 : i32
        %dma_start3A_138 = tpu.memref_slice %arg10[%dma_start3A_136, %dma_start3A_137] : memref<32x512xf32, #tpu.memory_space<vmem>> -> memref<16x512xf32, #tpu.memory_space<vmem>>
        %dma_start3A_139 = arith.constant 0 : i32
        %dma_start3A_140 = tpu.memref_slice %arg4[%multiple_of3A_97, %dma_start3A_139] : memref<1520x512xf32, #tpu.memory_space<hbm>> -> memref<16x512xf32, #tpu.memory_space<hbm>>
        %dma_start3A_141 = arith.constant 16 : i32
        %dma_start3A_142 = arith.constant 0 : i32
        %dma_start3A_143 = tpu.memref_slice %arg10[%dma_start3A_141, %dma_start3A_142] : memref<32x512xf32, #tpu.memory_space<vmem>> -> memref<16x512xf32, #tpu.memory_space<vmem>>
        %dma_start3A_144 = arith.constant 0 : i32
        %dma_start3A_145 = tpu.memref_slice %arg4[%multiple_of3A_97, %dma_start3A_144] : memref<1520x512xf32, #tpu.memory_space<hbm>> -> memref<16x512xf32, #tpu.memory_space<hbm>>
        tpu.enqueue_dma source(%dma_start3A_145 : memref<16x512xf32, #tpu.memory_space<hbm>>) target(%dma_start3A_143 : memref<16x512xf32, #tpu.memory_space<vmem>>) target_semaphore(%arg15 : memref<!tpu.dma_semaphore, #tpu.memory_space<semaphore_mem>>)
        %dma_start3A_146 = arith.constant 16 : i32
        %dma_start3A_147 = arith.constant 0 : i32
        %dma_start3A_148 = tpu.memref_slice %arg11[%dma_start3A_146, %dma_start3A_147] : memref<32x16xi32, #tpu.memory_space<vmem>> -> memref<16x16xi32, #tpu.memory_space<vmem>>
        %dma_start3A_149 = arith.constant 0 : i32
        %dma_start3A_150 = tpu.memref_slice %arg2[%multiple_of3A_97, %dma_start3A_149] : memref<1520x16xi32, #tpu.memory_space<hbm>> -> memref<16x16xi32, #tpu.memory_space<hbm>>
        %dma_start3A_151 = arith.constant 16 : i32
        %dma_start3A_152 = arith.constant 0 : i32
        %dma_start3A_153 = tpu.memref_slice %arg11[%dma_start3A_151, %dma_start3A_152] : memref<32x16xi32, #tpu.memory_space<vmem>> -> memref<16x16xi32, #tpu.memory_space<vmem>>
        %dma_start3A_154 = arith.constant 0 : i32
        %dma_start3A_155 = tpu.memref_slice %arg2[%multiple_of3A_97, %dma_start3A_154] : memref<1520x16xi32, #tpu.memory_space<hbm>> -> memref<16x16xi32, #tpu.memory_space<hbm>>
        tpu.enqueue_dma source(%dma_start3A_155 : memref<16x16xi32, #tpu.memory_space<hbm>>) target(%dma_start3A_153 : memref<16x16xi32, #tpu.memory_space<vmem>>) target_semaphore(%arg15 : memref<!tpu.dma_semaphore, #tpu.memory_space<semaphore_mem>>)
      } else {
      }
      %not3A = arith.constant true
      %not3A_105 = arith.xori %eq3A_91, %not3A : i1
      %convert_element_type3A_106 = arith.extui %not3A_105 : i1 to i32
      %cond3A_107 = arith.constant 0 : i32
      %cond3A_108 = arith.cmpi ne, %convert_element_type3A_106, %cond3A_107 : i32
      scf.if %cond3A_108 {
        %dma_start3A_136 = arith.constant 0 : i32
        %dma_start3A_137 = arith.constant 0 : i32
        %dma_start3A_138 = tpu.memref_slice %arg10[%dma_start3A_136, %dma_start3A_137] : memref<32x512xf32, #tpu.memory_space<vmem>> -> memref<16x512xf32, #tpu.memory_space<vmem>>
        %dma_start3A_139 = arith.constant 0 : i32
        %dma_start3A_140 = tpu.memref_slice %arg4[%multiple_of3A_97, %dma_start3A_139] : memref<1520x512xf32, #tpu.memory_space<hbm>> -> memref<16x512xf32, #tpu.memory_space<hbm>>
        %dma_start3A_141 = arith.constant 0 : i32
        %dma_start3A_142 = arith.constant 0 : i32
        %dma_start3A_143 = tpu.memref_slice %arg10[%dma_start3A_141, %dma_start3A_142] : memref<32x512xf32, #tpu.memory_space<vmem>> -> memref<16x512xf32, #tpu.memory_space<vmem>>
        %dma_start3A_144 = arith.constant 0 : i32
        %dma_start3A_145 = tpu.memref_slice %arg4[%multiple_of3A_97, %dma_start3A_144] : memref<1520x512xf32, #tpu.memory_space<hbm>> -> memref<16x512xf32, #tpu.memory_space<hbm>>
        tpu.enqueue_dma source(%dma_start3A_145 : memref<16x512xf32, #tpu.memory_space<hbm>>) target(%dma_start3A_143 : memref<16x512xf32, #tpu.memory_space<vmem>>) target_semaphore(%arg14 : memref<!tpu.dma_semaphore, #tpu.memory_space<semaphore_mem>>)
        %dma_start3A_146 = arith.constant 0 : i32
        %dma_start3A_147 = arith.constant 0 : i32
        %dma_start3A_148 = tpu.memref_slice %arg11[%dma_start3A_146, %dma_start3A_147] : memref<32x16xi32, #tpu.memory_space<vmem>> -> memref<16x16xi32, #tpu.memory_space<vmem>>
        %dma_start3A_149 = arith.constant 0 : i32
        %dma_start3A_150 = tpu.memref_slice %arg2[%multiple_of3A_97, %dma_start3A_149] : memref<1520x16xi32, #tpu.memory_space<hbm>> -> memref<16x16xi32, #tpu.memory_space<hbm>>
        %dma_start3A_151 = arith.constant 0 : i32
        %dma_start3A_152 = arith.constant 0 : i32
        %dma_start3A_153 = tpu.memref_slice %arg11[%dma_start3A_151, %dma_start3A_152] : memref<32x16xi32, #tpu.memory_space<vmem>> -> memref<16x16xi32, #tpu.memory_space<vmem>>
        %dma_start3A_154 = arith.constant 0 : i32
        %dma_start3A_155 = tpu.memref_slice %arg2[%multiple_of3A_97, %dma_start3A_154] : memref<1520x16xi32, #tpu.memory_space<hbm>> -> memref<16x16xi32, #tpu.memory_space<hbm>>
        tpu.enqueue_dma source(%dma_start3A_155 : memref<16x16xi32, #tpu.memory_space<hbm>>) target(%dma_start3A_153 : memref<16x16xi32, #tpu.memory_space<vmem>>) target_semaphore(%arg14 : memref<!tpu.dma_semaphore, #tpu.memory_space<semaphore_mem>>)
      } else {
      }
      %convert_element_type3A_109 = arith.extui %eq3A_91 : i1 to i32
      %cond3A_110 = arith.constant 0 : i32
      %cond3A_111 = arith.cmpi ne, %convert_element_type3A_109, %cond3A_110 : i32
      scf.if %cond3A_111 {
        %dma_wait3A_136 = arith.constant 0 : i32
        %dma_wait3A_137 = arith.constant 0 : i32
        %dma_wait3A_138 = tpu.memref_slice %arg10[%dma_wait3A_136, %dma_wait3A_137] : memref<32x512xf32, #tpu.memory_space<vmem>> -> memref<16x512xf32, #tpu.memory_space<vmem>>
        %dma_wait3A_139 = arith.constant 0 : i32
        %dma_wait3A_140 = tpu.memref_slice %arg4[%multiple_of3A_101, %dma_wait3A_139] : memref<1520x512xf32, #tpu.memory_space<hbm>> -> memref<16x512xf32, #tpu.memory_space<hbm>>
        %dma_wait3A_141 = arith.constant 0 : i32
        %dma_wait3A_142 = arith.constant 0 : i32
        %dma_wait3A_143 = tpu.memref_slice %arg10[%dma_wait3A_141, %dma_wait3A_142] : memref<32x512xf32, #tpu.memory_space<vmem>> -> memref<16x512xf32, #tpu.memory_space<vmem>>
        %dma_wait3A_144 = arith.constant 0 : i32
        %dma_wait3A_145 = tpu.memref_slice %arg4[%multiple_of3A_101, %dma_wait3A_144] : memref<1520x512xf32, #tpu.memory_space<hbm>> -> memref<16x512xf32, #tpu.memory_space<hbm>>
        tpu.wait_dma2 semaphore(%arg14 : memref<!tpu.dma_semaphore, #tpu.memory_space<semaphore_mem>>) src(%dma_wait3A_145 : memref<16x512xf32, #tpu.memory_space<hbm>>) dst(%dma_wait3A_143 : memref<16x512xf32, #tpu.memory_space<vmem>>)
        %dma_wait3A_146 = arith.constant 0 : i32
        %dma_wait3A_147 = arith.constant 0 : i32
        %dma_wait3A_148 = tpu.memref_slice %arg11[%dma_wait3A_146, %dma_wait3A_147] : memref<32x16xi32, #tpu.memory_space<vmem>> -> memref<16x16xi32, #tpu.memory_space<vmem>>
        %dma_wait3A_149 = arith.constant 0 : i32
        %dma_wait3A_150 = tpu.memref_slice %arg2[%multiple_of3A_101, %dma_wait3A_149] : memref<1520x16xi32, #tpu.memory_space<hbm>> -> memref<16x16xi32, #tpu.memory_space<hbm>>
        %dma_wait3A_151 = arith.constant 0 : i32
        %dma_wait3A_152 = arith.constant 0 : i32
        %dma_wait3A_153 = tpu.memref_slice %arg11[%dma_wait3A_151, %dma_wait3A_152] : memref<32x16xi32, #tpu.memory_space<vmem>> -> memref<16x16xi32, #tpu.memory_space<vmem>>
        %dma_wait3A_154 = arith.constant 0 : i32
        %dma_wait3A_155 = tpu.memref_slice %arg2[%multiple_of3A_101, %dma_wait3A_154] : memref<1520x16xi32, #tpu.memory_space<hbm>> -> memref<16x16xi32, #tpu.memory_space<hbm>>
        tpu.wait_dma2 semaphore(%arg14 : memref<!tpu.dma_semaphore, #tpu.memory_space<semaphore_mem>>) src(%dma_wait3A_155 : memref<16x16xi32, #tpu.memory_space<hbm>>) dst(%dma_wait3A_153 : memref<16x16xi32, #tpu.memory_space<vmem>>)
      } else {
      }
      %not3A_112 = arith.constant true
      %not3A_113 = arith.xori %eq3A_91, %not3A_112 : i1
      %convert_element_type3A_114 = arith.extui %not3A_113 : i1 to i32
      %cond3A_115 = arith.constant 0 : i32
      %cond3A_116 = arith.cmpi ne, %convert_element_type3A_114, %cond3A_115 : i32
      scf.if %cond3A_116 {
        %dma_wait3A_136 = arith.constant 16 : i32
        %dma_wait3A_137 = arith.constant 0 : i32
        %dma_wait3A_138 = tpu.memref_slice %arg10[%dma_wait3A_136, %dma_wait3A_137] : memref<32x512xf32, #tpu.memory_space<vmem>> -> memref<16x512xf32, #tpu.memory_space<vmem>>
        %dma_wait3A_139 = arith.constant 0 : i32
        %dma_wait3A_140 = tpu.memref_slice %arg4[%multiple_of3A_101, %dma_wait3A_139] : memref<1520x512xf32, #tpu.memory_space<hbm>> -> memref<16x512xf32, #tpu.memory_space<hbm>>
        %dma_wait3A_141 = arith.constant 16 : i32
        %dma_wait3A_142 = arith.constant 0 : i32
        %dma_wait3A_143 = tpu.memref_slice %arg10[%dma_wait3A_141, %dma_wait3A_142] : memref<32x512xf32, #tpu.memory_space<vmem>> -> memref<16x512xf32, #tpu.memory_space<vmem>>
        %dma_wait3A_144 = arith.constant 0 : i32
        %dma_wait3A_145 = tpu.memref_slice %arg4[%multiple_of3A_101, %dma_wait3A_144] : memref<1520x512xf32, #tpu.memory_space<hbm>> -> memref<16x512xf32, #tpu.memory_space<hbm>>
        tpu.wait_dma2 semaphore(%arg15 : memref<!tpu.dma_semaphore, #tpu.memory_space<semaphore_mem>>) src(%dma_wait3A_145 : memref<16x512xf32, #tpu.memory_space<hbm>>) dst(%dma_wait3A_143 : memref<16x512xf32, #tpu.memory_space<vmem>>)
        %dma_wait3A_146 = arith.constant 16 : i32
        %dma_wait3A_147 = arith.constant 0 : i32
        %dma_wait3A_148 = tpu.memref_slice %arg11[%dma_wait3A_146, %dma_wait3A_147] : memref<32x16xi32, #tpu.memory_space<vmem>> -> memref<16x16xi32, #tpu.memory_space<vmem>>
        %dma_wait3A_149 = arith.constant 0 : i32
        %dma_wait3A_150 = tpu.memref_slice %arg2[%multiple_of3A_101, %dma_wait3A_149] : memref<1520x16xi32, #tpu.memory_space<hbm>> -> memref<16x16xi32, #tpu.memory_space<hbm>>
        %dma_wait3A_151 = arith.constant 16 : i32
        %dma_wait3A_152 = arith.constant 0 : i32
        %dma_wait3A_153 = tpu.memref_slice %arg11[%dma_wait3A_151, %dma_wait3A_152] : memref<32x16xi32, #tpu.memory_space<vmem>> -> memref<16x16xi32, #tpu.memory_space<vmem>>
        %dma_wait3A_154 = arith.constant 0 : i32
        %dma_wait3A_155 = tpu.memref_slice %arg2[%multiple_of3A_101, %dma_wait3A_154] : memref<1520x16xi32, #tpu.memory_space<hbm>> -> memref<16x16xi32, #tpu.memory_space<hbm>>
        tpu.wait_dma2 semaphore(%arg15 : memref<!tpu.dma_semaphore, #tpu.memory_space<semaphore_mem>>) src(%dma_wait3A_155 : memref<16x16xi32, #tpu.memory_space<hbm>>) dst(%dma_wait3A_153 : memref<16x16xi32, #tpu.memory_space<vmem>>)
      } else {
      }
      %and3A_117 = arith.constant 1 : i32
      %and3A_118 = arith.andi %while3A_87, %and3A_117 : i32
      %mul3A_119 = arith.constant 16 : i32
      %mul3A_120 = arith.muli %and3A_118, %mul3A_119 : i32
      %mul3A_121 = arith.constant 16 : i32
      %mul3A_122 = arith.muli %while3A_87, %mul3A_121 : i32
      %sub3A_123 = arith.subi %squeeze3A_20, %mul3A_122 : i32
      %min3A_124 = arith.constant 16 : i32
      %min3A_125 = arith.minsi %sub3A_123, %min3A_124 : i32
      %while3A_126 = arith.constant 0 : i32
      %while3A_127 = arith.constant 0 : i32
      %while3A_128 = arith.subi %min3A_125, %while3A_127 : i32
      %while3A_129 = arith.addi %while3A_127, %while3A_128 : i32
      %while3A_130 = arith.constant 1 : i32
      %while3A_131 = arith.divsi %while3A_128, %while3A_130 : i32
      %while3A_132 = arith.muli %while3A_131, %while3A_130 : i32
      %while3A_133 = arith.addi %while3A_127, %while3A_132 : i32
      %while3A_134 = arith.constant 1 : i32
      scf.for %while3A_136 = %while3A_127 to %while3A_133 step %while3A_134  : i32 {
        %add3A_137 = arith.addi %mul3A_120, %while3A_136 : i32
        %get3A_138 = arith.index_cast %add3A_137 : i32 to index
        %get3A_139 = arith.constant 0 : index
        %get3A_140 = tpu.vector_load %arg11[%get3A_138, %get3A_139] {strides = array<i32>} : memref<32x16xi32, #tpu.memory_space<vmem>>, vector<1x16xi32>,
        %get3A_141 = vector.shape_cast %get3A_140 : vector<1x16xi32> to vector<16xi32>
        %slice3A_142 = vector.extract_strided_slice %get3A_141 {offsets = [0], sizes = [1], strides = [1]} : vector<16xi32> to vector<1xi32>
        %squeeze3A_143 = vector.extract %slice3A_142[0] : i32 from vector<1xi32>
        %add3A_144 = arith.addi %mul3A_120, %while3A_136 : i32
        %sub3A_145 = arith.subi %squeeze3A_143, %multiple_of3A : i32
        %get3A_146 = arith.index_cast %sub3A_145 : i32 to index
        %get3A_147 = arith.constant 0 : index
        %get3A_148 = tpu.vector_load %arg12[%get3A_146, %get3A_147] {strides = array<i32>} : memref<32x16xf32, #tpu.memory_space<vmem>>, vector<1x16xf32>,
        %get3A_149 = vector.shape_cast %get3A_148 : vector<1x16xf32> to vector<16xf32>
        %mul3A_150 = arith.constant 0.949999988 : f32
        %mul3A_151 = vector.broadcast %mul3A_150 : f32 to vector<16xf32>
        %mul3A_152 = arith.mulf %get3A_149, %mul3A_151 : vector<16xf32>
        %broadcast_in_dim3A_153 = arith.constant 0.000000e+00 : f32
        %broadcast_in_dim3A_154 = vector.broadcast %broadcast_in_dim3A_153 : f32 to vector<16xf32>
        %scan3A_155 = arith.constant 0 : i32
        %scan3A_156 = arith.constant 8 : i32
        %scan3A_157 = arith.addi %scan3A_155, %scan3A_156 : i32
        %scan3A_158 = arith.constant 2 : i32
        %scan3A_159:4 = scf.for %scan3A_258 = %scan3A_155 to %scan3A_157 step %scan3A_158 iter_args(%scan3A_259 = %broadcast_in_dim3A_154, %scan3A_260 = %broadcast_in_dim3A_154, %scan3A_261 = %broadcast_in_dim3A_154, %scan3A_262 = %broadcast_in_dim3A_154) -> (vector<16xf32>, vector<16xf32>, vector<16xf32>, vector<16xf32>)  : i32 {
          %mul3A_263 = arith.constant 4 : i32
          %mul3A_264 = arith.muli %scan3A_258, %mul3A_263 : i32
          %add3A_265 = arith.constant 0 : i32
          %add3A_266 = arith.addi %mul3A_264, %add3A_265 : i32
          %mul3A_267 = arith.constant 16 : i32
          %mul3A_268 = arith.muli %add3A_266, %mul3A_267 : i32
          %get3A_269 = arith.index_cast %sub3A_145 : i32 to index
          %get3A_270 = arith.index_cast %mul3A_268 : i32 to index
          %get3A_271 = tpu.vector_load %arg9[%get3A_269, %get3A_270] {strides = array<i32>} : memref<32x512xf32, #tpu.memory_space<vmem>>, vector<1x16xf32>,
          %get3A_272 = vector.shape_cast %get3A_271 : vector<1x16xf32> to vector<16xf32>
          %mul3A_273 = arith.mulf %get3A_272, %mul3A_152 : vector<16xf32>
          %mul3A_274 = arith.constant 16 : i32
          %mul3A_275 = arith.muli %add3A_266, %mul3A_274 : i32
          %get3A_276 = arith.index_cast %add3A_144 : i32 to index
          %get3A_277 = arith.index_cast %mul3A_275 : i32 to index
          %get3A_278 = tpu.vector_load %arg10[%get3A_276, %get3A_277] {strides = array<i32>} : memref<32x512xf32, #tpu.memory_space<vmem>>, vector<1x16xf32>,
          %get3A_279 = vector.shape_cast %get3A_278 : vector<1x16xf32> to vector<16xf32>
          %add3A_280 = arith.addf %mul3A_273, %get3A_279 : vector<16xf32>
          %mul3A_281 = arith.constant 16 : i32
          %mul3A_282 = arith.muli %add3A_266, %mul3A_281 : i32
          %swap3A_283 = arith.index_cast %sub3A_145 : i32 to index
          %swap3A_284 = arith.index_cast %mul3A_282 : i32 to index
          %swap3A_285 = tpu.vector_load %arg9[%swap3A_283, %swap3A_284] {strides = array<i32>} : memref<32x512xf32, #tpu.memory_space<vmem>>, vector<1x16xf32>,
          %swap3A_286 = vector.shape_cast %swap3A_285 : vector<1x16xf32> to vector<16xf32>
          %swap3A_287 = vector.shape_cast %add3A_280 : vector<16xf32> to vector<1x16xf32>
          tpu.vector_store %arg9[%swap3A_283, %swap3A_284], %swap3A_287 {strides = array<i32>} : memref<32x512xf32, #tpu.memory_space<vmem>>, vector<1x16xf32>,
          %mul3A_288 = arith.mulf %add3A_280, %add3A_280 : vector<16xf32>
          %add3A_289 = arith.addf %scan3A_259, %mul3A_288 : vector<16xf32>
          %mul3A_290 = arith.constant 4 : i32
          %mul3A_291 = arith.muli %scan3A_258, %mul3A_290 : i32
          %add3A_292 = arith.constant 1 : i32
          %add3A_293 = arith.addi %mul3A_291, %add3A_292 : i32
          %mul3A_294 = arith.constant 16 : i32
          %mul3A_295 = arith.muli %add3A_293, %mul3A_294 : i32
          %get3A_296 = arith.index_cast %sub3A_145 : i32 to index
          %get3A_297 = arith.index_cast %mul3A_295 : i32 to index
          %get3A_298 = tpu.vector_load %arg9[%get3A_296, %get3A_297] {strides = array<i32>} : memref<32x512xf32, #tpu.memory_space<vmem>>, vector<1x16xf32>,
          %get3A_299 = vector.shape_cast %get3A_298 : vector<1x16xf32> to vector<16xf32>
          %mul3A_300 = arith.mulf %get3A_299, %mul3A_152 : vector<16xf32>
          %mul3A_301 = arith.constant 16 : i32
          %mul3A_302 = arith.muli %add3A_293, %mul3A_301 : i32
          %get3A_303 = arith.index_cast %add3A_144 : i32 to index
          %get3A_304 = arith.index_cast %mul3A_302 : i32 to index
          %get3A_305 = tpu.vector_load %arg10[%get3A_303, %get3A_304] {strides = array<i32>} : memref<32x512xf32, #tpu.memory_space<vmem>>, vector<1x16xf32>,
          %get3A_306 = vector.shape_cast %get3A_305 : vector<1x16xf32> to vector<16xf32>
          %add3A_307 = arith.addf %mul3A_300, %get3A_306 : vector<16xf32>
          %mul3A_308 = arith.constant 16 : i32
          %mul3A_309 = arith.muli %add3A_293, %mul3A_308 : i32
          %swap3A_310 = arith.index_cast %sub3A_145 : i32 to index
          %swap3A_311 = arith.index_cast %mul3A_309 : i32 to index
          %swap3A_312 = tpu.vector_load %arg9[%swap3A_310, %swap3A_311] {strides = array<i32>} : memref<32x512xf32, #tpu.memory_space<vmem>>, vector<1x16xf32>,
          %swap3A_313 = vector.shape_cast %swap3A_312 : vector<1x16xf32> to vector<16xf32>
          %swap3A_314 = vector.shape_cast %add3A_307 : vector<16xf32> to vector<1x16xf32>
          tpu.vector_store %arg9[%swap3A_310, %swap3A_311], %swap3A_314 {strides = array<i32>} : memref<32x512xf32, #tpu.memory_space<vmem>>, vector<1x16xf32>,
          %mul3A_315 = arith.mulf %add3A_307, %add3A_307 : vector<16xf32>
          %add3A_316 = arith.addf %scan3A_260, %mul3A_315 : vector<16xf32>
          %mul3A_317 = arith.constant 4 : i32
          %mul3A_318 = arith.muli %scan3A_258, %mul3A_317 : i32
          %add3A_319 = arith.constant 2 : i32
          %add3A_320 = arith.addi %mul3A_318, %add3A_319 : i32
          %mul3A_321 = arith.constant 16 : i32
          %mul3A_322 = arith.muli %add3A_320, %mul3A_321 : i32
          %get3A_323 = arith.index_cast %sub3A_145 : i32 to index
          %get3A_324 = arith.index_cast %mul3A_322 : i32 to index
          %get3A_325 = tpu.vector_load %arg9[%get3A_323, %get3A_324] {strides = array<i32>} : memref<32x512xf32, #tpu.memory_space<vmem>>, vector<1x16xf32>,
          %get3A_326 = vector.shape_cast %get3A_325 : vector<1x16xf32> to vector<16xf32>
          %mul3A_327 = arith.mulf %get3A_326, %mul3A_152 : vector<16xf32>
          %mul3A_328 = arith.constant 16 : i32
          %mul3A_329 = arith.muli %add3A_320, %mul3A_328 : i32
          %get3A_330 = arith.index_cast %add3A_144 : i32 to index
          %get3A_331 = arith.index_cast %mul3A_329 : i32 to index
          %get3A_332 = tpu.vector_load %arg10[%get3A_330, %get3A_331] {strides = array<i32>} : memref<32x512xf32, #tpu.memory_space<vmem>>, vector<1x16xf32>,
          %get3A_333 = vector.shape_cast %get3A_332 : vector<1x16xf32> to vector<16xf32>
          %add3A_334 = arith.addf %mul3A_327, %get3A_333 : vector<16xf32>
          %mul3A_335 = arith.constant 16 : i32
          %mul3A_336 = arith.muli %add3A_320, %mul3A_335 : i32
          %swap3A_337 = arith.index_cast %sub3A_145 : i32 to index
          %swap3A_338 = arith.index_cast %mul3A_336 : i32 to index
          %swap3A_339 = tpu.vector_load %arg9[%swap3A_337, %swap3A_338] {strides = array<i32>} : memref<32x512xf32, #tpu.memory_space<vmem>>, vector<1x16xf32>,
          %swap3A_340 = vector.shape_cast %swap3A_339 : vector<1x16xf32> to vector<16xf32>
          %swap3A_341 = vector.shape_cast %add3A_334 : vector<16xf32> to vector<1x16xf32>
          tpu.vector_store %arg9[%swap3A_337, %swap3A_338], %swap3A_341 {strides = array<i32>} : memref<32x512xf32, #tpu.memory_space<vmem>>, vector<1x16xf32>,
          %mul3A_342 = arith.mulf %add3A_334, %add3A_334 : vector<16xf32>
          %add3A_343 = arith.addf %scan3A_261, %mul3A_342 : vector<16xf32>
          %mul3A_344 = arith.constant 4 : i32
          %mul3A_345 = arith.muli %scan3A_258, %mul3A_344 : i32
          %add3A_346 = arith.constant 3 : i32
          %add3A_347 = arith.addi %mul3A_345, %add3A_346 : i32
          %mul3A_348 = arith.constant 16 : i32
          %mul3A_349 = arith.muli %add3A_347, %mul3A_348 : i32
          %get3A_350 = arith.index_cast %sub3A_145 : i32 to index
          %get3A_351 = arith.index_cast %mul3A_349 : i32 to index
          %get3A_352 = tpu.vector_load %arg9[%get3A_350, %get3A_351] {strides = array<i32>} : memref<32x512xf32, #tpu.memory_space<vmem>>, vector<1x16xf32>,
          %get3A_353 = vector.shape_cast %get3A_352 : vector<1x16xf32> to vector<16xf32>
          %mul3A_354 = arith.mulf %get3A_353, %mul3A_152 : vector<16xf32>
          %mul3A_355 = arith.constant 16 : i32
          %mul3A_356 = arith.muli %add3A_347, %mul3A_355 : i32
          %get3A_357 = arith.index_cast %add3A_144 : i32 to index
          %get3A_358 = arith.index_cast %mul3A_356 : i32 to index
          %get3A_359 = tpu.vector_load %arg10[%get3A_357, %get3A_358] {strides = array<i32>} : memref<32x512xf32, #tpu.memory_space<vmem>>, vector<1x16xf32>,
          %get3A_360 = vector.shape_cast %get3A_359 : vector<1x16xf32> to vector<16xf32>
          %add3A_361 = arith.addf %mul3A_354, %get3A_360 : vector<16xf32>
          %mul3A_362 = arith.constant 16 : i32
          %mul3A_363 = arith.muli %add3A_347, %mul3A_362 : i32
          %swap3A_364 = arith.index_cast %sub3A_145 : i32 to index
          %swap3A_365 = arith.index_cast %mul3A_363 : i32 to index
          %swap3A_366 = tpu.vector_load %arg9[%swap3A_364, %swap3A_365] {strides = array<i32>} : memref<32x512xf32, #tpu.memory_space<vmem>>, vector<1x16xf32>,
          %swap3A_367 = vector.shape_cast %swap3A_366 : vector<1x16xf32> to vector<16xf32>
          %swap3A_368 = vector.shape_cast %add3A_361 : vector<16xf32> to vector<1x16xf32>
          tpu.vector_store %arg9[%swap3A_364, %swap3A_365], %swap3A_368 {strides = array<i32>} : memref<32x512xf32, #tpu.memory_space<vmem>>, vector<1x16xf32>,
          %mul3A_369 = arith.mulf %add3A_361, %add3A_361 : vector<16xf32>
          %add3A_370 = arith.addf %scan3A_262, %mul3A_369 : vector<16xf32>
          %scan3A_371 = arith.constant 1 : i32
          %scan3A_372 = arith.addi %scan3A_258, %scan3A_371 : i32
          %mul3A_373 = arith.constant 4 : i32
          %mul3A_374 = arith.muli %scan3A_372, %mul3A_373 : i32
          %add3A_375 = arith.constant 0 : i32
          %add3A_376 = arith.addi %mul3A_374, %add3A_375 : i32
          %mul3A_377 = arith.constant 16 : i32
          %mul3A_378 = arith.muli %add3A_376, %mul3A_377 : i32
          %get3A_379 = arith.index_cast %sub3A_145 : i32 to index
          %get3A_380 = arith.index_cast %mul3A_378 : i32 to index
          %get3A_381 = tpu.vector_load %arg9[%get3A_379, %get3A_380] {strides = array<i32>} : memref<32x512xf32, #tpu.memory_space<vmem>>, vector<1x16xf32>,
          %get3A_382 = vector.shape_cast %get3A_381 : vector<1x16xf32> to vector<16xf32>
          %mul3A_383 = arith.mulf %get3A_382, %mul3A_152 : vector<16xf32>
          %mul3A_384 = arith.constant 16 : i32
          %mul3A_385 = arith.muli %add3A_376, %mul3A_384 : i32
          %get3A_386 = arith.index_cast %add3A_144 : i32 to index
          %get3A_387 = arith.index_cast %mul3A_385 : i32 to index
          %get3A_388 = tpu.vector_load %arg10[%get3A_386, %get3A_387] {strides = array<i32>} : memref<32x512xf32, #tpu.memory_space<vmem>>, vector<1x16xf32>,
          %get3A_389 = vector.shape_cast %get3A_388 : vector<1x16xf32> to vector<16xf32>
          %add3A_390 = arith.addf %mul3A_383, %get3A_389 : vector<16xf32>
          %mul3A_391 = arith.constant 16 : i32
          %mul3A_392 = arith.muli %add3A_376, %mul3A_391 : i32
          %swap3A_393 = arith.index_cast %sub3A_145 : i32 to index
          %swap3A_394 = arith.index_cast %mul3A_392 : i32 to index
          %swap3A_395 = tpu.vector_load %arg9[%swap3A_393, %swap3A_394] {strides = array<i32>} : memref<32x512xf32, #tpu.memory_space<vmem>>, vector<1x16xf32>,
          %swap3A_396 = vector.shape_cast %swap3A_395 : vector<1x16xf32> to vector<16xf32>
          %swap3A_397 = vector.shape_cast %add3A_390 : vector<16xf32> to vector<1x16xf32>
          tpu.vector_store %arg9[%swap3A_393, %swap3A_394], %swap3A_397 {strides = array<i32>} : memref<32x512xf32, #tpu.memory_space<vmem>>, vector<1x16xf32>,
          %mul3A_398 = arith.mulf %add3A_390, %add3A_390 : vector<16xf32>
          %add3A_399 = arith.addf %add3A_289, %mul3A_398 : vector<16xf32>
          %mul3A_400 = arith.constant 4 : i32
          %mul3A_401 = arith.muli %scan3A_372, %mul3A_400 : i32
          %add3A_402 = arith.constant 1 : i32
          %add3A_403 = arith.addi %mul3A_401, %add3A_402 : i32
          %mul3A_404 = arith.constant 16 : i32
          %mul3A_405 = arith.muli %add3A_403, %mul3A_404 : i32
          %get3A_406 = arith.index_cast %sub3A_145 : i32 to index
          %get3A_407 = arith.index_cast %mul3A_405 : i32 to index
          %get3A_408 = tpu.vector_load %arg9[%get3A_406, %get3A_407] {strides = array<i32>} : memref<32x512xf32, #tpu.memory_space<vmem>>, vector<1x16xf32>,
          %get3A_409 = vector.shape_cast %get3A_408 : vector<1x16xf32> to vector<16xf32>
          %mul3A_410 = arith.mulf %get3A_409, %mul3A_152 : vector<16xf32>
          %mul3A_411 = arith.constant 16 : i32
          %mul3A_412 = arith.muli %add3A_403, %mul3A_411 : i32
          %get3A_413 = arith.index_cast %add3A_144 : i32 to index
          %get3A_414 = arith.index_cast %mul3A_412 : i32 to index
          %get3A_415 = tpu.vector_load %arg10[%get3A_413, %get3A_414] {strides = array<i32>} : memref<32x512xf32, #tpu.memory_space<vmem>>, vector<1x16xf32>,
          %get3A_416 = vector.shape_cast %get3A_415 : vector<1x16xf32> to vector<16xf32>
          %add3A_417 = arith.addf %mul3A_410, %get3A_416 : vector<16xf32>
          %mul3A_418 = arith.constant 16 : i32
          %mul3A_419 = arith.muli %add3A_403, %mul3A_418 : i32
          %swap3A_420 = arith.index_cast %sub3A_145 : i32 to index
          %swap3A_421 = arith.index_cast %mul3A_419 : i32 to index
          %swap3A_422 = tpu.vector_load %arg9[%swap3A_420, %swap3A_421] {strides = array<i32>} : memref<32x512xf32, #tpu.memory_space<vmem>>, vector<1x16xf32>,
          %swap3A_423 = vector.shape_cast %swap3A_422 : vector<1x16xf32> to vector<16xf32>
          %swap3A_424 = vector.shape_cast %add3A_417 : vector<16xf32> to vector<1x16xf32>
          tpu.vector_store %arg9[%swap3A_420, %swap3A_421], %swap3A_424 {strides = array<i32>} : memref<32x512xf32, #tpu.memory_space<vmem>>, vector<1x16xf32>,
          %mul3A_425 = arith.mulf %add3A_417, %add3A_417 : vector<16xf32>
          %add3A_426 = arith.addf %add3A_316, %mul3A_425 : vector<16xf32>
          %mul3A_427 = arith.constant 4 : i32
          %mul3A_428 = arith.muli %scan3A_372, %mul3A_427 : i32
          %add3A_429 = arith.constant 2 : i32
          %add3A_430 = arith.addi %mul3A_428, %add3A_429 : i32
          %mul3A_431 = arith.constant 16 : i32
          %mul3A_432 = arith.muli %add3A_430, %mul3A_431 : i32
          %get3A_433 = arith.index_cast %sub3A_145 : i32 to index
          %get3A_434 = arith.index_cast %mul3A_432 : i32 to index
          %get3A_435 = tpu.vector_load %arg9[%get3A_433, %get3A_434] {strides = array<i32>} : memref<32x512xf32, #tpu.memory_space<vmem>>, vector<1x16xf32>,
          %get3A_436 = vector.shape_cast %get3A_435 : vector<1x16xf32> to vector<16xf32>
          %mul3A_437 = arith.mulf %get3A_436, %mul3A_152 : vector<16xf32>
          %mul3A_438 = arith.constant 16 : i32
          %mul3A_439 = arith.muli %add3A_430, %mul3A_438 : i32
          %get3A_440 = arith.index_cast %add3A_144 : i32 to index
          %get3A_441 = arith.index_cast %mul3A_439 : i32 to index
          %get3A_442 = tpu.vector_load %arg10[%get3A_440, %get3A_441] {strides = array<i32>} : memref<32x512xf32, #tpu.memory_space<vmem>>, vector<1x16xf32>,
          %get3A_443 = vector.shape_cast %get3A_442 : vector<1x16xf32> to vector<16xf32>
          %add3A_444 = arith.addf %mul3A_437, %get3A_443 : vector<16xf32>
          %mul3A_445 = arith.constant 16 : i32
          %mul3A_446 = arith.muli %add3A_430, %mul3A_445 : i32
          %swap3A_447 = arith.index_cast %sub3A_145 : i32 to index
          %swap3A_448 = arith.index_cast %mul3A_446 : i32 to index
          %swap3A_449 = tpu.vector_load %arg9[%swap3A_447, %swap3A_448] {strides = array<i32>} : memref<32x512xf32, #tpu.memory_space<vmem>>, vector<1x16xf32>,
          %swap3A_450 = vector.shape_cast %swap3A_449 : vector<1x16xf32> to vector<16xf32>
          %swap3A_451 = vector.shape_cast %add3A_444 : vector<16xf32> to vector<1x16xf32>
          tpu.vector_store %arg9[%swap3A_447, %swap3A_448], %swap3A_451 {strides = array<i32>} : memref<32x512xf32, #tpu.memory_space<vmem>>, vector<1x16xf32>,
          %mul3A_452 = arith.mulf %add3A_444, %add3A_444 : vector<16xf32>
          %add3A_453 = arith.addf %add3A_343, %mul3A_452 : vector<16xf32>
          %mul3A_454 = arith.constant 4 : i32
          %mul3A_455 = arith.muli %scan3A_372, %mul3A_454 : i32
          %add3A_456 = arith.constant 3 : i32
          %add3A_457 = arith.addi %mul3A_455, %add3A_456 : i32
          %mul3A_458 = arith.constant 16 : i32
          %mul3A_459 = arith.muli %add3A_457, %mul3A_458 : i32
          %get3A_460 = arith.index_cast %sub3A_145 : i32 to index
          %get3A_461 = arith.index_cast %mul3A_459 : i32 to index
          %get3A_462 = tpu.vector_load %arg9[%get3A_460, %get3A_461] {strides = array<i32>} : memref<32x512xf32, #tpu.memory_space<vmem>>, vector<1x16xf32>,
          %get3A_463 = vector.shape_cast %get3A_462 : vector<1x16xf32> to vector<16xf32>
          %mul3A_464 = arith.mulf %get3A_463, %mul3A_152 : vector<16xf32>
          %mul3A_465 = arith.constant 16 : i32
          %mul3A_466 = arith.muli %add3A_457, %mul3A_465 : i32
          %get3A_467 = arith.index_cast %add3A_144 : i32 to index
          %get3A_468 = arith.index_cast %mul3A_466 : i32 to index
          %get3A_469 = tpu.vector_load %arg10[%get3A_467, %get3A_468] {strides = array<i32>} : memref<32x512xf32, #tpu.memory_space<vmem>>, vector<1x16xf32>,
          %get3A_470 = vector.shape_cast %get3A_469 : vector<1x16xf32> to vector<16xf32>
          %add3A_471 = arith.addf %mul3A_464, %get3A_470 : vector<16xf32>
          %mul3A_472 = arith.constant 16 : i32
          %mul3A_473 = arith.muli %add3A_457, %mul3A_472 : i32
          %swap3A_474 = arith.index_cast %sub3A_145 : i32 to index
          %swap3A_475 = arith.index_cast %mul3A_473 : i32 to index
          %swap3A_476 = tpu.vector_load %arg9[%swap3A_474, %swap3A_475] {strides = array<i32>} : memref<32x512xf32, #tpu.memory_space<vmem>>, vector<1x16xf32>,
          %swap3A_477 = vector.shape_cast %swap3A_476 : vector<1x16xf32> to vector<16xf32>
          %swap3A_478 = vector.shape_cast %add3A_471 : vector<16xf32> to vector<1x16xf32>
          tpu.vector_store %arg9[%swap3A_474, %swap3A_475], %swap3A_478 {strides = array<i32>} : memref<32x512xf32, #tpu.memory_space<vmem>>, vector<1x16xf32>,
          %mul3A_479 = arith.mulf %add3A_471, %add3A_471 : vector<16xf32>
          %add3A_480 = arith.addf %add3A_370, %mul3A_479 : vector<16xf32>
          scf.yield %add3A_399, %add3A_426, %add3A_453, %add3A_480 : vector<16xf32>, vector<16xf32>, vector<16xf32>, vector<16xf32>
        }
        %scan3A_160 = arith.constant 8 : i32
        %add3A_161 = arith.addf %scan3A_159#0, %scan3A_159#1 : vector<16xf32>
        %add3A_162 = arith.addf %scan3A_159#2, %scan3A_159#3 : vector<16xf32>
        %add3A_163 = arith.addf %add3A_161, %add3A_162 : vector<16xf32>
        %xor3A = arith.constant 8 : i32
        %xor3A_164 = vector.broadcast %xor3A : i32 to vector<16xi32>
        %xor3A_165 = arith.xori %iota3A, %xor3A_164 : vector<16xi32>
        %lt3A_166 = arith.constant 0 : i32
        %lt3A_167 = vector.broadcast %lt3A_166 : i32 to vector<16xi32>
        %lt3A_168 = arith.cmpi slt, %xor3A_165, %lt3A_167 : vector<16xi32>
        %add3A_169 = arith.constant 16 : i32
        %add3A_170 = vector.broadcast %add3A_169 : i32 to vector<16xi32>
        %add3A_171 = arith.addi %xor3A_165, %add3A_170 : vector<16xi32>
        %select_n3A = arith.select %lt3A_168, %add3A_171, %xor3A_165 : vector<16xi1>, vector<16xi32>
        %broadcast_in_dim3A_172 = vector.shape_cast %select_n3A : vector<16xi32> to vector<16x1xi32>
        %gather3A = vector.shape_cast %broadcast_in_dim3A_172 : vector<16x1xi32> to vector<16xi32>
        %gather3A_173 = tpu.dynamic_gather %add3A_163[%gather3A] in [0] : vector<16xf32>, vector<16xi32> -> vector<16xf32>
        %add3A_174 = arith.addf %add3A_163, %gather3A_173 : vector<16xf32>
        %xor3A_175 = arith.constant 4 : i32
        %xor3A_176 = vector.broadcast %xor3A_175 : i32 to vector<16xi32>
        %xor3A_177 = arith.xori %iota3A, %xor3A_176 : vector<16xi32>
        %lt3A_178 = arith.constant 0 : i32
        %lt3A_179 = vector.broadcast %lt3A_178 : i32 to vector<16xi32>
        %lt3A_180 = arith.cmpi slt, %xor3A_177, %lt3A_179 : vector<16xi32>
        %add3A_181 = arith.constant 16 : i32
        %add3A_182 = vector.broadcast %add3A_181 : i32 to vector<16xi32>
        %add3A_183 = arith.addi %xor3A_177, %add3A_182 : vector<16xi32>
        %select_n3A_184 = arith.select %lt3A_180, %add3A_183, %xor3A_177 : vector<16xi1>, vector<16xi32>
        %broadcast_in_dim3A_185 = vector.shape_cast %select_n3A_184 : vector<16xi32> to vector<16x1xi32>
        %gather3A_186 = vector.shape_cast %broadcast_in_dim3A_185 : vector<16x1xi32> to vector<16xi32>
        %gather3A_187 = tpu.dynamic_gather %add3A_174[%gather3A_186] in [0] : vector<16xf32>, vector<16xi32> -> vector<16xf32>
        %add3A_188 = arith.addf %add3A_174, %gather3A_187 : vector<16xf32>
        %xor3A_189 = arith.constant 2 : i32
        %xor3A_190 = vector.broadcast %xor3A_189 : i32 to vector<16xi32>
        %xor3A_191 = arith.xori %iota3A, %xor3A_190 : vector<16xi32>
        %lt3A_192 = arith.constant 0 : i32
        %lt3A_193 = vector.broadcast %lt3A_192 : i32 to vector<16xi32>
        %lt3A_194 = arith.cmpi slt, %xor3A_191, %lt3A_193 : vector<16xi32>
        %add3A_195 = arith.constant 16 : i32
        %add3A_196 = vector.broadcast %add3A_195 : i32 to vector<16xi32>
        %add3A_197 = arith.addi %xor3A_191, %add3A_196 : vector<16xi32>
        %select_n3A_198 = arith.select %lt3A_194, %add3A_197, %xor3A_191 : vector<16xi1>, vector<16xi32>
        %broadcast_in_dim3A_199 = vector.shape_cast %select_n3A_198 : vector<16xi32> to vector<16x1xi32>
        %gather3A_200 = vector.shape_cast %broadcast_in_dim3A_199 : vector<16x1xi32> to vector<16xi32>
        %gather3A_201 = tpu.dynamic_gather %add3A_188[%gather3A_200] in [0] : vector<16xf32>, vector<16xi32> -> vector<16xf32>
        %add3A_202 = arith.addf %add3A_188, %gather3A_201 : vector<16xf32>
        %xor3A_203 = arith.constant 1 : i32
        %xor3A_204 = vector.broadcast %xor3A_203 : i32 to vector<16xi32>
        %xor3A_205 = arith.xori %iota3A, %xor3A_204 : vector<16xi32>
        %lt3A_206 = arith.constant 0 : i32
        %lt3A_207 = vector.broadcast %lt3A_206 : i32 to vector<16xi32>
        %lt3A_208 = arith.cmpi slt, %xor3A_205, %lt3A_207 : vector<16xi32>
        %add3A_209 = arith.constant 16 : i32
        %add3A_210 = vector.broadcast %add3A_209 : i32 to vector<16xi32>
        %add3A_211 = arith.addi %xor3A_205, %add3A_210 : vector<16xi32>
        %select_n3A_212 = arith.select %lt3A_208, %add3A_211, %xor3A_205 : vector<16xi1>, vector<16xi32>
        %broadcast_in_dim3A_213 = vector.shape_cast %select_n3A_212 : vector<16xi32> to vector<16x1xi32>
        %gather3A_214 = vector.shape_cast %broadcast_in_dim3A_213 : vector<16x1xi32> to vector<16xi32>
        %gather3A_215 = tpu.dynamic_gather %add3A_202[%gather3A_214] in [0] : vector<16xf32>, vector<16xi32> -> vector<16xf32>
        %add3A_216 = arith.addf %add3A_202, %gather3A_215 : vector<16xf32>
        %bitcast_convert_type3A = tpu.bitcast %add3A_216 : vector<16xf32> -> vector<16xi32>
        %shift_right_arithmetic3A_217 = arith.constant 1 : i32
        %shift_right_arithmetic3A_218 = vector.broadcast %shift_right_arithmetic3A_217 : i32 to vector<16xi32>
        %shift_right_arithmetic3A_219 = arith.shrsi %bitcast_convert_type3A, %shift_right_arithmetic3A_218 : vector<16xi32>
        %sub3A_220 = arith.constant 1597463007 : i32
        %sub3A_221 = vector.broadcast %sub3A_220 : i32 to vector<16xi32>
        %sub3A_222 = arith.subi %sub3A_221, %shift_right_arithmetic3A_219 : vector<16xi32>
        %bitcast_convert_type3A_223 = tpu.bitcast %sub3A_222 : vector<16xi32> -> vector<16xf32>
        %mul3A_224 = arith.constant 5.000000e-01 : f32
        %mul3A_225 = vector.broadcast %mul3A_224 : f32 to vector<16xf32>
        %mul3A_226 = arith.mulf %mul3A_225, %add3A_216 : vector<16xf32>
        %mul3A_227 = arith.mulf %mul3A_226, %bitcast_convert_type3A_223 : vector<16xf32>
        %mul3A_228 = arith.mulf %mul3A_227, %bitcast_convert_type3A_223 : vector<16xf32>
        %sub3A_229 = arith.constant 1.500000e+00 : f32
        %sub3A_230 = vector.broadcast %sub3A_229 : f32 to vector<16xf32>
        %sub3A_231 = arith.subf %sub3A_230, %mul3A_228 : vector<16xf32>
        %mul3A_232 = arith.mulf %bitcast_convert_type3A_223, %sub3A_231 : vector<16xf32>
        %mul3A_233 = arith.constant 5.000000e-01 : f32
        %mul3A_234 = vector.broadcast %mul3A_233 : f32 to vector<16xf32>
        %mul3A_235 = arith.mulf %mul3A_234, %add3A_216 : vector<16xf32>
        %mul3A_236 = arith.mulf %mul3A_235, %mul3A_232 : vector<16xf32>
        %mul3A_237 = arith.mulf %mul3A_236, %mul3A_232 : vector<16xf32>
        %sub3A_238 = arith.constant 1.500000e+00 : f32
        %sub3A_239 = vector.broadcast %sub3A_238 : f32 to vector<16xf32>
        %sub3A_240 = arith.subf %sub3A_239, %mul3A_237 : vector<16xf32>
        %mul3A_241 = arith.mulf %mul3A_232, %sub3A_240 : vector<16xf32>
        %mul3A_242 = arith.constant 5.000000e-01 : f32
        %mul3A_243 = vector.broadcast %mul3A_242 : f32 to vector<16xf32>
        %mul3A_244 = arith.mulf %mul3A_243, %add3A_216 : vector<16xf32>
        %mul3A_245 = arith.mulf %mul3A_244, %mul3A_241 : vector<16xf32>
        %mul3A_246 = arith.mulf %mul3A_245, %mul3A_241 : vector<16xf32>
        %sub3A_247 = arith.constant 1.500000e+00 : f32
        %sub3A_248 = vector.broadcast %sub3A_247 : f32 to vector<16xf32>
        %sub3A_249 = arith.subf %sub3A_248, %mul3A_246 : vector<16xf32>
        %mul3A_250 = arith.mulf %mul3A_241, %sub3A_249 : vector<16xf32>
        %min3A_251 = arith.constant 9.99999995E+11 : f32
        %min3A_252 = vector.broadcast %min3A_251 : f32 to vector<16xf32>
        %min3A_253 = arith.minimumf %mul3A_250, %min3A_252 : vector<16xf32>
        %swap3A = arith.index_cast %sub3A_145 : i32 to index
        %swap3A_254 = arith.constant 0 : index
        %swap3A_255 = tpu.vector_load %arg12[%swap3A, %swap3A_254] {strides = array<i32>} : memref<32x16xf32, #tpu.memory_space<vmem>>, vector<1x16xf32>,
        %swap3A_256 = vector.shape_cast %swap3A_255 : vector<1x16xf32> to vector<16xf32>
        %swap3A_257 = vector.shape_cast %min3A_253 : vector<16xf32> to vector<1x16xf32>
        tpu.vector_store %arg12[%swap3A, %swap3A_254], %swap3A_257 {strides = array<i32>} : memref<32x16xf32, #tpu.memory_space<vmem>>, vector<1x16xf32>,
      }
      %while3A_135 = arith.constant 1 : i32
      scf.for %while3A_136 = %while3A_133 to %while3A_129 step %while3A_135  : i32 {
        %add3A_137 = arith.addi %mul3A_120, %while3A_136 : i32
        %get3A_138 = arith.index_cast %add3A_137 : i32 to index
        %get3A_139 = arith.constant 0 : index
        %get3A_140 = tpu.vector_load %arg11[%get3A_138, %get3A_139] {strides = array<i32>} : memref<32x16xi32, #tpu.memory_space<vmem>>, vector<1x16xi32>,
        %get3A_141 = vector.shape_cast %get3A_140 : vector<1x16xi32> to vector<16xi32>
        %slice3A_142 = vector.extract_strided_slice %get3A_141 {offsets = [0], sizes = [1], strides = [1]} : vector<16xi32> to vector<1xi32>
        %squeeze3A_143 = vector.extract %slice3A_142[0] : i32 from vector<1xi32>
        %add3A_144 = arith.addi %mul3A_120, %while3A_136 : i32
        %sub3A_145 = arith.subi %squeeze3A_143, %multiple_of3A : i32
        %get3A_146 = arith.index_cast %sub3A_145 : i32 to index
        %get3A_147 = arith.constant 0 : index
        %get3A_148 = tpu.vector_load %arg12[%get3A_146, %get3A_147] {strides = array<i32>} : memref<32x16xf32, #tpu.memory_space<vmem>>, vector<1x16xf32>,
        %get3A_149 = vector.shape_cast %get3A_148 : vector<1x16xf32> to vector<16xf32>
        %mul3A_150 = arith.constant 0.949999988 : f32
        %mul3A_151 = vector.broadcast %mul3A_150 : f32 to vector<16xf32>
        %mul3A_152 = arith.mulf %get3A_149, %mul3A_151 : vector<16xf32>
        %broadcast_in_dim3A_153 = arith.constant 0.000000e+00 : f32
        %broadcast_in_dim3A_154 = vector.broadcast %broadcast_in_dim3A_153 : f32 to vector<16xf32>
        %scan3A_155 = arith.constant 0 : i32
        %scan3A_156 = arith.constant 8 : i32
        %scan3A_157 = arith.addi %scan3A_155, %scan3A_156 : i32
        %scan3A_158 = arith.constant 2 : i32
        %scan3A_159:4 = scf.for %scan3A_258 = %scan3A_155 to %scan3A_157 step %scan3A_158 iter_args(%scan3A_259 = %broadcast_in_dim3A_154, %scan3A_260 = %broadcast_in_dim3A_154, %scan3A_261 = %broadcast_in_dim3A_154, %scan3A_262 = %broadcast_in_dim3A_154) -> (vector<16xf32>, vector<16xf32>, vector<16xf32>, vector<16xf32>)  : i32 {
          %mul3A_263 = arith.constant 4 : i32
          %mul3A_264 = arith.muli %scan3A_258, %mul3A_263 : i32
          %add3A_265 = arith.constant 0 : i32
          %add3A_266 = arith.addi %mul3A_264, %add3A_265 : i32
          %mul3A_267 = arith.constant 16 : i32
          %mul3A_268 = arith.muli %add3A_266, %mul3A_267 : i32
          %get3A_269 = arith.index_cast %sub3A_145 : i32 to index
          %get3A_270 = arith.index_cast %mul3A_268 : i32 to index
          %get3A_271 = tpu.vector_load %arg9[%get3A_269, %get3A_270] {strides = array<i32>} : memref<32x512xf32, #tpu.memory_space<vmem>>, vector<1x16xf32>,
          %get3A_272 = vector.shape_cast %get3A_271 : vector<1x16xf32> to vector<16xf32>
          %mul3A_273 = arith.mulf %get3A_272, %mul3A_152 : vector<16xf32>
          %mul3A_274 = arith.constant 16 : i32
          %mul3A_275 = arith.muli %add3A_266, %mul3A_274 : i32
          %get3A_276 = arith.index_cast %add3A_144 : i32 to index
          %get3A_277 = arith.index_cast %mul3A_275 : i32 to index
          %get3A_278 = tpu.vector_load %arg10[%get3A_276, %get3A_277] {strides = array<i32>} : memref<32x512xf32, #tpu.memory_space<vmem>>, vector<1x16xf32>,
          %get3A_279 = vector.shape_cast %get3A_278 : vector<1x16xf32> to vector<16xf32>
          %add3A_280 = arith.addf %mul3A_273, %get3A_279 : vector<16xf32>
          %mul3A_281 = arith.constant 16 : i32
          %mul3A_282 = arith.muli %add3A_266, %mul3A_281 : i32
          %swap3A_283 = arith.index_cast %sub3A_145 : i32 to index
          %swap3A_284 = arith.index_cast %mul3A_282 : i32 to index
          %swap3A_285 = tpu.vector_load %arg9[%swap3A_283, %swap3A_284] {strides = array<i32>} : memref<32x512xf32, #tpu.memory_space<vmem>>, vector<1x16xf32>,
          %swap3A_286 = vector.shape_cast %swap3A_285 : vector<1x16xf32> to vector<16xf32>
          %swap3A_287 = vector.shape_cast %add3A_280 : vector<16xf32> to vector<1x16xf32>
          tpu.vector_store %arg9[%swap3A_283, %swap3A_284], %swap3A_287 {strides = array<i32>} : memref<32x512xf32, #tpu.memory_space<vmem>>, vector<1x16xf32>,
          %mul3A_288 = arith.mulf %add3A_280, %add3A_280 : vector<16xf32>
          %add3A_289 = arith.addf %scan3A_259, %mul3A_288 : vector<16xf32>
          %mul3A_290 = arith.constant 4 : i32
          %mul3A_291 = arith.muli %scan3A_258, %mul3A_290 : i32
          %add3A_292 = arith.constant 1 : i32
          %add3A_293 = arith.addi %mul3A_291, %add3A_292 : i32
          %mul3A_294 = arith.constant 16 : i32
          %mul3A_295 = arith.muli %add3A_293, %mul3A_294 : i32
          %get3A_296 = arith.index_cast %sub3A_145 : i32 to index
          %get3A_297 = arith.index_cast %mul3A_295 : i32 to index
          %get3A_298 = tpu.vector_load %arg9[%get3A_296, %get3A_297] {strides = array<i32>} : memref<32x512xf32, #tpu.memory_space<vmem>>, vector<1x16xf32>,
          %get3A_299 = vector.shape_cast %get3A_298 : vector<1x16xf32> to vector<16xf32>
          %mul3A_300 = arith.mulf %get3A_299, %mul3A_152 : vector<16xf32>
          %mul3A_301 = arith.constant 16 : i32
          %mul3A_302 = arith.muli %add3A_293, %mul3A_301 : i32
          %get3A_303 = arith.index_cast %add3A_144 : i32 to index
          %get3A_304 = arith.index_cast %mul3A_302 : i32 to index
          %get3A_305 = tpu.vector_load %arg10[%get3A_303, %get3A_304] {strides = array<i32>} : memref<32x512xf32, #tpu.memory_space<vmem>>, vector<1x16xf32>,
          %get3A_306 = vector.shape_cast %get3A_305 : vector<1x16xf32> to vector<16xf32>
          %add3A_307 = arith.addf %mul3A_300, %get3A_306 : vector<16xf32>
          %mul3A_308 = arith.constant 16 : i32
          %mul3A_309 = arith.muli %add3A_293, %mul3A_308 : i32
          %swap3A_310 = arith.index_cast %sub3A_145 : i32 to index
          %swap3A_311 = arith.index_cast %mul3A_309 : i32 to index
          %swap3A_312 = tpu.vector_load %arg9[%swap3A_310, %swap3A_311] {strides = array<i32>} : memref<32x512xf32, #tpu.memory_space<vmem>>, vector<1x16xf32>,
          %swap3A_313 = vector.shape_cast %swap3A_312 : vector<1x16xf32> to vector<16xf32>
          %swap3A_314 = vector.shape_cast %add3A_307 : vector<16xf32> to vector<1x16xf32>
          tpu.vector_store %arg9[%swap3A_310, %swap3A_311], %swap3A_314 {strides = array<i32>} : memref<32x512xf32, #tpu.memory_space<vmem>>, vector<1x16xf32>,
          %mul3A_315 = arith.mulf %add3A_307, %add3A_307 : vector<16xf32>
          %add3A_316 = arith.addf %scan3A_260, %mul3A_315 : vector<16xf32>
          %mul3A_317 = arith.constant 4 : i32
          %mul3A_318 = arith.muli %scan3A_258, %mul3A_317 : i32
          %add3A_319 = arith.constant 2 : i32
          %add3A_320 = arith.addi %mul3A_318, %add3A_319 : i32
          %mul3A_321 = arith.constant 16 : i32
          %mul3A_322 = arith.muli %add3A_320, %mul3A_321 : i32
          %get3A_323 = arith.index_cast %sub3A_145 : i32 to index
          %get3A_324 = arith.index_cast %mul3A_322 : i32 to index
          %get3A_325 = tpu.vector_load %arg9[%get3A_323, %get3A_324] {strides = array<i32>} : memref<32x512xf32, #tpu.memory_space<vmem>>, vector<1x16xf32>,
          %get3A_326 = vector.shape_cast %get3A_325 : vector<1x16xf32> to vector<16xf32>
          %mul3A_327 = arith.mulf %get3A_326, %mul3A_152 : vector<16xf32>
          %mul3A_328 = arith.constant 16 : i32
          %mul3A_329 = arith.muli %add3A_320, %mul3A_328 : i32
          %get3A_330 = arith.index_cast %add3A_144 : i32 to index
          %get3A_331 = arith.index_cast %mul3A_329 : i32 to index
          %get3A_332 = tpu.vector_load %arg10[%get3A_330, %get3A_331] {strides = array<i32>} : memref<32x512xf32, #tpu.memory_space<vmem>>, vector<1x16xf32>,
          %get3A_333 = vector.shape_cast %get3A_332 : vector<1x16xf32> to vector<16xf32>
          %add3A_334 = arith.addf %mul3A_327, %get3A_333 : vector<16xf32>
          %mul3A_335 = arith.constant 16 : i32
          %mul3A_336 = arith.muli %add3A_320, %mul3A_335 : i32
          %swap3A_337 = arith.index_cast %sub3A_145 : i32 to index
          %swap3A_338 = arith.index_cast %mul3A_336 : i32 to index
          %swap3A_339 = tpu.vector_load %arg9[%swap3A_337, %swap3A_338] {strides = array<i32>} : memref<32x512xf32, #tpu.memory_space<vmem>>, vector<1x16xf32>,
          %swap3A_340 = vector.shape_cast %swap3A_339 : vector<1x16xf32> to vector<16xf32>
          %swap3A_341 = vector.shape_cast %add3A_334 : vector<16xf32> to vector<1x16xf32>
          tpu.vector_store %arg9[%swap3A_337, %swap3A_338], %swap3A_341 {strides = array<i32>} : memref<32x512xf32, #tpu.memory_space<vmem>>, vector<1x16xf32>,
          %mul3A_342 = arith.mulf %add3A_334, %add3A_334 : vector<16xf32>
          %add3A_343 = arith.addf %scan3A_261, %mul3A_342 : vector<16xf32>
          %mul3A_344 = arith.constant 4 : i32
          %mul3A_345 = arith.muli %scan3A_258, %mul3A_344 : i32
          %add3A_346 = arith.constant 3 : i32
          %add3A_347 = arith.addi %mul3A_345, %add3A_346 : i32
          %mul3A_348 = arith.constant 16 : i32
          %mul3A_349 = arith.muli %add3A_347, %mul3A_348 : i32
          %get3A_350 = arith.index_cast %sub3A_145 : i32 to index
          %get3A_351 = arith.index_cast %mul3A_349 : i32 to index
          %get3A_352 = tpu.vector_load %arg9[%get3A_350, %get3A_351] {strides = array<i32>} : memref<32x512xf32, #tpu.memory_space<vmem>>, vector<1x16xf32>,
          %get3A_353 = vector.shape_cast %get3A_352 : vector<1x16xf32> to vector<16xf32>
          %mul3A_354 = arith.mulf %get3A_353, %mul3A_152 : vector<16xf32>
          %mul3A_355 = arith.constant 16 : i32
          %mul3A_356 = arith.muli %add3A_347, %mul3A_355 : i32
          %get3A_357 = arith.index_cast %add3A_144 : i32 to index
          %get3A_358 = arith.index_cast %mul3A_356 : i32 to index
          %get3A_359 = tpu.vector_load %arg10[%get3A_357, %get3A_358] {strides = array<i32>} : memref<32x512xf32, #tpu.memory_space<vmem>>, vector<1x16xf32>,
          %get3A_360 = vector.shape_cast %get3A_359 : vector<1x16xf32> to vector<16xf32>
          %add3A_361 = arith.addf %mul3A_354, %get3A_360 : vector<16xf32>
          %mul3A_362 = arith.constant 16 : i32
          %mul3A_363 = arith.muli %add3A_347, %mul3A_362 : i32
          %swap3A_364 = arith.index_cast %sub3A_145 : i32 to index
          %swap3A_365 = arith.index_cast %mul3A_363 : i32 to index
          %swap3A_366 = tpu.vector_load %arg9[%swap3A_364, %swap3A_365] {strides = array<i32>} : memref<32x512xf32, #tpu.memory_space<vmem>>, vector<1x16xf32>,
          %swap3A_367 = vector.shape_cast %swap3A_366 : vector<1x16xf32> to vector<16xf32>
          %swap3A_368 = vector.shape_cast %add3A_361 : vector<16xf32> to vector<1x16xf32>
          tpu.vector_store %arg9[%swap3A_364, %swap3A_365], %swap3A_368 {strides = array<i32>} : memref<32x512xf32, #tpu.memory_space<vmem>>, vector<1x16xf32>,
          %mul3A_369 = arith.mulf %add3A_361, %add3A_361 : vector<16xf32>
          %add3A_370 = arith.addf %scan3A_262, %mul3A_369 : vector<16xf32>
          %scan3A_371 = arith.constant 1 : i32
          %scan3A_372 = arith.addi %scan3A_258, %scan3A_371 : i32
          %mul3A_373 = arith.constant 4 : i32
          %mul3A_374 = arith.muli %scan3A_372, %mul3A_373 : i32
          %add3A_375 = arith.constant 0 : i32
          %add3A_376 = arith.addi %mul3A_374, %add3A_375 : i32
          %mul3A_377 = arith.constant 16 : i32
          %mul3A_378 = arith.muli %add3A_376, %mul3A_377 : i32
          %get3A_379 = arith.index_cast %sub3A_145 : i32 to index
          %get3A_380 = arith.index_cast %mul3A_378 : i32 to index
          %get3A_381 = tpu.vector_load %arg9[%get3A_379, %get3A_380] {strides = array<i32>} : memref<32x512xf32, #tpu.memory_space<vmem>>, vector<1x16xf32>,
          %get3A_382 = vector.shape_cast %get3A_381 : vector<1x16xf32> to vector<16xf32>
          %mul3A_383 = arith.mulf %get3A_382, %mul3A_152 : vector<16xf32>
          %mul3A_384 = arith.constant 16 : i32
          %mul3A_385 = arith.muli %add3A_376, %mul3A_384 : i32
          %get3A_386 = arith.index_cast %add3A_144 : i32 to index
          %get3A_387 = arith.index_cast %mul3A_385 : i32 to index
          %get3A_388 = tpu.vector_load %arg10[%get3A_386, %get3A_387] {strides = array<i32>} : memref<32x512xf32, #tpu.memory_space<vmem>>, vector<1x16xf32>,
          %get3A_389 = vector.shape_cast %get3A_388 : vector<1x16xf32> to vector<16xf32>
          %add3A_390 = arith.addf %mul3A_383, %get3A_389 : vector<16xf32>
          %mul3A_391 = arith.constant 16 : i32
          %mul3A_392 = arith.muli %add3A_376, %mul3A_391 : i32
          %swap3A_393 = arith.index_cast %sub3A_145 : i32 to index
          %swap3A_394 = arith.index_cast %mul3A_392 : i32 to index
          %swap3A_395 = tpu.vector_load %arg9[%swap3A_393, %swap3A_394] {strides = array<i32>} : memref<32x512xf32, #tpu.memory_space<vmem>>, vector<1x16xf32>,
          %swap3A_396 = vector.shape_cast %swap3A_395 : vector<1x16xf32> to vector<16xf32>
          %swap3A_397 = vector.shape_cast %add3A_390 : vector<16xf32> to vector<1x16xf32>
          tpu.vector_store %arg9[%swap3A_393, %swap3A_394], %swap3A_397 {strides = array<i32>} : memref<32x512xf32, #tpu.memory_space<vmem>>, vector<1x16xf32>,
          %mul3A_398 = arith.mulf %add3A_390, %add3A_390 : vector<16xf32>
          %add3A_399 = arith.addf %add3A_289, %mul3A_398 : vector<16xf32>
          %mul3A_400 = arith.constant 4 : i32
          %mul3A_401 = arith.muli %scan3A_372, %mul3A_400 : i32
          %add3A_402 = arith.constant 1 : i32
          %add3A_403 = arith.addi %mul3A_401, %add3A_402 : i32
          %mul3A_404 = arith.constant 16 : i32
          %mul3A_405 = arith.muli %add3A_403, %mul3A_404 : i32
          %get3A_406 = arith.index_cast %sub3A_145 : i32 to index
          %get3A_407 = arith.index_cast %mul3A_405 : i32 to index
          %get3A_408 = tpu.vector_load %arg9[%get3A_406, %get3A_407] {strides = array<i32>} : memref<32x512xf32, #tpu.memory_space<vmem>>, vector<1x16xf32>,
          %get3A_409 = vector.shape_cast %get3A_408 : vector<1x16xf32> to vector<16xf32>
          %mul3A_410 = arith.mulf %get3A_409, %mul3A_152 : vector<16xf32>
          %mul3A_411 = arith.constant 16 : i32
          %mul3A_412 = arith.muli %add3A_403, %mul3A_411 : i32
          %get3A_413 = arith.index_cast %add3A_144 : i32 to index
          %get3A_414 = arith.index_cast %mul3A_412 : i32 to index
          %get3A_415 = tpu.vector_load %arg10[%get3A_413, %get3A_414] {strides = array<i32>} : memref<32x512xf32, #tpu.memory_space<vmem>>, vector<1x16xf32>,
          %get3A_416 = vector.shape_cast %get3A_415 : vector<1x16xf32> to vector<16xf32>
          %add3A_417 = arith.addf %mul3A_410, %get3A_416 : vector<16xf32>
          %mul3A_418 = arith.constant 16 : i32
          %mul3A_419 = arith.muli %add3A_403, %mul3A_418 : i32
          %swap3A_420 = arith.index_cast %sub3A_145 : i32 to index
          %swap3A_421 = arith.index_cast %mul3A_419 : i32 to index
          %swap3A_422 = tpu.vector_load %arg9[%swap3A_420, %swap3A_421] {strides = array<i32>} : memref<32x512xf32, #tpu.memory_space<vmem>>, vector<1x16xf32>,
          %swap3A_423 = vector.shape_cast %swap3A_422 : vector<1x16xf32> to vector<16xf32>
          %swap3A_424 = vector.shape_cast %add3A_417 : vector<16xf32> to vector<1x16xf32>
          tpu.vector_store %arg9[%swap3A_420, %swap3A_421], %swap3A_424 {strides = array<i32>} : memref<32x512xf32, #tpu.memory_space<vmem>>, vector<1x16xf32>,
          %mul3A_425 = arith.mulf %add3A_417, %add3A_417 : vector<16xf32>
          %add3A_426 = arith.addf %add3A_316, %mul3A_425 : vector<16xf32>
          %mul3A_427 = arith.constant 4 : i32
          %mul3A_428 = arith.muli %scan3A_372, %mul3A_427 : i32
          %add3A_429 = arith.constant 2 : i32
          %add3A_430 = arith.addi %mul3A_428, %add3A_429 : i32
          %mul3A_431 = arith.constant 16 : i32
          %mul3A_432 = arith.muli %add3A_430, %mul3A_431 : i32
          %get3A_433 = arith.index_cast %sub3A_145 : i32 to index
          %get3A_434 = arith.index_cast %mul3A_432 : i32 to index
          %get3A_435 = tpu.vector_load %arg9[%get3A_433, %get3A_434] {strides = array<i32>} : memref<32x512xf32, #tpu.memory_space<vmem>>, vector<1x16xf32>,
          %get3A_436 = vector.shape_cast %get3A_435 : vector<1x16xf32> to vector<16xf32>
          %mul3A_437 = arith.mulf %get3A_436, %mul3A_152 : vector<16xf32>
          %mul3A_438 = arith.constant 16 : i32
          %mul3A_439 = arith.muli %add3A_430, %mul3A_438 : i32
          %get3A_440 = arith.index_cast %add3A_144 : i32 to index
          %get3A_441 = arith.index_cast %mul3A_439 : i32 to index
          %get3A_442 = tpu.vector_load %arg10[%get3A_440, %get3A_441] {strides = array<i32>} : memref<32x512xf32, #tpu.memory_space<vmem>>, vector<1x16xf32>,
          %get3A_443 = vector.shape_cast %get3A_442 : vector<1x16xf32> to vector<16xf32>
          %add3A_444 = arith.addf %mul3A_437, %get3A_443 : vector<16xf32>
          %mul3A_445 = arith.constant 16 : i32
          %mul3A_446 = arith.muli %add3A_430, %mul3A_445 : i32
          %swap3A_447 = arith.index_cast %sub3A_145 : i32 to index
          %swap3A_448 = arith.index_cast %mul3A_446 : i32 to index
          %swap3A_449 = tpu.vector_load %arg9[%swap3A_447, %swap3A_448] {strides = array<i32>} : memref<32x512xf32, #tpu.memory_space<vmem>>, vector<1x16xf32>,
          %swap3A_450 = vector.shape_cast %swap3A_449 : vector<1x16xf32> to vector<16xf32>
          %swap3A_451 = vector.shape_cast %add3A_444 : vector<16xf32> to vector<1x16xf32>
          tpu.vector_store %arg9[%swap3A_447, %swap3A_448], %swap3A_451 {strides = array<i32>} : memref<32x512xf32, #tpu.memory_space<vmem>>, vector<1x16xf32>,
          %mul3A_452 = arith.mulf %add3A_444, %add3A_444 : vector<16xf32>
          %add3A_453 = arith.addf %add3A_343, %mul3A_452 : vector<16xf32>
          %mul3A_454 = arith.constant 4 : i32
          %mul3A_455 = arith.muli %scan3A_372, %mul3A_454 : i32
          %add3A_456 = arith.constant 3 : i32
          %add3A_457 = arith.addi %mul3A_455, %add3A_456 : i32
          %mul3A_458 = arith.constant 16 : i32
          %mul3A_459 = arith.muli %add3A_457, %mul3A_458 : i32
          %get3A_460 = arith.index_cast %sub3A_145 : i32 to index
          %get3A_461 = arith.index_cast %mul3A_459 : i32 to index
          %get3A_462 = tpu.vector_load %arg9[%get3A_460, %get3A_461] {strides = array<i32>} : memref<32x512xf32, #tpu.memory_space<vmem>>, vector<1x16xf32>,
          %get3A_463 = vector.shape_cast %get3A_462 : vector<1x16xf32> to vector<16xf32>
          %mul3A_464 = arith.mulf %get3A_463, %mul3A_152 : vector<16xf32>
          %mul3A_465 = arith.constant 16 : i32
          %mul3A_466 = arith.muli %add3A_457, %mul3A_465 : i32
          %get3A_467 = arith.index_cast %add3A_144 : i32 to index
          %get3A_468 = arith.index_cast %mul3A_466 : i32 to index
          %get3A_469 = tpu.vector_load %arg10[%get3A_467, %get3A_468] {strides = array<i32>} : memref<32x512xf32, #tpu.memory_space<vmem>>, vector<1x16xf32>,
          %get3A_470 = vector.shape_cast %get3A_469 : vector<1x16xf32> to vector<16xf32>
          %add3A_471 = arith.addf %mul3A_464, %get3A_470 : vector<16xf32>
          %mul3A_472 = arith.constant 16 : i32
          %mul3A_473 = arith.muli %add3A_457, %mul3A_472 : i32
          %swap3A_474 = arith.index_cast %sub3A_145 : i32 to index
          %swap3A_475 = arith.index_cast %mul3A_473 : i32 to index
          %swap3A_476 = tpu.vector_load %arg9[%swap3A_474, %swap3A_475] {strides = array<i32>} : memref<32x512xf32, #tpu.memory_space<vmem>>, vector<1x16xf32>,
          %swap3A_477 = vector.shape_cast %swap3A_476 : vector<1x16xf32> to vector<16xf32>
          %swap3A_478 = vector.shape_cast %add3A_471 : vector<16xf32> to vector<1x16xf32>
          tpu.vector_store %arg9[%swap3A_474, %swap3A_475], %swap3A_478 {strides = array<i32>} : memref<32x512xf32, #tpu.memory_space<vmem>>, vector<1x16xf32>,
          %mul3A_479 = arith.mulf %add3A_471, %add3A_471 : vector<16xf32>
          %add3A_480 = arith.addf %add3A_370, %mul3A_479 : vector<16xf32>
          scf.yield %add3A_399, %add3A_426, %add3A_453, %add3A_480 : vector<16xf32>, vector<16xf32>, vector<16xf32>, vector<16xf32>
        }
        %scan3A_160 = arith.constant 8 : i32
        %add3A_161 = arith.addf %scan3A_159#0, %scan3A_159#1 : vector<16xf32>
        %add3A_162 = arith.addf %scan3A_159#2, %scan3A_159#3 : vector<16xf32>
        %add3A_163 = arith.addf %add3A_161, %add3A_162 : vector<16xf32>
        %xor3A = arith.constant 8 : i32
        %xor3A_164 = vector.broadcast %xor3A : i32 to vector<16xi32>
        %xor3A_165 = arith.xori %iota3A, %xor3A_164 : vector<16xi32>
        %lt3A_166 = arith.constant 0 : i32
        %lt3A_167 = vector.broadcast %lt3A_166 : i32 to vector<16xi32>
        %lt3A_168 = arith.cmpi slt, %xor3A_165, %lt3A_167 : vector<16xi32>
        %add3A_169 = arith.constant 16 : i32
        %add3A_170 = vector.broadcast %add3A_169 : i32 to vector<16xi32>
        %add3A_171 = arith.addi %xor3A_165, %add3A_170 : vector<16xi32>
        %select_n3A = arith.select %lt3A_168, %add3A_171, %xor3A_165 : vector<16xi1>, vector<16xi32>
        %broadcast_in_dim3A_172 = vector.shape_cast %select_n3A : vector<16xi32> to vector<16x1xi32>
        %gather3A = vector.shape_cast %broadcast_in_dim3A_172 : vector<16x1xi32> to vector<16xi32>
        %gather3A_173 = tpu.dynamic_gather %add3A_163[%gather3A] in [0] : vector<16xf32>, vector<16xi32> -> vector<16xf32>
        %add3A_174 = arith.addf %add3A_163, %gather3A_173 : vector<16xf32>
        %xor3A_175 = arith.constant 4 : i32
        %xor3A_176 = vector.broadcast %xor3A_175 : i32 to vector<16xi32>
        %xor3A_177 = arith.xori %iota3A, %xor3A_176 : vector<16xi32>
        %lt3A_178 = arith.constant 0 : i32
        %lt3A_179 = vector.broadcast %lt3A_178 : i32 to vector<16xi32>
        %lt3A_180 = arith.cmpi slt, %xor3A_177, %lt3A_179 : vector<16xi32>
        %add3A_181 = arith.constant 16 : i32
        %add3A_182 = vector.broadcast %add3A_181 : i32 to vector<16xi32>
        %add3A_183 = arith.addi %xor3A_177, %add3A_182 : vector<16xi32>
        %select_n3A_184 = arith.select %lt3A_180, %add3A_183, %xor3A_177 : vector<16xi1>, vector<16xi32>
        %broadcast_in_dim3A_185 = vector.shape_cast %select_n3A_184 : vector<16xi32> to vector<16x1xi32>
        %gather3A_186 = vector.shape_cast %broadcast_in_dim3A_185 : vector<16x1xi32> to vector<16xi32>
        %gather3A_187 = tpu.dynamic_gather %add3A_174[%gather3A_186] in [0] : vector<16xf32>, vector<16xi32> -> vector<16xf32>
        %add3A_188 = arith.addf %add3A_174, %gather3A_187 : vector<16xf32>
        %xor3A_189 = arith.constant 2 : i32
        %xor3A_190 = vector.broadcast %xor3A_189 : i32 to vector<16xi32>
        %xor3A_191 = arith.xori %iota3A, %xor3A_190 : vector<16xi32>
        %lt3A_192 = arith.constant 0 : i32
        %lt3A_193 = vector.broadcast %lt3A_192 : i32 to vector<16xi32>
        %lt3A_194 = arith.cmpi slt, %xor3A_191, %lt3A_193 : vector<16xi32>
        %add3A_195 = arith.constant 16 : i32
        %add3A_196 = vector.broadcast %add3A_195 : i32 to vector<16xi32>
        %add3A_197 = arith.addi %xor3A_191, %add3A_196 : vector<16xi32>
        %select_n3A_198 = arith.select %lt3A_194, %add3A_197, %xor3A_191 : vector<16xi1>, vector<16xi32>
        %broadcast_in_dim3A_199 = vector.shape_cast %select_n3A_198 : vector<16xi32> to vector<16x1xi32>
        %gather3A_200 = vector.shape_cast %broadcast_in_dim3A_199 : vector<16x1xi32> to vector<16xi32>
        %gather3A_201 = tpu.dynamic_gather %add3A_188[%gather3A_200] in [0] : vector<16xf32>, vector<16xi32> -> vector<16xf32>
        %add3A_202 = arith.addf %add3A_188, %gather3A_201 : vector<16xf32>
        %xor3A_203 = arith.constant 1 : i32
        %xor3A_204 = vector.broadcast %xor3A_203 : i32 to vector<16xi32>
        %xor3A_205 = arith.xori %iota3A, %xor3A_204 : vector<16xi32>
        %lt3A_206 = arith.constant 0 : i32
        %lt3A_207 = vector.broadcast %lt3A_206 : i32 to vector<16xi32>
        %lt3A_208 = arith.cmpi slt, %xor3A_205, %lt3A_207 : vector<16xi32>
        %add3A_209 = arith.constant 16 : i32
        %add3A_210 = vector.broadcast %add3A_209 : i32 to vector<16xi32>
        %add3A_211 = arith.addi %xor3A_205, %add3A_210 : vector<16xi32>
        %select_n3A_212 = arith.select %lt3A_208, %add3A_211, %xor3A_205 : vector<16xi1>, vector<16xi32>
        %broadcast_in_dim3A_213 = vector.shape_cast %select_n3A_212 : vector<16xi32> to vector<16x1xi32>
        %gather3A_214 = vector.shape_cast %broadcast_in_dim3A_213 : vector<16x1xi32> to vector<16xi32>
        %gather3A_215 = tpu.dynamic_gather %add3A_202[%gather3A_214] in [0] : vector<16xf32>, vector<16xi32> -> vector<16xf32>
        %add3A_216 = arith.addf %add3A_202, %gather3A_215 : vector<16xf32>
        %bitcast_convert_type3A = tpu.bitcast %add3A_216 : vector<16xf32> -> vector<16xi32>
        %shift_right_arithmetic3A_217 = arith.constant 1 : i32
        %shift_right_arithmetic3A_218 = vector.broadcast %shift_right_arithmetic3A_217 : i32 to vector<16xi32>
        %shift_right_arithmetic3A_219 = arith.shrsi %bitcast_convert_type3A, %shift_right_arithmetic3A_218 : vector<16xi32>
        %sub3A_220 = arith.constant 1597463007 : i32
        %sub3A_221 = vector.broadcast %sub3A_220 : i32 to vector<16xi32>
        %sub3A_222 = arith.subi %sub3A_221, %shift_right_arithmetic3A_219 : vector<16xi32>
        %bitcast_convert_type3A_223 = tpu.bitcast %sub3A_222 : vector<16xi32> -> vector<16xf32>
        %mul3A_224 = arith.constant 5.000000e-01 : f32
        %mul3A_225 = vector.broadcast %mul3A_224 : f32 to vector<16xf32>
        %mul3A_226 = arith.mulf %mul3A_225, %add3A_216 : vector<16xf32>
        %mul3A_227 = arith.mulf %mul3A_226, %bitcast_convert_type3A_223 : vector<16xf32>
        %mul3A_228 = arith.mulf %mul3A_227, %bitcast_convert_type3A_223 : vector<16xf32>
        %sub3A_229 = arith.constant 1.500000e+00 : f32
        %sub3A_230 = vector.broadcast %sub3A_229 : f32 to vector<16xf32>
        %sub3A_231 = arith.subf %sub3A_230, %mul3A_228 : vector<16xf32>
        %mul3A_232 = arith.mulf %bitcast_convert_type3A_223, %sub3A_231 : vector<16xf32>
        %mul3A_233 = arith.constant 5.000000e-01 : f32
        %mul3A_234 = vector.broadcast %mul3A_233 : f32 to vector<16xf32>
        %mul3A_235 = arith.mulf %mul3A_234, %add3A_216 : vector<16xf32>
        %mul3A_236 = arith.mulf %mul3A_235, %mul3A_232 : vector<16xf32>
        %mul3A_237 = arith.mulf %mul3A_236, %mul3A_232 : vector<16xf32>
        %sub3A_238 = arith.constant 1.500000e+00 : f32
        %sub3A_239 = vector.broadcast %sub3A_238 : f32 to vector<16xf32>
        %sub3A_240 = arith.subf %sub3A_239, %mul3A_237 : vector<16xf32>
        %mul3A_241 = arith.mulf %mul3A_232, %sub3A_240 : vector<16xf32>
        %mul3A_242 = arith.constant 5.000000e-01 : f32
        %mul3A_243 = vector.broadcast %mul3A_242 : f32 to vector<16xf32>
        %mul3A_244 = arith.mulf %mul3A_243, %add3A_216 : vector<16xf32>
        %mul3A_245 = arith.mulf %mul3A_244, %mul3A_241 : vector<16xf32>
        %mul3A_246 = arith.mulf %mul3A_245, %mul3A_241 : vector<16xf32>
        %sub3A_247 = arith.constant 1.500000e+00 : f32
        %sub3A_248 = vector.broadcast %sub3A_247 : f32 to vector<16xf32>
        %sub3A_249 = arith.subf %sub3A_248, %mul3A_246 : vector<16xf32>
        %mul3A_250 = arith.mulf %mul3A_241, %sub3A_249 : vector<16xf32>
        %min3A_251 = arith.constant 9.99999995E+11 : f32
        %min3A_252 = vector.broadcast %min3A_251 : f32 to vector<16xf32>
        %min3A_253 = arith.minimumf %mul3A_250, %min3A_252 : vector<16xf32>
        %swap3A = arith.index_cast %sub3A_145 : i32 to index
        %swap3A_254 = arith.constant 0 : index
        %swap3A_255 = tpu.vector_load %arg12[%swap3A, %swap3A_254] {strides = array<i32>} : memref<32x16xf32, #tpu.memory_space<vmem>>, vector<1x16xf32>,
        %swap3A_256 = vector.shape_cast %swap3A_255 : vector<1x16xf32> to vector<16xf32>
        %swap3A_257 = vector.shape_cast %min3A_253 : vector<16xf32> to vector<1x16xf32>
        tpu.vector_store %arg12[%swap3A, %swap3A_254], %swap3A_257 {strides = array<i32>} : memref<32x16xf32, #tpu.memory_space<vmem>>, vector<1x16xf32>,
      }
    }
    %mul3A_60 = arith.constant 16 : i32
    %mul3A_61 = arith.muli %shift_right_arithmetic3A_23, %mul3A_60 : i32
    %add3A_62 = arith.addi %squeeze3A, %mul3A_61 : i32
    %multiple_of3A_63 = tpu.assume_multiple %add3A_62, 16 : i32
    %and3A = arith.constant 1 : i32
    %and3A_64 = arith.andi %shift_right_arithmetic3A_23, %and3A : i32
    %eq3A_65 = arith.constant 0 : i32
    %eq3A_66 = arith.cmpi eq, %and3A_64, %eq3A_65 : i32
    %convert_element_type3A_67 = arith.extui %eq3A_66 : i1 to i32
    %cond3A_68 = arith.constant 0 : i32
    %cond3A_69 = arith.cmpi ne, %convert_element_type3A_67, %cond3A_68 : i32
    scf.if %cond3A_69 {
      %dma_wait3A_87 = arith.constant 0 : i32
      %dma_wait3A_88 = arith.constant 0 : i32
      %dma_wait3A_89 = tpu.memref_slice %arg10[%dma_wait3A_87, %dma_wait3A_88] : memref<32x512xf32, #tpu.memory_space<vmem>> -> memref<16x512xf32, #tpu.memory_space<vmem>>
      %dma_wait3A_90 = arith.constant 0 : i32
      %dma_wait3A_91 = tpu.memref_slice %arg4[%multiple_of3A_63, %dma_wait3A_90] : memref<1520x512xf32, #tpu.memory_space<hbm>> -> memref<16x512xf32, #tpu.memory_space<hbm>>
      %dma_wait3A_92 = arith.constant 0 : i32
      %dma_wait3A_93 = arith.constant 0 : i32
      %dma_wait3A_94 = tpu.memref_slice %arg10[%dma_wait3A_92, %dma_wait3A_93] : memref<32x512xf32, #tpu.memory_space<vmem>> -> memref<16x512xf32, #tpu.memory_space<vmem>>
      %dma_wait3A_95 = arith.constant 0 : i32
      %dma_wait3A_96 = tpu.memref_slice %arg4[%multiple_of3A_63, %dma_wait3A_95] : memref<1520x512xf32, #tpu.memory_space<hbm>> -> memref<16x512xf32, #tpu.memory_space<hbm>>
      tpu.wait_dma2 semaphore(%arg14 : memref<!tpu.dma_semaphore, #tpu.memory_space<semaphore_mem>>) src(%dma_wait3A_96 : memref<16x512xf32, #tpu.memory_space<hbm>>) dst(%dma_wait3A_94 : memref<16x512xf32, #tpu.memory_space<vmem>>)
      %dma_wait3A_97 = arith.constant 0 : i32
      %dma_wait3A_98 = arith.constant 0 : i32
      %dma_wait3A_99 = tpu.memref_slice %arg11[%dma_wait3A_97, %dma_wait3A_98] : memref<32x16xi32, #tpu.memory_space<vmem>> -> memref<16x16xi32, #tpu.memory_space<vmem>>
      %dma_wait3A_100 = arith.constant 0 : i32
      %dma_wait3A_101 = tpu.memref_slice %arg2[%multiple_of3A_63, %dma_wait3A_100] : memref<1520x16xi32, #tpu.memory_space<hbm>> -> memref<16x16xi32, #tpu.memory_space<hbm>>
      %dma_wait3A_102 = arith.constant 0 : i32
      %dma_wait3A_103 = arith.constant 0 : i32
      %dma_wait3A_104 = tpu.memref_slice %arg11[%dma_wait3A_102, %dma_wait3A_103] : memref<32x16xi32, #tpu.memory_space<vmem>> -> memref<16x16xi32, #tpu.memory_space<vmem>>
      %dma_wait3A_105 = arith.constant 0 : i32
      %dma_wait3A_106 = tpu.memref_slice %arg2[%multiple_of3A_63, %dma_wait3A_105] : memref<1520x16xi32, #tpu.memory_space<hbm>> -> memref<16x16xi32, #tpu.memory_space<hbm>>
      tpu.wait_dma2 semaphore(%arg14 : memref<!tpu.dma_semaphore, #tpu.memory_space<semaphore_mem>>) src(%dma_wait3A_106 : memref<16x16xi32, #tpu.memory_space<hbm>>) dst(%dma_wait3A_104 : memref<16x16xi32, #tpu.memory_space<vmem>>)
    } else {
    }
    %and3A_70 = arith.constant 1 : i32
    %and3A_71 = arith.andi %shift_right_arithmetic3A_23, %and3A_70 : i32
    %eq3A_72 = arith.constant 1 : i32
    %eq3A_73 = arith.cmpi eq, %and3A_71, %eq3A_72 : i32
    %convert_element_type3A_74 = arith.extui %eq3A_73 : i1 to i32
    %cond3A_75 = arith.constant 0 : i32
    %cond3A_76 = arith.cmpi ne, %convert_element_type3A_74, %cond3A_75 : i32
    scf.if %cond3A_76 {
      %dma_wait3A_87 = arith.constant 16 : i32
      %dma_wait3A_88 = arith.constant 0 : i32
      %dma_wait3A_89 = tpu.memref_slice %arg10[%dma_wait3A_87, %dma_wait3A_88] : memref<32x512xf32, #tpu.memory_space<vmem>> -> memref<16x512xf32, #tpu.memory_space<vmem>>
      %dma_wait3A_90 = arith.constant 0 : i32
      %dma_wait3A_91 = tpu.memref_slice %arg4[%multiple_of3A_63, %dma_wait3A_90] : memref<1520x512xf32, #tpu.memory_space<hbm>> -> memref<16x512xf32, #tpu.memory_space<hbm>>
      %dma_wait3A_92 = arith.constant 16 : i32
      %dma_wait3A_93 = arith.constant 0 : i32
      %dma_wait3A_94 = tpu.memref_slice %arg10[%dma_wait3A_92, %dma_wait3A_93] : memref<32x512xf32, #tpu.memory_space<vmem>> -> memref<16x512xf32, #tpu.memory_space<vmem>>
      %dma_wait3A_95 = arith.constant 0 : i32
      %dma_wait3A_96 = tpu.memref_slice %arg4[%multiple_of3A_63, %dma_wait3A_95] : memref<1520x512xf32, #tpu.memory_space<hbm>> -> memref<16x512xf32, #tpu.memory_space<hbm>>
      tpu.wait_dma2 semaphore(%arg15 : memref<!tpu.dma_semaphore, #tpu.memory_space<semaphore_mem>>) src(%dma_wait3A_96 : memref<16x512xf32, #tpu.memory_space<hbm>>) dst(%dma_wait3A_94 : memref<16x512xf32, #tpu.memory_space<vmem>>)
      %dma_wait3A_97 = arith.constant 16 : i32
      %dma_wait3A_98 = arith.constant 0 : i32
      %dma_wait3A_99 = tpu.memref_slice %arg11[%dma_wait3A_97, %dma_wait3A_98] : memref<32x16xi32, #tpu.memory_space<vmem>> -> memref<16x16xi32, #tpu.memory_space<vmem>>
      %dma_wait3A_100 = arith.constant 0 : i32
      %dma_wait3A_101 = tpu.memref_slice %arg2[%multiple_of3A_63, %dma_wait3A_100] : memref<1520x16xi32, #tpu.memory_space<hbm>> -> memref<16x16xi32, #tpu.memory_space<hbm>>
      %dma_wait3A_102 = arith.constant 16 : i32
      %dma_wait3A_103 = arith.constant 0 : i32
      %dma_wait3A_104 = tpu.memref_slice %arg11[%dma_wait3A_102, %dma_wait3A_103] : memref<32x16xi32, #tpu.memory_space<vmem>> -> memref<16x16xi32, #tpu.memory_space<vmem>>
      %dma_wait3A_105 = arith.constant 0 : i32
      %dma_wait3A_106 = tpu.memref_slice %arg2[%multiple_of3A_63, %dma_wait3A_105] : memref<1520x16xi32, #tpu.memory_space<hbm>> -> memref<16x16xi32, #tpu.memory_space<hbm>>
      tpu.wait_dma2 semaphore(%arg15 : memref<!tpu.dma_semaphore, #tpu.memory_space<semaphore_mem>>) src(%dma_wait3A_106 : memref<16x16xi32, #tpu.memory_space<hbm>>) dst(%dma_wait3A_104 : memref<16x16xi32, #tpu.memory_space<vmem>>)
    } else {
    }
    %lt3A_77 = arith.constant 31 : i32
    %lt3A_78 = arith.cmpi slt, %add3A, %lt3A_77 : i32
    %convert_element_type3A_79 = arith.extui %lt3A_78 : i1 to i32
    %cond3A_80 = arith.constant 0 : i32
    %cond3A_81 = arith.cmpi ne, %convert_element_type3A_79, %cond3A_80 : i32
    scf.if %cond3A_81 {
      "tpu.region"() ({
        %run_scoped3A = tpu.sem_alloc : memref<!tpu.dma_semaphore, #tpu.memory_space<semaphore_mem>>
        %dma_start3A_87 = arith.constant 0 : i32
        %dma_start3A_88 = tpu.memref_slice %arg6[%multiple_of3A, %dma_start3A_87] : memref<1000x512xf32, #tpu.memory_space<hbm>> -> memref<32x512xf32, #tpu.memory_space<hbm>>
        %dma_start3A_89 = arith.constant 0 : i32
        %dma_start3A_90 = tpu.memref_slice %arg6[%multiple_of3A, %dma_start3A_89] : memref<1000x512xf32, #tpu.memory_space<hbm>> -> memref<32x512xf32, #tpu.memory_space<hbm>>
        tpu.enqueue_dma source(%arg9 : memref<32x512xf32, #tpu.memory_space<vmem>>) target(%dma_start3A_90 : memref<32x512xf32, #tpu.memory_space<hbm>>) target_semaphore(%run_scoped3A : memref<!tpu.dma_semaphore, #tpu.memory_space<semaphore_mem>>)
        %dma_wait3A_91 = arith.constant 0 : i32
        %dma_wait3A_92 = tpu.memref_slice %arg6[%multiple_of3A, %dma_wait3A_91] : memref<1000x512xf32, #tpu.memory_space<hbm>> -> memref<32x512xf32, #tpu.memory_space<hbm>>
        %dma_wait3A_93 = arith.constant 0 : i32
        %dma_wait3A_94 = tpu.memref_slice %arg6[%multiple_of3A, %dma_wait3A_93] : memref<1000x512xf32, #tpu.memory_space<hbm>> -> memref<32x512xf32, #tpu.memory_space<hbm>>
        tpu.wait_dma2 semaphore(%run_scoped3A : memref<!tpu.dma_semaphore, #tpu.memory_space<semaphore_mem>>) src(%arg9 : memref<32x512xf32, #tpu.memory_space<vmem>>) dst(%dma_wait3A_94 : memref<32x512xf32, #tpu.memory_space<hbm>>)
        tpu.yield
      }) : () -> ()
      "tpu.region"() ({
        %run_scoped3A = tpu.sem_alloc : memref<!tpu.dma_semaphore, #tpu.memory_space<semaphore_mem>>
        %dma_start3A_87 = arith.constant 0 : i32
        %dma_start3A_88 = tpu.memref_slice %arg7[%multiple_of3A, %dma_start3A_87] : memref<1000x16xf32, #tpu.memory_space<hbm>> -> memref<32x16xf32, #tpu.memory_space<hbm>>
        %dma_start3A_89 = arith.constant 0 : i32
        %dma_start3A_90 = tpu.memref_slice %arg7[%multiple_of3A, %dma_start3A_89] : memref<1000x16xf32, #tpu.memory_space<hbm>> -> memref<32x16xf32, #tpu.memory_space<hbm>>
        tpu.enqueue_dma source(%arg12 : memref<32x16xf32, #tpu.memory_space<vmem>>) target(%dma_start3A_90 : memref<32x16xf32, #tpu.memory_space<hbm>>) target_semaphore(%run_scoped3A : memref<!tpu.dma_semaphore, #tpu.memory_space<semaphore_mem>>)
        %dma_wait3A_91 = arith.constant 0 : i32
        %dma_wait3A_92 = tpu.memref_slice %arg7[%multiple_of3A, %dma_wait3A_91] : memref<1000x16xf32, #tpu.memory_space<hbm>> -> memref<32x16xf32, #tpu.memory_space<hbm>>
        %dma_wait3A_93 = arith.constant 0 : i32
        %dma_wait3A_94 = tpu.memref_slice %arg7[%multiple_of3A, %dma_wait3A_93] : memref<1000x16xf32, #tpu.memory_space<hbm>> -> memref<32x16xf32, #tpu.memory_space<hbm>>
        tpu.wait_dma2 semaphore(%run_scoped3A : memref<!tpu.dma_semaphore, #tpu.memory_space<semaphore_mem>>) src(%arg12 : memref<32x16xf32, #tpu.memory_space<vmem>>) dst(%dma_wait3A_94 : memref<32x16xf32, #tpu.memory_space<hbm>>)
        tpu.yield
      }) : () -> ()
    } else {
    }
    %eq3A_82 = arith.constant 31 : i32
    %eq3A_83 = arith.cmpi eq, %add3A, %eq3A_82 : i32
    %convert_element_type3A_84 = arith.extui %eq3A_83 : i1 to i32
    %cond3A_85 = arith.constant 0 : i32
    %cond3A_86 = arith.cmpi ne, %convert_element_type3A_84, %cond3A_85 : i32
    scf.if %cond3A_86 {
      "tpu.region"() ({
        %run_scoped3A = tpu.sem_alloc : memref<!tpu.dma_semaphore, #tpu.memory_space<semaphore_mem>>
        %dma_start3A_87 = arith.constant 0 : i32
        %dma_start3A_88 = arith.constant 0 : i32
        %dma_start3A_89 = tpu.memref_slice %arg9[%dma_start3A_87, %dma_start3A_88] : memref<32x512xf32, #tpu.memory_space<vmem>> -> memref<8x512xf32, #tpu.memory_space<vmem>>
        %dma_start3A_90 = arith.constant 0 : i32
        %dma_start3A_91 = tpu.memref_slice %arg6[%multiple_of3A, %dma_start3A_90] : memref<1000x512xf32, #tpu.memory_space<hbm>> -> memref<8x512xf32, #tpu.memory_space<hbm>>
        %dma_start3A_92 = arith.constant 0 : i32
        %dma_start3A_93 = tpu.memref_slice %arg6[%multiple_of3A, %dma_start3A_92] : memref<1000x512xf32, #tpu.memory_space<hbm>> -> memref<8x512xf32, #tpu.memory_space<hbm>>
        %dma_start3A_94 = arith.constant 0 : i32
        %dma_start3A_95 = arith.constant 0 : i32
        %dma_start3A_96 = tpu.memref_slice %arg9[%dma_start3A_94, %dma_start3A_95] : memref<32x512xf32, #tpu.memory_space<vmem>> -> memref<8x512xf32, #tpu.memory_space<vmem>>
        tpu.enqueue_dma source(%dma_start3A_96 : memref<8x512xf32, #tpu.memory_space<vmem>>) target(%dma_start3A_93 : memref<8x512xf32, #tpu.memory_space<hbm>>) target_semaphore(%run_scoped3A : memref<!tpu.dma_semaphore, #tpu.memory_space<semaphore_mem>>)
        %dma_wait3A_97 = arith.constant 0 : i32
        %dma_wait3A_98 = arith.constant 0 : i32
        %dma_wait3A_99 = tpu.memref_slice %arg9[%dma_wait3A_97, %dma_wait3A_98] : memref<32x512xf32, #tpu.memory_space<vmem>> -> memref<8x512xf32, #tpu.memory_space<vmem>>
        %dma_wait3A_100 = arith.constant 0 : i32
        %dma_wait3A_101 = tpu.memref_slice %arg6[%multiple_of3A, %dma_wait3A_100] : memref<1000x512xf32, #tpu.memory_space<hbm>> -> memref<8x512xf32, #tpu.memory_space<hbm>>
        %dma_wait3A_102 = arith.constant 0 : i32
        %dma_wait3A_103 = tpu.memref_slice %arg6[%multiple_of3A, %dma_wait3A_102] : memref<1000x512xf32, #tpu.memory_space<hbm>> -> memref<8x512xf32, #tpu.memory_space<hbm>>
        %dma_wait3A_104 = arith.constant 0 : i32
        %dma_wait3A_105 = arith.constant 0 : i32
        %dma_wait3A_106 = tpu.memref_slice %arg9[%dma_wait3A_104, %dma_wait3A_105] : memref<32x512xf32, #tpu.memory_space<vmem>> -> memref<8x512xf32, #tpu.memory_space<vmem>>
        tpu.wait_dma2 semaphore(%run_scoped3A : memref<!tpu.dma_semaphore, #tpu.memory_space<semaphore_mem>>) src(%dma_wait3A_106 : memref<8x512xf32, #tpu.memory_space<vmem>>) dst(%dma_wait3A_103 : memref<8x512xf32, #tpu.memory_space<hbm>>)
        tpu.yield
      }) : () -> ()
      "tpu.region"() ({
        %run_scoped3A = tpu.sem_alloc : memref<!tpu.dma_semaphore, #tpu.memory_space<semaphore_mem>>
        %dma_start3A_87 = arith.constant 0 : i32
        %dma_start3A_88 = arith.constant 0 : i32
        %dma_start3A_89 = tpu.memref_slice %arg12[%dma_start3A_87, %dma_start3A_88] : memref<32x16xf32, #tpu.memory_space<vmem>> -> memref<8x16xf32, #tpu.memory_space<vmem>>
        %dma_start3A_90 = arith.constant 0 : i32
        %dma_start3A_91 = tpu.memref_slice %arg7[%multiple_of3A, %dma_start3A_90] : memref<1000x16xf32, #tpu.memory_space<hbm>> -> memref<8x16xf32, #tpu.memory_space<hbm>>
        %dma_start3A_92 = arith.constant 0 : i32
        %dma_start3A_93 = tpu.memref_slice %arg7[%multiple_of3A, %dma_start3A_92] : memref<1000x16xf32, #tpu.memory_space<hbm>> -> memref<8x16xf32, #tpu.memory_space<hbm>>
        %dma_start3A_94 = arith.constant 0 : i32
        %dma_start3A_95 = arith.constant 0 : i32
        %dma_start3A_96 = tpu.memref_slice %arg12[%dma_start3A_94, %dma_start3A_95] : memref<32x16xf32, #tpu.memory_space<vmem>> -> memref<8x16xf32, #tpu.memory_space<vmem>>
        tpu.enqueue_dma source(%dma_start3A_96 : memref<8x16xf32, #tpu.memory_space<vmem>>) target(%dma_start3A_93 : memref<8x16xf32, #tpu.memory_space<hbm>>) target_semaphore(%run_scoped3A : memref<!tpu.dma_semaphore, #tpu.memory_space<semaphore_mem>>)
        %dma_wait3A_97 = arith.constant 0 : i32
        %dma_wait3A_98 = arith.constant 0 : i32
        %dma_wait3A_99 = tpu.memref_slice %arg12[%dma_wait3A_97, %dma_wait3A_98] : memref<32x16xf32, #tpu.memory_space<vmem>> -> memref<8x16xf32, #tpu.memory_space<vmem>>
        %dma_wait3A_100 = arith.constant 0 : i32
        %dma_wait3A_101 = tpu.memref_slice %arg7[%multiple_of3A, %dma_wait3A_100] : memref<1000x16xf32, #tpu.memory_space<hbm>> -> memref<8x16xf32, #tpu.memory_space<hbm>>
        %dma_wait3A_102 = arith.constant 0 : i32
        %dma_wait3A_103 = tpu.memref_slice %arg7[%multiple_of3A, %dma_wait3A_102] : memref<1000x16xf32, #tpu.memory_space<hbm>> -> memref<8x16xf32, #tpu.memory_space<hbm>>
        %dma_wait3A_104 = arith.constant 0 : i32
        %dma_wait3A_105 = arith.constant 0 : i32
        %dma_wait3A_106 = tpu.memref_slice %arg12[%dma_wait3A_104, %dma_wait3A_105] : memref<32x16xf32, #tpu.memory_space<vmem>> -> memref<8x16xf32, #tpu.memory_space<vmem>>
        tpu.wait_dma2 semaphore(%run_scoped3A : memref<!tpu.dma_semaphore, #tpu.memory_space<semaphore_mem>>) src(%dma_wait3A_106 : memref<8x16xf32, #tpu.memory_space<vmem>>) dst(%dma_wait3A_103 : memref<8x16xf32, #tpu.memory_space<hbm>>)
        tpu.yield
      }) : () -> ()
    } else {
    }
    return
  }
}

module attributes {stable_mosaic.version = 14 : i64} {
  func.func @_prep_body(%arg0: memref<1x1024xi32, #tpu.memory_space<vmem>>, %arg1: memref<1024x1xi32, #tpu.memory_space<vmem>>, %arg2: memref<1024x512xf32, #tpu.memory_space<vmem>>, %arg3: memref<1520x512xf32, #tpu.memory_space<vmem>>, %arg4: memref<1520x16xi32, #tpu.memory_space<vmem>>, %arg5: memref<32x16xi32, #tpu.memory_space<vmem>>) attributes {dimension_semantics = [], scalar_prefetch = 0 : i64, scratch_operands = 0 : i64, tpu.core_type = #tpu.core_type<tc>} {
    %get3A = arith.constant 0 : index
    %get3A_0 = arith.constant 0 : index
    %get3A_1 = vector.load %arg0[%get3A, %get3A_0] : memref<1x1024xi32, #tpu.memory_space<vmem>>, vector<1x1024xi32>
    %convert_element_type3A = arith.sitofp %get3A_1 : vector<1x1024xi32> to vector<1x1024xf32>
    %get3A_2 = arith.constant 0 : index
    %get3A_3 = arith.constant 0 : index
    %get3A_4 = vector.load %arg1[%get3A_2, %get3A_3] : memref<1024x1xi32, #tpu.memory_space<vmem>>, vector<1024x1xi32>
    %convert_element_type3A_5 = arith.sitofp %get3A_4 : vector<1024x1xi32> to vector<1024x1xf32>
    %mul3A = arith.constant 3.125000e-02 : f32
    %mul3A_6 = vector.broadcast %mul3A : f32 to vector<1x1024xf32>
    %mul3A_7 = arith.mulf %convert_element_type3A, %mul3A_6 : vector<1x1024xf32>
    %floor3A = math.floor %mul3A_7 : vector<1x1024xf32>
    %mul3A_8 = arith.constant 3.125000e-02 : f32
    %mul3A_9 = vector.broadcast %mul3A_8 : f32 to vector<1024x1xf32>
    %mul3A_10 = arith.mulf %convert_element_type3A_5, %mul3A_9 : vector<1024x1xf32>
    %floor3A_11 = math.floor %mul3A_10 : vector<1024x1xf32>
    %iota3A = tpu.iota {dimensions = array<i32: 0>} : vector<1024x1024xi32>
    %iota3A_12 = tpu.iota {dimensions = array<i32: 1>} : vector<1024x1024xi32>
    %eq3A = vector.broadcast %floor3A_11 : vector<1024x1xf32> to vector<1024x1024xf32>
    %eq3A_13 = vector.broadcast %floor3A : vector<1x1024xf32> to vector<1024x1024xf32>
    %eq3A_14 = arith.cmpf oeq, %eq3A, %eq3A_13 : vector<1024x1024xf32>
    %convert_element_type3A_15 = arith.extui %eq3A_14 : vector<1024x1024xi1> to vector<1024x1024xi32>
    %convert_element_type3A_16 = arith.sitofp %convert_element_type3A_15 : vector<1024x1024xi32> to vector<1024x1024xf32>
    %lt3A = arith.cmpi slt, %iota3A_12, %iota3A : vector<1024x1024xi32>
    %convert_element_type3A_17 = arith.extui %lt3A : vector<1024x1024xi1> to vector<1024x1024xi32>
    %convert_element_type3A_18 = arith.sitofp %convert_element_type3A_17 : vector<1024x1024xi32> to vector<1024x1024xf32>
    %mul3A_19 = arith.mulf %convert_element_type3A_16, %convert_element_type3A_18 : vector<1024x1024xf32>
    %reduce_sum3A = arith.constant dense<0.000000e+00> : vector<1024xf32>
    %reduce_sum3A_20 = vector.multi_reduction <add>, %mul3A_19, %reduce_sum3A [1] : vector<1024x1024xf32> to vector<1024xf32>
    %broadcast_in_dim3A = vector.shape_cast %reduce_sum3A_20 : vector<1024xf32> to vector<1024x1xf32>
    %iota3A_21 = tpu.iota {dimensions = array<i32: 0>} : vector<32x1024xi32>
    %convert_element_type3A_22 = arith.sitofp %iota3A_21 : vector<32x1024xi32> to vector<32x1024xf32>
    %eq3A_23 = vector.broadcast %floor3A : vector<1x1024xf32> to vector<32x1024xf32>
    %eq3A_24 = arith.cmpf oeq, %convert_element_type3A_22, %eq3A_23 : vector<32x1024xf32>
    %convert_element_type3A_25 = arith.extui %eq3A_24 : vector<32x1024xi1> to vector<32x1024xi32>
    %convert_element_type3A_26 = arith.sitofp %convert_element_type3A_25 : vector<32x1024xi32> to vector<32x1024xf32>
    %reduce_sum3A_27 = arith.constant dense<0.000000e+00> : vector<32xf32>
    %reduce_sum3A_28 = vector.multi_reduction <add>, %convert_element_type3A_26, %reduce_sum3A_27 [1] : vector<32x1024xf32> to vector<32xf32>
    %broadcast_in_dim3A_29 = vector.shape_cast %reduce_sum3A_28 : vector<32xf32> to vector<32x1xf32>
    %mul3A_30 = arith.constant 6.250000e-02 : f32
    %mul3A_31 = vector.broadcast %mul3A_30 : f32 to vector<32x1xf32>
    %mul3A_32 = arith.mulf %broadcast_in_dim3A_29, %mul3A_31 : vector<32x1xf32>
    %ceil3A = math.ceil %mul3A_32 : vector<32x1xf32>
    %mul3A_33 = arith.constant 1.600000e+01 : f32
    %mul3A_34 = vector.broadcast %mul3A_33 : f32 to vector<32x1xf32>
    %mul3A_35 = arith.mulf %ceil3A, %mul3A_34 : vector<32x1xf32>
    %iota3A_36 = tpu.iota {dimensions = array<i32: 1>} : vector<32x32xi32>
    %iota3A_37 = tpu.iota {dimensions = array<i32: 0>} : vector<32x32xi32>
    %lt3A_38 = arith.cmpi slt, %iota3A_36, %iota3A_37 : vector<32x32xi32>
    %convert_element_type3A_39 = arith.extui %lt3A_38 : vector<32x32xi1> to vector<32x32xi32>
    %convert_element_type3A_40 = arith.sitofp %convert_element_type3A_39 : vector<32x32xi32> to vector<32x32xf32>
    %dot_general3A = arith.constant dense<0.000000e+00> : vector<32x1xf32>
    %dot_general3A_41 = tpu.matmul %convert_element_type3A_40, %mul3A_35, %dot_general3A {dimension_numbers = #tpu.dot_dimension_numbers<[1], [0], [0], [1], [0, 0, 1, 1], [], []>, transpose_lhs_hint = false} : vector<32x32xf32>, vector<32x1xf32>, vector<32x1xf32> -> vector<32x1xf32>
    %iota3A_42 = tpu.iota {dimensions = array<i32: 1>} : vector<1x32xi32>
    %convert_element_type3A_43 = arith.sitofp %iota3A_42 : vector<1x32xi32> to vector<1x32xf32>
    %eq3A_44 = vector.broadcast %floor3A_11 : vector<1024x1xf32> to vector<1024x32xf32>
    %eq3A_45 = vector.broadcast %convert_element_type3A_43 : vector<1x32xf32> to vector<1024x32xf32>
    %eq3A_46 = arith.cmpf oeq, %eq3A_44, %eq3A_45 : vector<1024x32xf32>
    %convert_element_type3A_47 = arith.extui %eq3A_46 : vector<1024x32xi1> to vector<1024x32xi32>
    %convert_element_type3A_48 = arith.sitofp %convert_element_type3A_47 : vector<1024x32xi32> to vector<1024x32xf32>
    %dot_general3A_49 = arith.constant dense<0.000000e+00> : vector<1024x1xf32>
    %dot_general3A_50 = tpu.matmul %convert_element_type3A_48, %dot_general3A_41, %dot_general3A_49 {dimension_numbers = #tpu.dot_dimension_numbers<[1], [0], [0], [1], [0, 0, 1, 1], [], []>, transpose_lhs_hint = false} : vector<1024x32xf32>, vector<32x1xf32>, vector<1024x1xf32> -> vector<1024x1xf32>
    %add3A = arith.addf %dot_general3A_50, %broadcast_in_dim3A : vector<1024x1xf32>
    %iota3A_51 = tpu.iota {dimensions = array<i32: 1>} : vector<1024x1520xi32>
    %convert_element_type3A_52 = arith.sitofp %iota3A_51 : vector<1024x1520xi32> to vector<1024x1520xf32>
    %eq3A_53 = vector.broadcast %add3A : vector<1024x1xf32> to vector<1024x1520xf32>
    %eq3A_54 = arith.cmpf oeq, %convert_element_type3A_52, %eq3A_53 : vector<1024x1520xf32>
    %convert_element_type3A_55 = arith.extui %eq3A_54 : vector<1024x1520xi1> to vector<1024x1520xi32>
    %convert_element_type3A_56 = arith.sitofp %convert_element_type3A_55 : vector<1024x1520xi32> to vector<1024x1520xf32>
    %get3A_57 = arith.constant 0 : index
    %get3A_58 = arith.constant 0 : index
    %get3A_59 = vector.load %arg2[%get3A_57, %get3A_58] : memref<1024x512xf32, #tpu.memory_space<vmem>>, vector<1024x512xf32>
    %mul3A_60 = arith.constant 5.000000e-02 : f32
    %mul3A_61 = vector.broadcast %mul3A_60 : f32 to vector<1024x512xf32>
    %mul3A_62 = arith.mulf %get3A_59, %mul3A_61 : vector<1024x512xf32>
    %dot_general3A_63 = arith.constant dense<0.000000e+00> : vector<1520x512xf32>
    %dot_general3A_64 = tpu.matmul %convert_element_type3A_56, %mul3A_62, %dot_general3A_63 {dimension_numbers = #tpu.dot_dimension_numbers<[0], [0], [1], [1], [0, 1, 1, 1], [], []>, transpose_lhs_hint = false} : vector<1024x1520xf32>, vector<1024x512xf32>, vector<1520x512xf32> -> vector<1520x512xf32>
    %swap3A = arith.constant 0 : index
    %swap3A_65 = arith.constant 0 : index
    %swap3A_66 = vector.load %arg3[%swap3A, %swap3A_65] : memref<1520x512xf32, #tpu.memory_space<vmem>>, vector<1520x512xf32>
    tpu.vector_store %arg3[%swap3A, %swap3A_65], %dot_general3A_64 {strides = array<i32>} : memref<1520x512xf32, #tpu.memory_space<vmem>>, vector<1520x512xf32>,
    %broadcast_in_dim3A_67 = vector.shape_cast %convert_element_type3A_5 : vector<1024x1xf32> to vector<1024x1xf32>
    %broadcast_in_dim3A_68 = vector.broadcast %broadcast_in_dim3A_67 : vector<1024x1xf32> to vector<1024x16xf32>
    %dot_general3A_69 = arith.constant dense<0.000000e+00> : vector<1520x16xf32>
    %dot_general3A_70 = tpu.matmul %convert_element_type3A_56, %broadcast_in_dim3A_68, %dot_general3A_69 {dimension_numbers = #tpu.dot_dimension_numbers<[0], [0], [1], [1], [0, 1, 1, 1], [], []>, transpose_lhs_hint = false} : vector<1024x1520xf32>, vector<1024x16xf32>, vector<1520x16xf32> -> vector<1520x16xf32>
    %convert_element_type3A_71 = arith.fptosi %dot_general3A_70 : vector<1520x16xf32> to vector<1520x16xi32>
    %swap3A_72 = arith.constant 0 : index
    %swap3A_73 = arith.constant 0 : index
    %swap3A_74 = vector.load %arg4[%swap3A_72, %swap3A_73] : memref<1520x16xi32, #tpu.memory_space<vmem>>, vector<1520x16xi32>
    tpu.vector_store %arg4[%swap3A_72, %swap3A_73], %convert_element_type3A_71 {strides = array<i32>} : memref<1520x16xi32, #tpu.memory_space<vmem>>, vector<1520x16xi32>,
    %iota3A_75 = tpu.iota {dimensions = array<i32: 1>} : vector<32x16xi32>
    %broadcast_in_dim3A_76 = vector.shape_cast %dot_general3A_41 : vector<32x1xf32> to vector<32x1xf32>
    %broadcast_in_dim3A_77 = vector.broadcast %broadcast_in_dim3A_76 : vector<32x1xf32> to vector<32x16xf32>
    %eq3A_78 = arith.constant 0 : i32
    %eq3A_79 = vector.broadcast %eq3A_78 : i32 to vector<32x16xi32>
    %eq3A_80 = arith.cmpi eq, %iota3A_75, %eq3A_79 : vector<32x16xi32>
    %convert_element_type3A_81 = arith.extui %eq3A_80 : vector<32x16xi1> to vector<32x16xi32>
    %convert_element_type3A_82 = arith.sitofp %convert_element_type3A_81 : vector<32x16xi32> to vector<32x16xf32>
    %mul3A_83 = arith.mulf %broadcast_in_dim3A_77, %convert_element_type3A_82 : vector<32x16xf32>
    %broadcast_in_dim3A_84 = vector.shape_cast %broadcast_in_dim3A_29 : vector<32x1xf32> to vector<32x1xf32>
    %broadcast_in_dim3A_85 = vector.broadcast %broadcast_in_dim3A_84 : vector<32x1xf32> to vector<32x16xf32>
    %eq3A_86 = arith.constant 1 : i32
    %eq3A_87 = vector.broadcast %eq3A_86 : i32 to vector<32x16xi32>
    %eq3A_88 = arith.cmpi eq, %iota3A_75, %eq3A_87 : vector<32x16xi32>
    %convert_element_type3A_89 = arith.extui %eq3A_88 : vector<32x16xi1> to vector<32x16xi32>
    %convert_element_type3A_90 = arith.sitofp %convert_element_type3A_89 : vector<32x16xi32> to vector<32x16xf32>
    %mul3A_91 = arith.mulf %broadcast_in_dim3A_85, %convert_element_type3A_90 : vector<32x16xf32>
    %add3A_92 = arith.addf %mul3A_83, %mul3A_91 : vector<32x16xf32>
    %convert_element_type3A_93 = arith.fptosi %add3A_92 : vector<32x16xf32> to vector<32x16xi32>
    %swap3A_94 = arith.constant 0 : index
    %swap3A_95 = arith.constant 0 : index
    %swap3A_96 = vector.load %arg5[%swap3A_94, %swap3A_95] : memref<32x16xi32, #tpu.memory_space<vmem>>, vector<32x16xi32>
    tpu.vector_store %arg5[%swap3A_94, %swap3A_95], %convert_element_type3A_93 {strides = array<i32>} : memref<32x16xi32, #tpu.memory_space<vmem>>, vector<32x16xi32>,
    return
  }
}

module attributes {stable_mosaic.version = 14 : i64} {
  func.func @_loss_body(%arg0: memref<1000x512xf32, #tpu.memory_space<vmem>>, %arg1: memref<1000x16xf32, #tpu.memory_space<vmem>>, %arg2: memref<1x1xf32, #tpu.memory_space<smem>>) attributes {dimension_semantics = [], scalar_prefetch = 0 : i64, scratch_operands = 0 : i64, tpu.core_type = #tpu.core_type<tc>} {
    %get3A = arith.constant 0 : index
    %get3A_0 = arith.constant 0 : index
    %get3A_1 = vector.load %arg1[%get3A, %get3A_0] : memref<1000x16xf32, #tpu.memory_space<vmem>>, vector<1000x16xf32>
    %slice3A = vector.extract_strided_slice %get3A_1 {offsets = [0, 0], sizes = [1000, 1], strides = [1, 1]} : vector<1000x16xf32> to vector<1000x1xf32>
    %get3A_2 = arith.constant 0 : index
    %get3A_3 = arith.constant 0 : index
    %get3A_4 = vector.load %arg0[%get3A_2, %get3A_3] : memref<1000x512xf32, #tpu.memory_space<vmem>>, vector<1000x512xf32>
    %mul3A = vector.broadcast %slice3A : vector<1000x1xf32> to vector<1000x512xf32>
    %mul3A_5 = arith.mulf %get3A_4, %mul3A : vector<1000x512xf32>
    %dot_general3A = arith.constant dense<0.000000e+00> : vector<1000x1000xf32>
    %dot_general3A_6 = tpu.matmul %mul3A_5, %mul3A_5, %dot_general3A {dimension_numbers = #tpu.dot_dimension_numbers<[1], [1], [0], [0], [0, 0, 1, 0], [], []>, transpose_lhs_hint = false} : vector<1000x512xf32>, vector<1000x512xf32>, vector<1000x1000xf32> -> vector<1000x1000xf32>
    %mul3A_7 = arith.constant 1.000000e+01 : f32
    %mul3A_8 = vector.broadcast %mul3A_7 : f32 to vector<1000x1000xf32>
    %mul3A_9 = arith.mulf %dot_general3A_6, %mul3A_8 : vector<1000x1000xf32>
    %exp3A = math.exp %mul3A_9 : vector<1000x1000xf32>
    %iota3A = tpu.iota {dimensions = array<i32: 0>} : vector<1000x1000xi32>
    %iota3A_10 = tpu.iota {dimensions = array<i32: 1>} : vector<1000x1000xi32>
    %eq3A = arith.cmpi eq, %iota3A, %iota3A_10 : vector<1000x1000xi32>
    %jit3A = arith.constant 0.000000e+00 : f32
    %broadcast_in_dim3A = vector.broadcast %jit3A : f32 to vector<1000x1000xf32>
    %select_n3A = arith.select %eq3A, %broadcast_in_dim3A, %exp3A : vector<1000x1000xi1>, vector<1000x1000xf32>
    %reduce_sum3A = arith.constant dense<0.000000e+00> : vector<1000xf32>
    %reduce_sum3A_11 = vector.multi_reduction <add>, %select_n3A, %reduce_sum3A [1] : vector<1000x1000xf32> to vector<1000xf32>
    %mul3A_12 = arith.constant 0.00100100099 : f32
    %mul3A_13 = vector.broadcast %mul3A_12 : f32 to vector<1000xf32>
    %mul3A_14 = arith.mulf %reduce_sum3A_11, %mul3A_13 : vector<1000xf32>
    %log3A = math.log %mul3A_14 : vector<1000xf32>
    %ne3A = arith.cmpf one, %log3A, %log3A : vector<1000xf32>
    %jit3A_15 = arith.constant 0.000000e+00 : f32
    %broadcast_in_dim3A_16 = vector.broadcast %jit3A_15 : f32 to vector<1000xf32>
    %select_n3A_17 = arith.select %ne3A, %broadcast_in_dim3A_16, %log3A : vector<1000xi1>, vector<1000xf32>
    %reduce_sum3A_18 = vector.shape_cast %select_n3A_17 : vector<1000xf32> to vector<1x1000xf32>
    %reduce_sum3A_19 = arith.constant dense<0.000000e+00> : vector<1xf32>
    %reduce_sum3A_20 = vector.multi_reduction <add>, %reduce_sum3A_18, %reduce_sum3A_19 [1] : vector<1x1000xf32> to vector<1xf32>
    %reduce_sum3A_21 = vector.shape_cast %reduce_sum3A_20 : vector<1xf32> to vector<1x1xf32>
    %reduce_sum3A_22 = vector.extract %reduce_sum3A_21[0, 0] : f32 from vector<1x1xf32>
    %jit3A_23 = arith.constant 0.000000e+00 : f32
    %jit3A_24 = arith.constant 1.000000e+00 : f32
    %broadcast_in_dim3A_25 = vector.broadcast %jit3A_23 : f32 to vector<1000xf32>
    %broadcast_in_dim3A_26 = vector.broadcast %jit3A_24 : f32 to vector<1000xf32>
    %select_n3A_27 = arith.select %ne3A, %broadcast_in_dim3A_25, %broadcast_in_dim3A_26 : vector<1000xi1>, vector<1000xf32>
    %reduce_sum3A_28 = vector.shape_cast %select_n3A_27 : vector<1000xf32> to vector<1x1000xf32>
    %reduce_sum3A_29 = arith.constant dense<0.000000e+00> : vector<1xf32>
    %reduce_sum3A_30 = vector.multi_reduction <add>, %reduce_sum3A_28, %reduce_sum3A_29 [1] : vector<1x1000xf32> to vector<1xf32>
    %reduce_sum3A_31 = vector.shape_cast %reduce_sum3A_30 : vector<1xf32> to vector<1x1xf32>
    %reduce_sum3A_32 = vector.extract %reduce_sum3A_31[0, 0] : f32 from vector<1x1xf32>
    %mul3A_33 = arith.constant 1.000000e+00 : f32
    %mul3A_34 = arith.mulf %mul3A_33, %reduce_sum3A_22 : f32
    %div3A = arith.divf %mul3A_34, %reduce_sum3A_32 : f32
    %swap3A = arith.constant 0 : index
    %swap3A_35 = arith.constant 0 : index
    %swap3A_36 = memref.load %arg2[%swap3A, %swap3A_35] : memref<1x1xf32, #tpu.memory_space<smem>>
    memref.store %div3A, %arg2[%swap3A, %swap3A_35] : memref<1x1xf32, #tpu.memory_space<smem>>
    return
  }
}

</mosaic_0001>

<sc_bundles>
// kernel: kernel.5.cloned.1.call-start
scs
__scs_entry_jumppad:
0x0: {  	(pc) =	sbr.rel $0x88, $3  }
0x1: {  	(tag) =	ssettag $0x0;
	lr =	simm.s32 $0x1  }
0x2: {  	[smem:$0x3F9E] =	sst lr;
	_ =	strace $0xD0000000  }
0x3: {  	_ = 	snop  }
0x4: {  	_ = 	snop  }
0x5: {  	_ = 	snop  }
0x6: {  	_ = 	snop  }
0x7: {  	_ = 	snop  }
__scs_overlays_trampoline_lowered:
0x8: {  	[smem:$0x3FAD] =	sst s0  }
0x9: {  	[smem:$0x3FAE] =	sst s1  }
0xa: {  	[smem:$0x3FAF] =	sst s2  }
0xb: {  	[smem:$0x3FB0] =	sst s3  }
0xc: {  	[smem:$0x3FB1] =	sst s4  }
0xd: {  	[smem:$0x3FB2] =	sst s5  }
0xe: {  	[smem:$0x3FB3] =	sst s6  }
0xf: {  	[smem:$0x3FB4] =	sst s7  }
0x10: {  	[smem:$0x3FB5] =	sst s8  }
0x11: {  	[smem:$0x3FB6] =	sst s9;
	s0 =	simm.s32 @!p0 $0x0  }
0x12: {  	s1 =	sld [smem:$0x3F9C];
	s0 =	simm.s32 @p0 $0x1  }
0x13: {  	[smem:$0x3FB7] =	sst s0;
	s0 =	simm.s32 @!p1 $0x0  }
0x14: {  	s2 =	sld [smem:$0x3F9B];
	s0 =	simm.s32 @p1 $0x1  }
0x15: {  	[smem:$0x3FB8] =	sst s0;
	s0 =	simm.s32 @!p2 $0x0  }
0x16: {  	s3 =	sld [smem:$0x3FDB];
	s0 =	simm.s32 @p2 $0x1  }
0x17: {  	s4 =	simm.s32 $0x1BF5;
	[smem:$0x3FBA] =	sst s0  }
0x18: {  	s0 =	sld [smem:$0x3F9D];
	_ =	swait.ge [sflag:s4], $0x0  }
0x19: {  	s7 =	sld [smem:$0x3F9E]  }
0x1a: {  	s8 =	sadd.s32 $0xFFFFE003, lr  }
0x1b: {  	s9 =	sadd.s32 $0xFFFFFEF7, lr;
	s5 =	simm.s32 $0xFFFFFFFF;
	p2 =	slt.u32 s8, $0xFFFFF086  }
0x1c: {  	p1 =	slt.u32 s9, $0xF7A;
	s5 =	simm.s32 @!p2 $0x0  }
0x1d: {  	s5 =	simm.s32 @p1 $0x1;
	p0 =	seq.s32 s7, s2  }
0x1e: {  	s7 =	smul.u32 @!p0 $0xF7A, s2;
	p2 =	seq.s32 @!p0 s5, $0x0  }
0x1f: {  	s9 =	smul.u32 $0xF7A, s1;
	s8 =	simm.s32 @!p0 $0x1BF5;
	p2 =	por !p2, p0  }
0x20: {  	[sflag:s8] =	ssyncset.s32 @!p0 $0xFFFFF086;
	s6 =	sadd.s32 @!p0 s3, s7;
	s7 =	simm.s32 @!p0 $0x108  }
0x21: {  	s3 =	sadd.s32 s3, s9;
	s6 =	sadd.s32 @!p0 $0x88, s6;
	s7 =	simm.s32 @p2 $0x1082  }
0x22: {  	[simem:s7], [sflag:s8] =	dma.local @!p0 [hbm:s6], $0xF7A  }
0x23: {  	s9 =	sor.u32 $0xD0000000, s2;
	s6 =	simm.s32 $0x108;
	_ =	swait.ge @!p0 [sflag:s8], $0x0  }
0x24: {  	s3 =	sadd.s32 $0x88, s3;
	s6 =	simm.s32 @!p1 $0x1082;
	[sflag:s4] =	ssyncset.s32 $0xFFFFF086  }
0x25: {  	[simem:s6], [sflag:s4] =	dma.local [hbm:s3], $0xF7A  }
0x26: {  	[smem:$0x3F9E] =	sst s1;
	(tag) =	ssettag s2;
	_ =	strace s9  }
0x27: {  	s1 =	sld [smem:$0x3FAE]  }
0x28: {  	s2 =	sld [smem:$0x3FAF]  }
0x29: {  	s4 =	sld [smem:$0x3FB1]  }
0x2a: {  	p0 =	seq.s32 s5, $0x0;
	s5 =	sld [smem:$0x3FB2]  }
0x2b: {  	s6 =	sld [smem:$0x3FB3]  }
0x2c: {  	s7 =	sld [smem:$0x3FB4]  }
0x2d: {  	s3 =	simm.s32 $0x108;
	s8 =	sld [smem:$0x3FB5]  }
0x2e: {  	s3 =	simm.s32 @!p0 $0x1082;
	s9 =	sld [smem:$0x3FB6]  }
0x2f: {  	lr =	sadd.s32 s0, s3;
	s0 =	sld [smem:$0x3FAD]  }
0x30: {  	s3 =	sld [smem:$0x3FB0]  }
0x31: {  	[smem:$0x3FB9] =	sst s10  }
0x32: {  	s10 =	sld [smem:$0x3FB7];
	_ =	sdelay $0x3  }
0x33: {  	p0 =	seq.s32 s10, $0x1;
	s10 =	sld [smem:$0x3FB9];
	_ =	sdelay $0x3  }
0x34: {  	[smem:$0x3FB9] =	sst s10  }
0x35: {  	s10 =	sld [smem:$0x3FB8];
	_ =	sdelay $0x3  }
0x36: {  	p1 =	seq.s32 s10, $0x1;
	s10 =	sld [smem:$0x3FB9];
	_ =	sdelay $0x3  }
0x37: {  	[smem:$0x3FB9] =	sst s10  }
0x38: {  	s10 =	sld [smem:$0x3FBA]  }
0x39: {  	_ = 	snop;
	(pc) =	sbr.ind lr, $3  }
0x3a: {  	_ = 	snop  }
0x3b: {  	_ = 	snop  }
0x3c: {  	p2 =	seq.s32 s10, $0x1;
	s10 =	sld [smem:$0x3FB9]  }
0x3d: {  	_ =	shalt  }
0x3e: {  	_ =	shalt  }
0x3f: {  	_ =	shalt  }
0x40: {  	_ =	shalt  }
0x41: {  	_ =	shalt  }
0x42: {  	_ =	shalt  }
0x43: {  	_ =	shalt  }
0x44: {  	_ =	shalt  }
0x45: {  	_ =	shalt  }
0x46: {  	_ =	shalt  }
0x47: {  	_ =	shalt  }
0x48: {  	_ =	shalt  }
0x49: {  	_ =	shalt  }
0x4a: {  	_ =	shalt  }
0x4b: {  	_ =	shalt  }
0x4c: {  	_ =	shalt  }
0x4d: {  	_ =	shalt  }
0x4e: {  	_ =	shalt  }
0x4f: {  	_ =	shalt  }
0x50: {  	_ =	shalt  }
0x51: {  	_ =	shalt  }
0x52: {  	_ =	shalt  }
0x53: {  	_ =	shalt  }
0x54: {  	_ =	shalt  }
0x55: {  	_ =	shalt  }
0x56: {  	_ =	shalt  }
0x57: {  	_ =	shalt  }
0x58: {  	_ =	shalt  }
0x59: {  	_ =	shalt  }
0x5a: {  	_ =	shalt  }
0x5b: {  	_ =	shalt  }
0x5c: {  	_ =	shalt  }
0x5d: {  	_ =	shalt  }
0x5e: {  	_ =	shalt  }
0x5f: {  	_ =	shalt  }
0x60: {  	_ =	shalt  }
0x61: {  	_ =	shalt  }
0x62: {  	_ =	shalt  }
0x63: {  	_ =	shalt  }
0x64: {  	_ =	shalt  }
0x65: {  	_ =	shalt  }
0x66: {  	_ =	shalt  }
0x67: {  	_ =	shalt  }
0x68: {  	_ =	shalt  }
0x69: {  	_ =	shalt  }
0x6a: {  	_ =	shalt  }
0x6b: {  	_ =	shalt  }
0x6c: {  	_ =	shalt  }
0x6d: {  	_ =	shalt  }
0x6e: {  	_ =	shalt  }
0x6f: {  	_ =	shalt  }
0x70: {  	_ =	shalt  }
0x71: {  	_ =	shalt  }
0x72: {  	_ =	shalt  }
0x73: {  	_ =	shalt  }
0x74: {  	_ =	shalt  }
0x75: {  	_ =	shalt  }
0x76: {  	_ =	shalt  }
0x77: {  	_ =	shalt  }
0x78: {  	_ =	shalt  }
0x79: {  	_ =	shalt  }
0x7a: {  	_ =	shalt  }
0x7b: {  	_ =	shalt  }
0x7c: {  	_ =	shalt  }
0x7d: {  	_ =	shalt  }
0x7e: {  	_ =	shalt  }
0x7f: {  	_ =	shalt  }
0x80: {  	_ =	shalt  }
0x81: {  	_ =	shalt  }
0x82: {  	_ =	shalt  }
0x83: {  	_ =	shalt  }
0x84: {  	_ =	shalt  }
0x85: {  	_ =	shalt  }
0x86: {  	_ =	shalt  }
0x87: {  	_ =	shalt  }
.Lfunc_end0:
.L_simem_size_0:
called_computation_lowered:
.L_overlay_start_0:
0x88: {  	s2 =	sld [smem:$0x3FD9]  }
0x89: {  	s3 =	sld [smem:$0x3FFE];
	_ =	sdelay $0x1  }
0x8a: {  	s1 =	srdreg.scid  }
0x8b: {  	s0 =	sand.u32 $0x1, s1  }
0x8c: {  	s17 =	sshll.u32 s0, $0xA;
	s2 =	sadd.s32 s3, s2  }
0x8d: {  	s2 =	sadd.s32 s2, s17  }
0x8e: {  	[smem:$0x3FC5] =	sst s2  }
0x8f: {  	_ = 	snop  }
0x90: {  	s2 =	sld [smem:$0x3FC7];
	(tm) =	ssettm $0x1  }
0x91: {  	s18 =	sld [smem:$0x3FFB];
	_ =	sdelay $0x3  }
0x92: {  	_ =	strace s18  }
0x93: {  	s3 =	sld [smem:$0x3FFC];
	_ =	sdelay $0x3  }
0x94: {  	_ =	strace s3  }
0x95: {  	s3 =	sld [smem:$0x3FFD];
	_ =	sdelay $0x3  }
0x96: {  	_ =	strace s3  }
0x97: {  	_ =	strace $0x8FFFFFFF  }
0x98: {  	s19 =	sld [smem:$0x3FDB];
	_ =	sdelay $0x1  }
0x99: {  	s4 =	simm.s32 $_scs_section_size  }
0x9a: {  	s5 =	simm.s32 $_size__tile_overlayer_lowered;
	s6 =	simm.s32 $_tile_overlayer_lowered  }
0x9b: {  	s22 =	simm.s32 $0x1BFF;
	s21 =	sshll.u32 s6, $0x1;
	s3 =	sadd.s32 s4, s19  }
0x9c: {  	s7 =	simm.s32 $0x0;
	s20 =	sshll.u32 s5, $0x1;
	s5 =	sadd.s32 s21, s3  }
0x9d: {  	[timem:s7], [sflag:s22] =	dma.local [hbm:s5], s20  }
0x9e: {  	_ =	swait.ge [sflag:s22], s20  }
0x9f: {  	s4 =	ssub.s32 $0x0, s20;
	[sflag:s22] =	ssyncset.done $0x0  }
0xa0: {  	[sflag:s22] =	ssyncadd.s32 s4;
	_ =	sdelay $0x1  }
0xa1: {  	s23 =	simm.s32 $0x1B8B  }
0xa2: {  	_ =	swait.ge [sflag:s23], $0x1  }
0xa3: {  	[sflag:s23] =	ssyncset.done $0x0  }
0xa4: {  	s25 =	simm.s32 $0x1B8E;
	s24 =	sld [smem:$0x3FFE];
	[sflag:s23] =	ssyncadd.s32 $0xFFFFFFFF  }
0xa5: {  	s26 =	simm.s32 $execute0_lowered;
	[smem:$0x3FD2] =	sst s25  }
0xa6: {  	s5 =	sshll.u32 s26, $0x1;
	_ =	strace $0x80000046;
	[dreg:$0x1] =	wrdreg $0xFFFFFFFF  }
0xa7: {  	s28 =	simm.s32 $_size_execute0_lowered;
	s3 =	sadd.s32 s3, s5;
	[dreg:$0x0] =	wrdreg $0x0  }
0xa8: {  	s5 =	sshll.u32 s28, $0x1;
	[dreg:$0x2] =	wrdreg s3  }
0xa9: {  	[dreg:$0x3] =	wrdreg s5  }
0xaa: {  	[dreg:$0x4] =	wrdreg $0xC0  }
0xab: {  	_ =	task [dreg:s7], $0x5FFFF  }
0xac: {  	[dreg:$0x1] =	wrdreg $0xFFFFFFFF  }
0xad: {  	[dreg:$0x0] =	wrdreg $0x60  }
0xae: {  	[dreg:$0x2] =	wrdreg s24  }
0xaf: {  	[dreg:$0x3] =	wrdreg s2  }
0xb0: {  	[dreg:$0x4] =	wrdreg $0x9  }
0xb1: {  	_ =	task.clear_ibuf [dreg:s7], $0x5FFFF;
	_ =	strace $0x90000046  }
0xb2: {  	s29 =	simm.s32 $0x9;
	_ =	strace $0x80000048  }
0xb3: {  	_ =	swait.ge [sflag:s29], $0x1  }
0xb4: {  	[sflag:s29] =	ssyncadd.s32 $0xFFFFFFFF  }
0xb5: {  	_ =	strace $0x90000048  }
0xb6: {  	_ =	sfence  }
0xb7: {  	s30 =	sld [smem:$0x0];
	_ =	sdelay $0x2  }
0xb8: {  	s31 =	sshll.u32 s1, $0xD;
	s1 =	sshrl.u32 s1, $0x2  }
0xb9: {  	s3 =	sand.u32 $0x4000, s31;
	s1 =	sadd.s32 s1, s30  }
0xba: {  	s0 =	sor.u32 s3, s0;
	s1 =	sshll.u32 s1, $0x11  }
0xbb: {  	s0 =	sor.u32 s1, s0  }
0xbc: {  	s0 =	sadd.s32 $0x8F2B, s0  }
0xbd: {  	[sflag:s0] =	ssyncadd.remote.s32 $0x1  }
0xbe: {  	_ =	sfence.sel $0xFFFF  }
0xbf: {  	[dreg:$0x0] =	wrdreg $0xFFFFFFFF;
	(pc) =	sbr.abs _section_cstart, $3  }
0xc0: {  	[dreg:$0x1] =	wrdreg $0xFFFFFFFF  }
0xc1: {  	_ =	task.clear_ibuf [dreg:s7], $0x2FFFF;
	_ =	strace $0x9FFFFFFF  }
0xc2: {  	(tm) =	ssettm $0x7FFFFFFF  }
0xc3: {  	_ =	shalt  }
tec
execute0_lowered:
.L_overlay_start_1:
0x0: {  	(tag) =	ssettag $0x1  }
0x1: {  	s0 =	rddreg [dreg:$0x0]  }
0x2: {  	s1 =	rddreg [dreg:$0x1];
	s3 =	srdreg.scid  }
0x3: {  	v0 =	vimm.s32 $0xFEDCBA98;
	s2 =	simm.s32 $0x0;
	v1 =	vimm.s32 $0x76543210;
	s4 =	stileid.u32;
	s14 =	simm.s32 $0x1  }
0x4: {  	v2 =	vimm.s32 $0xBA98FEDC;
	v3 =	vimm.s32 $0x32107654;
	s17 =	simm.s32 $0x0;
	s5 =	sand.u32 $0x1, s3;
	[smem:$0x7FF] =	sst s2  }
0x5: {  	v4 =	vimm.s32 $0xDCFE98BA;
	s12 =	sadd.s32 $0x32C00, s0;
	s3 =	sshll.u32 s5, $0x4;
	_ =	strace $0x80000047  }
0x6: {  	v5 =	vimm.s32 $0x54761032;
	v6 =	vimm.s32 $0xEFCDAB89;
	s5 =	ssub.s32 $0x2, s5;
	s6 =	sor.u32 s4, s3;
	s3 =	sadd.s32 $0x19200, s0  }
0x7: {  	v7 =	vimm.s32 $0x67452301;
	v0 =	vunpack.c.l.s4.s8 v0;
	v1 =	vunpack.c.l.s4.s8 v1;
	s4 =	sadd.s32 $0x1600, s0;
	s11 =	sshrl.u32 s5, $0x1;
	s7 =	sshll.u32 s6, $0x1  }
0x8: {  	v2 =	vunpack.c.l.s4.s8 v2;
	v3 =	vunpack.c.l.s4.s8 v3;
	v4 =	vunpack.c.l.s4.s8 v4;
	s8 =	sshll.u32 s6, $0xB;
	s9 =	sshll.u32 s6, $0x9;
	s5 =	ssub.s32 s5, s11  }
0x9: {  	v5 =	vunpack.c.l.s4.s8 v5;
	v6 =	vunpack.c.l.s4.s8 v6;
	v7 =	vunpack.c.l.s4.s8 v7;
	s11 =	sadd.s32 $0x2EC00, s0;
	s7 =	sadd.s32 s7, s0;
	s29 =	sadd.s32 s1, s8  }
.Ltmp0:
0xa: {  	v0 =	vunpack.c.0.s8.s32 v0;
	v1 =	vunpack.c.0.s8.s32 v1;
	v2 =	vunpack.c.0.s8.s32 v2;
	s1 =	sadd.s32 $0xF800, s1;
	[dreg:$0x4] =	wrdreg s29;
	(pc) =	sbr.rel .LBB2_1-.Ltmp0, $4  }
0xb: {  	v3 =	vunpack.c.0.s8.s32 v3;
	v4 =	vunpack.c.0.s8.s32 v4;
	v5 =	vunpack.c.0.s8.s32 v5;
	s10 =	sadd.s32 s8, s0;
	s7 =	sadd.s32 $0x1F200, s7;
	[dreg:$0x5] =	wrdreg s1  }
0xc: {  	v6 =	vunpack.c.0.s8.s32 v6;
	v7 =	vunpack.c.0.s8.s32 v7;
	v0 =	vand.u32 $0xF, v0;
	s9 =	sadd.s32 s9, s0;
	s30 =	sadd.s32 $0x1F400, s10;
	[dreg:$0x3] =	wrdreg s7  }
0xd: {  	v14 =	vimm.f32 $0.0e+00;
	p0 =	seq.s32 s6, $0x1F;
	s31 =	sadd.s32 $0x2EE00, s9;
	v0 =	vcombine.low v0, v1;
	v1 =	vcombine.low v3, v2;
	[dreg:$0x6] =	wrdreg s30  }
0xe: {  	s8 =	sshll.u32 s6, $0xE;
	s13 =	smax.u32 s5, $0x1;
	v2 =	vcombine.low v5, v4;
	v3 =	vimm.f32 $1.000000000e+00;
	v4 =	vcombine.low v7, v6;
	[dreg:$0x7] =	wrdreg s31  }
.LBB2_2:
0xf: {  	s0 =	sand.u32 $0x1, s26  }
0x10: {  	p1 =	seq.s32 s0, $0x1;
	s0 =	simm.s32 $0x3  }
0x11: {  	s0 =	simm.s32 @!p1 $0x2  }
0x12: {  	_ =	swait.ge [sflag:s0], $0x2000  }
0x13: {  	[sflag:s0] =	ssyncset.done $0x0  }
0x14: {  	[sflag:s0] =	ssyncadd.s32 $0xFFFFE000  }
0x15: {  	_ =	swait.ge [sflag:s0], $0x800  }
0x16: {  	[sflag:s0] =	ssyncset.done $0x0  }
0x17: {  	[sflag:s0] =	ssyncadd.s32 $0xFFFFF800  }
0x18: {  	[hbm4b:s11+s20] =	stream.linear.scatter @p0 [tilespmem:s23], [sflag:$0x4], $0x1000, $0x38;
	[tilespmem:$0xA080] =	vst v63  }
0x19: {  	_ =	swait.ge @p0 [sflag:s21], $0x1000  }
0x1a: {  	[sflag:s21] =	ssyncset.done @p0 $0x0  }
0x1b: {  	s0 =	simm.s32 @p0 $0x9080;
	[sflag:s21] =	ssyncadd.s32 @p0 $0xFFFFF000  }
0x1c: {  	[hbm4b:s12+s20] =	stream.linear.scatter @p0 [tilespmem:s0], [sflag:$0x4], $0x400, $0x38;
	[tilespmem:$0xA080] =	vst v63  }
0x1d: {  	_ =	swait.ge @p0 [sflag:s21], $0x400  }
0x1e: {  	[sflag:s21] =	ssyncset.done @p0 $0x0  }
0x1f: {  	s0 =	rddreg [dreg:$0x6];
	[sflag:s21] =	ssyncadd.s32 @p0 $0xFFFFFC00  }
0x20: {  	[hbm4b:s0+s19] =	stream.linear.scatter @!p0 [tilespmem:s22], [sflag:$0x4], $0x4000, $0x38;
	[tilespmem:$0xA080] =	vst v63  }
0x21: {  	s17 =	sadd.s32 $0x1, s17;
	_ =	swait.ge @!p0 [sflag:s18], $0x4000  }
0x22: {  	p1 =	sne.s32 s17, s13;
	s0 =	simm.s32 @!p0 $0x9080;
	[sflag:s18] =	ssyncset.done @!p0 $0x0  }
.Ltmp1:
0x23: {  	s1 =	rddreg [dreg:$0x7];
	[sflag:s18] =	ssyncadd.s32 @!p0 $0xFFFFC000;
	(pc) =	sbr.rel @!p1 .LBB2_3-.Ltmp1, $4  }
0x24: {  	[hbm4b:s1+s19] =	stream.linear.scatter @!p0 [tilespmem:s0], [sflag:$0x4], $0x1000, $0x38;
	[tilespmem:$0xA080] =	vst v63  }
0x25: {  	_ =	swait.ge @!p0 [sflag:s18], $0x1000  }
0x26: {  	[sflag:s18] =	ssyncset.done @!p0 $0x0  }
0x27: {  	[sflag:s18] =	ssyncadd.s32 @!p0 $0xFFFFF000  }
.LBB2_1:
0x28: {  	s0 =	rddreg [dreg:$0x3];
	s20 =	simm.s32 @p0 $0x0  }
0x29: {  	[tilespmem:s2], [sflag:$0x1] =	stream.linear.gather [hbm4b:s0+s2], $0x10, $0x38;
	[tilespmem:$0xA080] =	vst v63  }
0x2a: {  	s23 =	simm.s32 @p0 $0x80;
	s21 =	simm.s32 @p0 $0x4;
	s0 =	rddreg [dreg:$0x5]  }
0x2b: {  	[tilespmem:s23], [sflag:$0x4] =	stream.linear.gather @p0 [hbm4b:s0+s20], $0x1000, $0x38;
	[tilespmem:$0xA080] =	vst v63  }
0x2c: {  	_ =	swait.ge @p0 [sflag:s21], $0x1000  }
0x2d: {  	s19 =	simm.s32 @!p0 $0x0;
	s22 =	simm.s32 @!p0 $0x80;
	[sflag:s21] =	ssyncset.done @p0 $0x0  }
0x2e: {  	s18 =	simm.s32 @!p0 $0x4;
	s0 =	rddreg [dreg:$0x4];
	[sflag:s21] =	ssyncadd.s32 @p0 $0xFFFFF000  }
0x2f: {  	[tilespmem:s22], [sflag:$0x4] =	stream.linear.gather @!p0 [hbm4b:s0+s19], $0x4000, $0x38;
	[tilespmem:$0xA080] =	vst v63  }
0x30: {  	_ =	swait.ge @!p0 [sflag:s18], $0x4000  }
0x31: {  	[sflag:s18] =	ssyncset.done @!p0 $0x0  }
0x32: {  	[sflag:s18] =	ssyncadd.s32 @!p0 $0xFFFFC000  }
0x33: {  	_ =	swait.ge [sflag:s14], $0x10  }
0x34: {  	[sflag:s14] =	ssyncset.done $0x0  }
0x35: {  	[sflag:s14] =	ssyncadd.s32 $0xFFFFFFF0  }
0x36: {  	v5 =	vld [tilespmem:$0x0];
	_ =	sdelay $0x4  }
0x37: {  	(v2sf) =	vpush v5, $0x0;
	_ =	sdelay $0xe  }
0x38: {  	s24 =	spop (v2sf)  }
0x39: {  	s25 =	sshll.u32 s24, $0x6  }
0x3a: {  	s1 =	simm.s32 $0x4080;
	s26 =	sshll.u32 s24, $0x4;
	s0 =	sadd.s32 s4, s25  }
0x3b: {  	[tilespmem:s1], [sflag:$0x2] =	stream.linear.gather [hbm4b:s0+s2], $0x2000, $0x38;
	[tilespmem:$0xA080] =	vst v63  }
0x3c: {  	s30 =	simm.s32 $0x8080;
	s0 =	sadd.s32 s3, s26  }
0x3d: {  	[tilespmem:s30], [sflag:$0x2] =	stream.linear.gather [hbm4b:s0+s2], $0x800, $0x38;
	[tilespmem:$0xA080] =	vst v63  }
0x3e: {  	[tilespmem:$0x9080] =	vst v3  }
0x3f: {  	[tilespmem:$0x9100] =	vst v3  }
0x40: {  	[tilespmem:$0x9180] =	vst v3  }
0x41: {  	[tilespmem:$0x9200] =	vst v3  }
0x42: {  	[tilespmem:$0x9280] =	vst v3  }
0x43: {  	[tilespmem:$0x9300] =	vst v3  }
0x44: {  	[tilespmem:$0x9380] =	vst v3  }
0x45: {  	[tilespmem:$0x9400] =	vst v3  }
0x46: {  	(v2sf) =	vpush v5, $0x1;
	[tilespmem:$0x9480] =	vst v3  }
0x47: {  	[tilespmem:$0x9500] =	vst v3  }
0x48: {  	[tilespmem:$0x9580] =	vst v3  }
0x49: {  	[tilespmem:$0x9600] =	vst v3  }
0x4a: {  	[tilespmem:$0x9680] =	vst v3  }
0x4b: {  	[tilespmem:$0x9700] =	vst v3  }
0x4c: {  	[tilespmem:$0x9780] =	vst v3  }
0x4d: {  	[tilespmem:$0x9800] =	vst v3  }
0x4e: {  	[tilespmem:$0x9880] =	vst v3  }
0x4f: {  	[tilespmem:$0x9900] =	vst v3  }
0x50: {  	[tilespmem:$0x9980] =	vst v3  }
0x51: {  	[tilespmem:$0x9A00] =	vst v3  }
0x52: {  	[tilespmem:$0x9A80] =	vst v3  }
0x53: {  	[tilespmem:$0x9B00] =	vst v3  }
0x54: {  	[tilespmem:$0x9B80] =	vst v3  }
0x55: {  	[tilespmem:$0x9C00] =	vst v3;
	s25 =	spop (v2sf)  }
0x56: {  	[tilespmem:$0x9C80] =	vst v3;
	s31 =	sadd.s32 $0xF, s25  }
0x57: {  	[tilespmem:$0x9D00] =	vst v3;
	s26 =	sshra.s32 s31, $0x4  }
0x58: {  	[tilespmem:$0x9D80] =	vst v3;
	p2 =	sgt.s32 s26, $0x0  }
.Ltmp2:
0x59: {  	[tilespmem:$0x9E00] =	vst v3;
	(pc) =	sbr.rel @p2 .LBB2_5-.Ltmp2, $4  }
.Ltmp3:
0x5a: {  	[tilespmem:$0x9E80] =	vst v3;
	(pc) =	sbr.rel @!p2 .LBB2_2-.Ltmp3, $4  }
0x5b: {  	[tilespmem:$0x9F00] =	vst v3  }
0x5c: {  	[tilespmem:$0x9F80] =	vst v3  }
0x5d: {  	p1 =	por $0x0, $0x0;
	s29 =	simm.s32 $0x0;
	[tilespmem:$0xA000] =	vst v3;
	s28 =	smov.u32 s25  }
0x5e: {  	_ = 	snop  }
.LBB2_4:
0x5f: {  	p2 =	seq.s32 s29, s26  }
.Ltmp4:
0x60: {  	_ = 	snop;
	(pc) =	sbr.rel @p2 .LBB2_2-.Ltmp4, $2  }
0x61: {  	_ =	sdelay $0x2  }
0x62: {  	s28 =	sadd.s32 $0xFFFFFFF0, s28;
	p1 =	por !p1, !p1  }
.LBB2_5:
0x63: {  	s1 =	smov.u32 s29;
	s29 =	sadd.s32 $0x1, s29  }
0x64: {  	s0 =	sshll.u32 s29, $0x4  }
0x65: {  	s5 =	sadd.s32 s24, s0;
	s0 =	sand.u32 $0x1, s1  }
0x66: {  	s6 =	sshll.u32 s5, $0x6;
	p2 =	seq.s32 s0, $0x1;
	s5 =	sshll.u32 s5, $0x4  }
0x67: {  	s6 =	sadd.s32 s4, s6;
	s7 =	simm.s32 @p2 $0x0;
	s9 =	simm.s32 @p2 $0x4080  }
0x68: {  	[tilespmem:s9], [sflag:$0x2] =	stream.linear.gather @p2 [hbm4b:s6+s7], $0x2000, $0x38;
	[tilespmem:$0xA080] =	vst v63  }
0x69: {  	s5 =	sadd.s32 s3, s5;
	s9 =	simm.s32 @p2 $0x8080  }
0x6a: {  	[tilespmem:s9], [sflag:$0x2] =	stream.linear.gather @p2 [hbm4b:s5+s7], $0x800, $0x38;
	[tilespmem:$0xA080] =	vst v63  }
0x6b: {  	s7 =	simm.s32 @!p2 $0x0;
	s9 =	simm.s32 @!p2 $0x6080  }
0x6c: {  	[tilespmem:s9], [sflag:$0x3] =	stream.linear.gather @!p2 [hbm4b:s6+s7], $0x2000, $0x38;
	[tilespmem:$0xA080] =	vst v63  }
0x6d: {  	s6 =	simm.s32 @!p2 $0x8880  }
0x6e: {  	[tilespmem:s6], [sflag:$0x3] =	stream.linear.gather @!p2 [hbm4b:s5+s7], $0x800, $0x38;
	[tilespmem:$0xA080] =	vst v63  }
0x6f: {  	s1 =	sshll.u32 s1, $0x4;
	s5 =	simm.s32 @!p2 $0x2  }
0x70: {  	s1 =	ssub.s32 s25, s1;
	s5 =	simm.s32 @p2 $0x3  }
0x71: {  	p2 =	slt.s32 s1, $0x1;
	_ =	swait.ge [sflag:s5], $0x2000  }
.Ltmp5:
0x72: {  	[sflag:s5] =	ssyncset.done $0x0;
	(pc) =	sbr.rel @p2 .LBB2_4-.Ltmp5, $4  }
0x73: {  	[sflag:s5] =	ssyncadd.s32 $0xFFFFE000  }
0x74: {  	_ =	swait.ge [sflag:s5], $0x800  }
0x75: {  	[sflag:s5] =	ssyncset.done $0x0  }
0x76: {  	[sflag:s5] =	ssyncadd.s32 $0xFFFFF800  }
0x77: {  	s1 =	simm.s32 $0x1  }
0x78: {  	p2 =	sgt.s32 s28, $0x1;
	s5 =	smov.u32 s28;
	s0 =	sshll.u32 s0, $0xD  }
0x79: {  	s15 =	simm.s32 $0x0;
	s1 =	simm.s32 @!p1 $0x0;
	s5 =	simm.s32 @!p2 $0x1  }
0x7a: {  	s30 =	sshll.u32 s1, $0xD;
	s31 =	smin.u32 s5, $0x10;
	s1 =	simm.s32 $0x0  }
.LBB2_7:
0x7b: {  	s5 =	sshll.u32 s15, $0x9  }
0x7c: {  	s5 =	sadd.s32 s0, s5  }
0x7d: {  	s5 =	sshra.s32 s5, $0x2  }
0x7e: {  	v5 =	vld [tilespmem:s5+$0x8080];
	_ =	sdelay $0x4  }
0x7f: {  	(v2sf) =	vpush v5, $0x0;
	_ =	sdelay $0xe  }
0x80: {  	s16 =	spop (v2sf)  }
0x81: {  	s6 =	sshll.u32 s16, $0x9  }
0x82: {  	s6 =	ssub.s32 s6, s8  }
0x83: {  	s5 =	sand.u32 $0x7, s16;
	s7 =	sshll.u32 s6, $0x2  }
0x84: {  	s9 =	sshll.u32 s30, $0x2;
	s5 =	sshll.u32 s5, $0x9;
	s7 =	sand.u32 $0xFFFFC000, s7  }
0x85: {  	s10 =	sand.u32 $0x7, s1;
	s16 =	sshra.s32 s6, $0x2;
	s5 =	sor.u32 s5, s7  }
0x86: {  	s9 =	sand.u32 $0xFFFFC000, s9;
	s10 =	sshll.u32 s10, $0x9;
	v5 =	vld [tilespmem:s16+$0x9080];
	s5 =	sshra.s32 s5, $0x2  }
0x87: {  	s6 =	sor.u32 s10, s9;
	s5 =	sadd.s32 $0xC0, s5  }
0x88: {  	s6 =	sshrl.u32 s6, $0x2;
	v6 =	vld [tilespmem:s5+$0xFFFFFFC0]  }
0x89: {  	s6 =	sadd.s32 $0x40C0, s6  }
0x8a: {  	v7 =	vld [tilespmem:s6+$0xFFFFFFC0]  }
0x8b: {  	v5 =	vmul.f32 $9.499999880e-01, v5;
	_ =	sdelay $0x1  }
0x8c: {  	v6 =	vmul.f32 v6, v5;
	_ =	sdelay $0x1  }
0x8d: {  	v6 =	vadd.f32 v7, v6  }
0x8e: {  	v7 =	vld [tilespmem:s5+$0xFFFFFFD0]  }
0x8f: {  	[tilespmem:s5+$0xFFFFFFC0] =	vst v6  }
0x90: {  	v8 =	vld [tilespmem:s6+$0xFFFFFFD0];
	_ =	sdelay $0x2  }
0x91: {  	v7 =	vmul.f32 v7, v5;
	_ =	sdelay $0x1  }
0x92: {  	v7 =	vadd.f32 v8, v7  }
0x93: {  	v8 =	vld [tilespmem:s5+$0xFFFFFFE0]  }
0x94: {  	[tilespmem:s5+$0xFFFFFFD0] =	vst v7  }
0x95: {  	v9 =	vld [tilespmem:s6+$0xFFFFFFE0];
	_ =	sdelay $0x2  }
0x96: {  	v8 =	vmul.f32 v8, v5;
	_ =	sdelay $0x1  }
0x97: {  	v8 =	vadd.f32 v9, v8  }
0x98: {  	v9 =	vld [tilespmem:s5+$0xFFFFFFF0]  }
0x99: {  	[tilespmem:s5+$0xFFFFFFE0] =	vst v8  }
0x9a: {  	v10 =	vld [tilespmem:s6+$0xFFFFFFF0];
	_ =	sdelay $0x2  }
0x9b: {  	v9 =	vmul.f32 v9, v5;
	_ =	sdelay $0x1  }
0x9c: {  	v9 =	vadd.f32 v10, v9  }
0x9d: {  	v10 =	vld [tilespmem:s5+$0x0]  }
0x9e: {  	[tilespmem:s5+$0xFFFFFFF0] =	vst v9  }
0x9f: {  	v11 =	vld [tilespmem:s6+$0x0];
	_ =	sdelay $0x2  }
0xa0: {  	v10 =	vmul.f32 v10, v5;
	_ =	sdelay $0x1  }
0xa1: {  	v10 =	vadd.f32 v11, v10  }
0xa2: {  	v11 =	vld [tilespmem:s5+$0x10]  }
0xa3: {  	[tilespmem:s5+$0x0] =	vst v10  }
0xa4: {  	v12 =	vld [tilespmem:s6+$0x10];
	_ =	sdelay $0x2  }
0xa5: {  	v11 =	vmul.f32 v11, v5;
	_ =	sdelay $0x1  }
0xa6: {  	v11 =	vadd.f32 v12, v11  }
0xa7: {  	v12 =	vld [tilespmem:s5+$0x20]  }
0xa8: {  	[tilespmem:s5+$0x10] =	vst v11  }
0xa9: {  	v13 =	vld [tilespmem:s6+$0x20];
	_ =	sdelay $0x1  }
0xaa: {  	v6 =	vmul.f32 v6, v6  }
0xab: {  	v7 =	vmul.f32 v7, v7;
	v12 =	vmul.f32 v12, v5  }
0xac: {  	v16 =	vadd.f32 v6, v14;
	v6 =	vmul.f32 v8, v8  }
0xad: {  	v8 =	vadd.f32 v13, v12;
	v12 =	vadd.f32 v7, v14;
	v7 =	vmul.f32 v9, v9  }
0xae: {  	v15 =	vld [tilespmem:s5+$0x30];
	v9 =	vmul.f32 v10, v10;
	v10 =	vmul.f32 v11, v11  }
0xaf: {  	[tilespmem:s5+$0x20] =	vst v8  }
0xb0: {  	v11 =	vmul.f32 v8, v8;
	v8 =	vadd.f32 v10, v12;
	v10 =	vld [tilespmem:s6+$0x30]  }
0xb1: {  	v13 =	vadd.f32 v6, v14  }
0xb2: {  	v6 =	vadd.f32 v7, v14  }
0xb3: {  	s9 =	simm.s32 $0x0;
	s7 =	smov.u32 s5;
	v7 =	vadd.f32 v9, v16;
	v9 =	vadd.f32 v11, v13;
	v11 =	vmul.f32 v15, v5  }
.LBB2_8:
0xb4: {  	s9 =	sadd.s32 $0x2, s9  }
0xb5: {  	s5 =	sadd.s32 $0x400, s5;
	p2 =	slt.u32 s9, $0x6;
	v10 =	vadd.f32 v10, v11  }
0xb6: {  	v11 =	vld [tilespmem:s5+$0xFFFFFFC0]  }
0xb7: {  	s6 =	sadd.s32 $0x400, s6;
	[tilespmem:s7+$0x30] =	vst v10;
	v10 =	vmul.f32 v10, v10;
	s7 =	smov.u32 s5  }
0xb8: {  	v12 =	vld [tilespmem:s6+$0xFFFFFFC0]  }
0xb9: {  	v6 =	vadd.f32 v10, v6;
	_ =	sdelay $0x1  }
0xba: {  	v10 =	vmul.f32 v11, v5;
	_ =	sdelay $0x1  }
0xbb: {  	v10 =	vadd.f32 v12, v10  }
0xbc: {  	v11 =	vld [tilespmem:s5+$0xFFFFFFD0]  }
0xbd: {  	[tilespmem:s5+$0xFFFFFFC0] =	vst v10;
	v10 =	vmul.f32 v10, v10  }
0xbe: {  	v12 =	vld [tilespmem:s6+$0xFFFFFFD0]  }
0xbf: {  	v7 =	vadd.f32 v10, v7;
	_ =	sdelay $0x1  }
0xc0: {  	v10 =	vmul.f32 v11, v5;
	_ =	sdelay $0x1  }
0xc1: {  	v10 =	vadd.f32 v12, v10  }
0xc2: {  	v11 =	vld [tilespmem:s5+$0xFFFFFFE0]  }
0xc3: {  	[tilespmem:s5+$0xFFFFFFD0] =	vst v10;
	v10 =	vmul.f32 v10, v10  }
0xc4: {  	v12 =	vld [tilespmem:s6+$0xFFFFFFE0]  }
0xc5: {  	v8 =	vadd.f32 v10, v8;
	_ =	sdelay $0x1  }
0xc6: {  	v10 =	vmul.f32 v11, v5;
	_ =	sdelay $0x1  }
0xc7: {  	v10 =	vadd.f32 v12, v10  }
0xc8: {  	v11 =	vld [tilespmem:s5+$0xFFFFFFF0]  }
0xc9: {  	[tilespmem:s5+$0xFFFFFFE0] =	vst v10;
	v10 =	vmul.f32 v10, v10  }
0xca: {  	v12 =	vld [tilespmem:s6+$0xFFFFFFF0]  }
0xcb: {  	v9 =	vadd.f32 v10, v9;
	_ =	sdelay $0x1  }
0xcc: {  	v10 =	vmul.f32 v11, v5;
	_ =	sdelay $0x1  }
0xcd: {  	v10 =	vadd.f32 v12, v10  }
0xce: {  	v11 =	vld [tilespmem:s5+$0x0]  }
0xcf: {  	[tilespmem:s5+$0xFFFFFFF0] =	vst v10;
	v10 =	vmul.f32 v10, v10  }
0xd0: {  	v12 =	vld [tilespmem:s6+$0x0]  }
0xd1: {  	v6 =	vadd.f32 v10, v6;
	_ =	sdelay $0x1  }
0xd2: {  	v10 =	vmul.f32 v11, v5;
	_ =	sdelay $0x1  }
0xd3: {  	v10 =	vadd.f32 v12, v10  }
0xd4: {  	v11 =	vld [tilespmem:s5+$0x10]  }
0xd5: {  	[tilespmem:s5+$0x0] =	vst v10;
	v10 =	vmul.f32 v10, v10  }
0xd6: {  	v12 =	vld [tilespmem:s6+$0x10]  }
0xd7: {  	v7 =	vadd.f32 v10, v7;
	_ =	sdelay $0x1  }
0xd8: {  	v10 =	vmul.f32 v11, v5;
	_ =	sdelay $0x1  }
0xd9: {  	v10 =	vadd.f32 v12, v10  }
0xda: {  	v11 =	vld [tilespmem:s5+$0x20]  }
0xdb: {  	[tilespmem:s5+$0x10] =	vst v10;
	v10 =	vmul.f32 v10, v10  }
0xdc: {  	v12 =	vld [tilespmem:s6+$0x20]  }
0xdd: {  	v8 =	vadd.f32 v10, v8;
	_ =	sdelay $0x1  }
0xde: {  	v10 =	vmul.f32 v11, v5;
	_ =	sdelay $0x1  }
0xdf: {  	v10 =	vadd.f32 v12, v10  }
0xe0: {  	v11 =	vld [tilespmem:s5+$0x30]  }
.Ltmp6:
0xe1: {  	[tilespmem:s5+$0x20] =	vst v10;
	v12 =	vmul.f32 v10, v10;
	(pc) =	sbr.rel @p2 .LBB2_8-.Ltmp6, $3  }
0xe2: {  	v10 =	vld [tilespmem:s6+$0x30]  }
0xe3: {  	v9 =	vadd.f32 v12, v9;
	_ =	sdelay $0x1  }
0xe4: {  	v11 =	vmul.f32 v11, v5  }
0xe5: {  	_ = 	snop  }
0xe6: {  	v5 =	vadd.f32 v10, v11;
	_ =	sdelay $0x1  }
0xe7: {  	v10 =	vmul.f32 v5, v5;
	_ =	sdelay $0x1  }
0xe8: {  	v6 =	vadd.f32 v10, v6;
	_ =	sdelay $0x1  }
0xe9: {  	v7 =	vadd.f32 v8, v7;
	v6 =	vadd.f32 v6, v9;
	_ =	sdelay $0x1  }
0xea: {  	v6 =	vadd.f32 v6, v7;
	_ =	sdelay $0x1  }
0xeb: {  	v7 =	vperm.xlane v6, v0;
	_ =	sdelay $0x1  }
0xec: {  	v6 =	vadd.f32 v7, v6;
	_ =	sdelay $0x1  }
0xed: {  	v7 =	vperm.xlane v6, v1;
	_ =	sdelay $0x1  }
0xee: {  	v6 =	vadd.f32 v7, v6;
	_ =	sdelay $0x1  }
0xef: {  	v7 =	vperm.xlane v6, v2;
	_ =	sdelay $0x1  }
0xf0: {  	v6 =	vadd.f32 v7, v6;
	_ =	sdelay $0x1  }
0xf1: {  	v7 =	vperm.xlane v6, v4;
	_ =	sdelay $0x1  }
0xf2: {  	v6 =	vadd.f32 v7, v6;
	_ =	sdelay $0x1  }
0xf3: {  	v7 =	vshra.s32 v6, $0x1;
	v6 =	vmul.f32 $5.000000000e-01, v6  }
0xf4: {  	v7 =	vsub.s32 $0x5F3759DF, v7  }
0xf5: {  	v63 =	vmul.f32 v7, v6;
	_ =	sdelay $0x1  }
0xf6: {  	v8 =	vmul.f32 v7, v63;
	_ =	sdelay $0x1  }
0xf7: {  	v8 =	vsub.f32 $1.500000000e+00, v8;
	_ =	sdelay $0x1  }
0xf8: {  	v7 =	vmul.f32 v7, v8;
	_ =	sdelay $0x1  }
0xf9: {  	v8 =	vmul.f32 v7, v6;
	_ =	sdelay $0x1  }
0xfa: {  	v8 =	vmul.f32 v8, v7;
	_ =	sdelay $0x1  }
0xfb: {  	v8 =	vsub.f32 $1.500000000e+00, v8;
	_ =	sdelay $0x1  }
0xfc: {  	v7 =	vmul.f32 v8, v7;
	_ =	sdelay $0x1  }
0xfd: {  	v6 =	vmul.f32 v7, v6;
	_ =	sdelay $0x1  }
0xfe: {  	v6 =	vmul.f32 v6, v7  }
0xff: {  	s15 =	sadd.s32 $0x1, s15  }
0x100: {  	p2 =	seq.s32 s15, s31;
	v6 =	vsub.f32 $1.500000000e+00, v6  }
.Ltmp7:
0x101: {  	_ = 	snop;
	(pc) =	sbr.rel @!p2 .LBB2_7-.Ltmp7, $4  }
.Ltmp8:
0x102: {  	v6 =	vmul.f32 v6, v7;
	(pc) =	sbr.rel @p2 .LBB2_4-.Ltmp8, $4  }
0x103: {  	_ = 	snop  }
0x104: {  	[tilespmem:s7+$0x30] =	vst v5;
	v5 =	vmin.f32 v6, $9.999999950e+11  }
0x105: {  	s30 =	sadd.s32 $0x200, s30;
	s1 =	sadd.s32 $0x1, s1;
	[tilespmem:s16+$0x9080] =	vst v5  }
0x106: {  	_ = 	snop  }
.LBB2_3:
0x107: {  	_ =	sfence.sel $0x180000  }
0x108: {  	[bflag:$0x0] =	sbarrier.arrive $0xFFFF  }
0x109: {  	_ =	strace $0x90000047  }
0x10a: {  	s0 =	stileid.u32;
	[bflag:$0x2] =	sbarrier.arrive $0xFFFF  }
0x10b: {  	p0 =	sne.s32 s0, $0x0;
	s0 =	rddreg [dreg:$0x2]  }
0x10c: {  	s0 =	sadd.s32 @!p0 $0x100000, s0  }
0x10d: {  	[sflag:s0] =	ssyncadd.tile.s32 @!p0 $0x1;
	_ =	shalt  }
.Lfunc_end2:
_tile_overlayer_lowered:
.L_overlay_start_2:
0x10e: {  	(tag) =	ssettag $0x2  }
0x10f: {  	s0 =	rddreg [dreg:$0x0];
	s2 =	stileid.u32  }
0x110: {  	s1 =	rddreg [dreg:$0x1];
	p0 =	sne.s32 s2, $0x0  }
0x111: {  	s3 =	rddreg [dreg:$0x2];
	[bflag:$0x3] =	sbarrier.arrive $0xFFFF;
	s2 =	simm.s32 @!p0 $0x1C04  }
0x112: {  	[timem:s3], [sflag:s2] =	dma.local @!p0 [hbm:s0], s1  }
0x113: {  	s0 =	simm.s32 @!p0 $0x4  }
0x114: {  	_ =	swait.ge @!p0 [sflag:s0], s1  }
0x115: {  	s1 =	ssub.s32 @!p0 $0x0, s1;
	[sflag:s0] =	ssyncset.done @!p0 $0x0  }
0x116: {  	[sflag:s0] =	ssyncadd.s32 @!p0 s1  }
0x117: {  	[bflag:$0x3] =	sbarrier.arrive $0xFFFF  }
0x118: {  	_ =	shalt  }

</sc_bundles>
